<compile_context>
chip_gen: v7x
topology: tpu7x:2x2x1
jax: 0.10.2.dev20260603
libtpu: 0.0.44.dev20260713+nightly
codegen_flags: <defaults>
</compile_context>

<pallas_src>
import functools

import jax
import jax.numpy as jnp
from jax.experimental import pallas as pl
from jax.experimental.pallas import tpu as pltpu

B = 512
KW = 11


def _w_math(pos_c, sq_col, sq_row, crossm2, r2_val, a, b):
    d2 = jnp.maximum((sq_col + sq_row) + crossm2, 1e-12)
    row_ids = a * B + jax.lax.broadcasted_iota(jnp.int32, (B, B), 0)
    col_ids = b * B + jax.lax.broadcasted_iota(jnp.int32, (B, B), 1)
    mask = (d2 <= r2_val) & (row_ids != col_ids)
    return jnp.where(mask, jax.lax.rsqrt(d2), 0.0)


def _w_from_blk(pos_c, sq_col, gblk, r2_val, a, b):
    crossm2 = jnp.dot(pos_c, gblk[0:2, :], preferred_element_type=jnp.float32)
    return _w_math(pos_c, sq_col, gblk[2:3, :], crossm2, r2_val, a, b)


def _w_dyn(pos_c, sq_col, geomT_ref, r2_val, a, b):
    gblk = geomT_ref[:, pl.ds(b * B, B)]
    return _w_from_blk(pos_c, sq_col, gblk, r2_val, a, b)


def _sq_col(pos_c):
    px = pos_c[:, 0:1]
    py = pos_c[:, 1:2]
    return px * px + py * py


def _deg_kernel(nb1, s_ref, *refs):
    gblks = refs[:KW]
    geomT_ref, pos_c_ref, x_ref, W1_ref, r2_ref, dinv_ref, M1_ref = refs[KW:]
    a = pl.program_id(0)
    lo = s_ref[a]
    hi = s_ref[nb1 + a]
    r2 = r2_ref[0:1, 0:1]
    pos_c = pos_c_ref[...]
    sq_col = _sq_col(pos_c)
    acc = jnp.zeros((B, 1), jnp.float32)
    for k in range(KW):
        b = jnp.minimum(lo + k, nb1 - 1)
        w = _w_from_blk(pos_c, sq_col, gblks[k][...], r2, a, b)
        acc = acc + jnp.sum(w, axis=1, keepdims=True)

    def _ov(b, y):
        w = _w_dyn(pos_c, sq_col, geomT_ref, r2, a, b)
        return y + jnp.sum(w, axis=1, keepdims=True)

    acc = jax.lax.fori_loop(lo + KW, hi + 1, _ov, acc)
    deg = acc + 1.0
    dinv = jax.lax.rsqrt(deg)
    dinv_ref[...] = jnp.broadcast_to(dinv, (B, 8))
    xw = jnp.dot(x_ref[...], W1_ref[...], preferred_element_type=jnp.float32)
    M1_ref[...] = dinv * xw


def _agg_kernel(nb1, relu_next, s_ref, *refs):
    gblks = refs[:KW]
    mblks = refs[KW:2 * KW]
    (geomT_ref, pos_c_ref, M_ref, ma_ref, dinv_ref, Wn_ref, bias_ref,
     r2_ref, out_ref) = refs[2 * KW:]
    a = pl.program_id(0)
    lo = s_ref[a]
    hi = s_ref[nb1 + a]
    r2 = r2_ref[0:1, 0:1]
    pos_c = pos_c_ref[...]
    sq_col = _sq_col(pos_c)
    y = ma_ref[...]
    for k in range(KW):
        b = jnp.minimum(lo + k, nb1 - 1)
        w = _w_from_blk(pos_c, sq_col, gblks[k][...], r2, a, b)
        y = y + jnp.dot(w, mblks[k][...], preferred_element_type=jnp.float32)

    def _ov(b, yy):
        w = _w_dyn(pos_c, sq_col, geomT_ref, r2, a, b)
        return yy + jnp.dot(w, M_ref[pl.ds(b * B, B), :],
                            preferred_element_type=jnp.float32)

    y = jax.lax.fori_loop(lo + KW, hi + 1, _ov, y)
    dinv = dinv_ref[:, 0:1]
    y = dinv * y + bias_ref[0:1, :]
    if relu_next:
        h = jax.nn.relu(y)
        out_ref[...] = dinv * jnp.dot(h, Wn_ref[...],
                                      preferred_element_type=jnp.float32)
    else:
        out_ref[...] = y


def kernel(x, pos, r, W1, b1, W2, b2):
    n, feat = x.shape
    h1 = W1.shape[1]
    h2 = W2.shape[1]
    nb = -(-n // B)
    nb1 = nb + 1
    np_ = nb1 * B

    perm = jnp.argsort(pos[:, 1])
    pos_s = pos[perm]
    x_s = x[perm]

    pad = np_ - n
    fill = 1e5 + 1e3 * jnp.arange(pad, dtype=jnp.float32)
    pos_p = jnp.concatenate([pos_s, jnp.stack([fill, fill], axis=1)], axis=0)
    x_p = jnp.concatenate([x_s, jnp.zeros((pad, feat), x.dtype)], axis=0)
    sq_p = jnp.sum(pos_p * pos_p, axis=1)
    geomT = jnp.concatenate([-2.0 * pos_p.T, sq_p[None, :],
                             jnp.zeros((5, np_), jnp.float32)], axis=0)
    r_f = jnp.asarray(r, jnp.float32)
    r2_b = jnp.full((1, 128), r_f * r_f, jnp.float32)
    b1_2 = b1.reshape(1, h1)
    b2_2 = b2.reshape(1, h2)

    valid = (jnp.arange(np_) < n).reshape(nb1, B)
    yb = pos_p[:, 1].reshape(nb1, B)
    xb = pos_p[:, 0].reshape(nb1, B)
    ymin = jnp.min(jnp.where(valid, yb, 1e9), axis=1)
    ymax = jnp.max(jnp.where(valid, yb, -1e9), axis=1)
    mx = jnp.max(jnp.where(valid, jnp.abs(xb), 0.0), axis=1)
    my = jnp.max(jnp.where(valid, jnp.abs(yb), 0.0), axis=1)
    err = ((mx[:, None] * mx[None, :] + my[:, None] * my[None, :])
           * (1.2 / 64.0) + 0.01)
    reach = jnp.sqrt(r_f * r_f + err)
    act = ((ymin[None, :] <= ymax[:, None] + reach)
           & (ymax[None, :] >= ymin[:, None] - reach))
    idx = jnp.arange(nb1, dtype=jnp.int32)
    lo = jnp.min(jnp.where(act, idx[None, :], nb1), axis=1)
    hi = jnp.max(jnp.where(act, idx[None, :], -1), axis=1)
    scal = jnp.concatenate([lo, hi])

    full = lambda shape: pl.BlockSpec(shape, lambda a, s: (0, 0))
    rowblk = lambda w: pl.BlockSpec((B, w), lambda a, s: (a, 0))

    def slotg(k):
        return pl.BlockSpec(
            (8, B), lambda a, s, k=k: (0, jnp.minimum(s[a] + k, nb1 - 1)))

    def slotm(k, w):
        return pl.BlockSpec(
            (B, w), lambda a, s, k=k: (jnp.minimum(s[a] + k, nb1 - 1), 0))

    gslots = [slotg(k) for k in range(KW)]

    dinv, M1 = pl.pallas_call(
        functools.partial(_deg_kernel, nb1),
        grid_spec=pltpu.PrefetchScalarGridSpec(
            num_scalar_prefetch=1,
            grid=(nb1,),
            in_specs=gslots + [full((8, np_)), rowblk(2), rowblk(feat),
                               full((feat, h1)), full((1, 128))],
            out_specs=[rowblk(8), rowblk(h1)],
        ),
        out_shape=[jax.ShapeDtypeStruct((np_, 8), jnp.float32),
                   jax.ShapeDtypeStruct((np_, h1), jnp.float32)],
    )(scal, *([geomT] * KW), geomT, pos_p, x_p, W1, r2_b)

    M2 = pl.pallas_call(
        functools.partial(_agg_kernel, nb1, True),
        grid_spec=pltpu.PrefetchScalarGridSpec(
            num_scalar_prefetch=1,
            grid=(nb1,),
            in_specs=(gslots + [slotm(k, h1) for k in range(KW)]
                      + [full((8, np_)), rowblk(2), full((np_, h1)),
                         rowblk(h1), rowblk(8), full((h1, h2)),
                         full((1, h1)), full((1, 128))]),
            out_specs=rowblk(h2),
        ),
        out_shape=jax.ShapeDtypeStruct((np_, h2), jnp.float32),
    )(scal, *([geomT] * KW), *([M1] * KW), geomT, pos_p, M1, M1, dinv,
      W2, b1_2, r2_b)

    out_s = pl.pallas_call(
        functools.partial(_agg_kernel, nb1, False),
        grid_spec=pltpu.PrefetchScalarGridSpec(
            num_scalar_prefetch=1,
            grid=(nb1,),
            in_specs=(gslots + [slotm(k, h2) for k in range(KW)]
                      + [full((8, np_)), rowblk(2), full((np_, h2)),
                         rowblk(h2), rowblk(8), full((h1, h2)),
                         full((1, h2)), full((1, 128))]),
            out_specs=rowblk(h2),
        ),
        out_shape=jax.ShapeDtypeStruct((np_, h2), jnp.float32),
    )(scal, *([geomT] * KW), *([M2] * KW), geomT, pos_p, M2, M2, dinv,
      W2, b2_2, r2_b)

    inv = jnp.zeros((n,), jnp.int32).at[perm].set(
        jnp.arange(n, dtype=jnp.int32))
    return out_s[:n][inv]

# --- scband reference (transcript-rebuilt; emitter-appended) ---
"""Pipeline reference for scband-swarm-gnn-14680198218006 (READ-ONLY COPY).

The authoritative reference and input builder live on the scoring server;
editing this copy changes nothing except your own understanding.
"""

import jax, jax.numpy as jnp
import numpy as np

N = 10000
FEAT = 128
H1 = 16
H2 = 8


def setup_inputs(seed: int = 0):
    key = jax.random.key(seed)
    k1, k2, k3, k4 = jax.random.split(key, 4)
    x = jax.random.normal(k1, (N, FEAT), dtype=jnp.float32)
    # pos: uniform positions; scaled to a 32x32 box so that radius r=1 gives avg degree ~32
    pos = jax.random.uniform(k2, (N, 2), dtype=jnp.float32) * 32.0
    W1 = jax.random.normal(k3, (FEAT, H1), dtype=jnp.float32) * (1.0 / np.sqrt(FEAT))
    b1 = jnp.zeros((H1,), dtype=jnp.float32)
    W2 = jax.random.normal(k4, (H1, H2), dtype=jnp.float32) * (1.0 / np.sqrt(H1))
    b2 = jnp.zeros((H2,), dtype=jnp.float32)
    return {"x": x, "pos": pos, "r": 1, "W1": W1, "b1": b1, "W2": W2, "b2": b2}


def _gcn_layer(An, x, W, b):
    # GCNConv: out = D^{-1/2} (A + I) D^{-1/2} (X W) + b  (An is precomputed normalized adj)
    return An @ (x @ W) + b


def reference(x, pos, r, W1, b1, W2, b2):
    n = x.shape[0]
    # radius_graph(pos, r, loop=False), dense formulation
    sq = jnp.sum(pos * pos, axis=1)
    d2 = sq[:, None] + sq[None, :] - 2.0 * (pos @ pos.T)
    d2 = jnp.maximum(d2, 1e-12)
    dist = jnp.sqrt(d2)
    diag = jnp.eye(n, dtype=bool)
    mask = (dist <= jnp.float32(r)) & (~diag)
    # edge_weight = 1 / (dist + 1e-6)
    A = jnp.where(mask, 1.0 / (dist + 1e-06), 0.0)
    # GCN normalization with added self-loops (weight 1.0)
    A_hat = A + jnp.eye(n, dtype=A.dtype)
    deg = jnp.sum(A_hat, axis=1)
    dinv = jnp.where(deg > 0, 1.0 / jnp.sqrt(deg), 0.0)
    An = dinv[:, None] * A_hat * dinv[None, :]
    h = _gcn_layer(An, x, W1, b1)
    h = jax.nn.relu(h)
    out = _gcn_layer(An, h, W2, b2)
    return out

if __name__ == "__main__":
    import jax
    _d = setup_inputs()
    print(jax.jit(kernel)(*tuple(_d.values())))

</pallas_src>

<mosaic_0001>
module attributes {stable_mosaic.version = 14 : i64} {
  func.func @_deg_kernel(%arg0: i32, %arg1: memref<42xi32, #tpu.memory_space<smem>>, %arg2: memref<8x512xf32, #tpu.memory_space<vmem>>, %arg3: memref<8x512xf32, #tpu.memory_space<vmem>>, %arg4: memref<8x512xf32, #tpu.memory_space<vmem>>, %arg5: memref<8x512xf32, #tpu.memory_space<vmem>>, %arg6: memref<8x512xf32, #tpu.memory_space<vmem>>, %arg7: memref<8x512xf32, #tpu.memory_space<vmem>>, %arg8: memref<8x512xf32, #tpu.memory_space<vmem>>, %arg9: memref<8x512xf32, #tpu.memory_space<vmem>>, %arg10: memref<8x512xf32, #tpu.memory_space<vmem>>, %arg11: memref<8x512xf32, #tpu.memory_space<vmem>>, %arg12: memref<8x512xf32, #tpu.memory_space<vmem>>, %arg13: memref<8x10752xf32, #tpu.memory_space<vmem>>, %arg14: memref<512x2xf32, #tpu.memory_space<vmem>>, %arg15: memref<512x128xf32, #tpu.memory_space<vmem>>, %arg16: memref<128x16xf32, #tpu.memory_space<vmem>>, %arg17: memref<1x128xf32, #tpu.memory_space<vmem>>, %arg18: memref<512x8xf32, #tpu.memory_space<vmem>>, %arg19: memref<512x16xf32, #tpu.memory_space<vmem>>) attributes {dimension_semantics = [#tpu.dimension_semantics<arbitrary>], iteration_bounds = array<i64: 21>, scalar_prefetch = 1 : i64, scratch_operands = 0 : i64, tpu.core_type = #tpu.core_type<tc>, window_params = [{transform_indices = @transform_0, window_bounds = array<i64: 8, 512>}, {transform_indices = @transform_1, window_bounds = array<i64: 8, 512>}, {transform_indices = @transform_2, window_bounds = array<i64: 8, 512>}, {transform_indices = @transform_3, window_bounds = array<i64: 8, 512>}, {transform_indices = @transform_4, window_bounds = array<i64: 8, 512>}, {transform_indices = @transform_5, window_bounds = array<i64: 8, 512>}, {transform_indices = @transform_6, window_bounds = array<i64: 8, 512>}, {transform_indices = @transform_7, window_bounds = array<i64: 8, 512>}, {transform_indices = @transform_8, window_bounds = array<i64: 8, 512>}, {transform_indices = @transform_9, window_bounds = array<i64: 8, 512>}, {transform_indices = @transform_10, window_bounds = array<i64: 8, 512>}, {pipeline_mode = #tpu.pipeline_mode<synchronous>, transform_indices = @transform_11, window_bounds = array<i64: 8, 10752>}, {transform_indices = @transform_12, window_bounds = array<i64: 512, 2>}, {transform_indices = @transform_13, window_bounds = array<i64: 512, 128>}, {pipeline_mode = #tpu.pipeline_mode<synchronous>, transform_indices = @transform_14, window_bounds = array<i64: 128, 16>}, {pipeline_mode = #tpu.pipeline_mode<synchronous>, transform_indices = @transform_15, window_bounds = array<i64: 1, 128>}, {transform_indices = @transform_16, window_bounds = array<i64: 512, 8>}, {transform_indices = @transform_17, window_bounds = array<i64: 512, 16>}]} {
    %get3A = arith.index_cast %arg0 : i32 to index
    %get3A_0 = memref.load %arg1[%get3A] : memref<42xi32, #tpu.memory_space<smem>>
    %add3A = arith.constant 21 : i32
    %add3A_1 = arith.addi %add3A, %arg0 : i32
    %get3A_2 = arith.index_cast %add3A_1 : i32 to index
    %get3A_3 = memref.load %arg1[%get3A_2] : memref<42xi32, #tpu.memory_space<smem>>
    %get3A_4 = arith.constant 0 : index
    %get3A_5 = arith.constant 0 : index
    %get3A_6 = vector.load %arg17[%get3A_4, %get3A_5] : memref<1x128xf32, #tpu.memory_space<vmem>>, vector<1x1xf32>
    %get3A_7 = arith.constant 0 : index
    %get3A_8 = arith.constant 0 : index
    %get3A_9 = vector.load %arg14[%get3A_7, %get3A_8] : memref<512x2xf32, #tpu.memory_space<vmem>>, vector<512x2xf32>
    %slice3A = vector.extract_strided_slice %get3A_9 {offsets = [0, 0], sizes = [512, 1], strides = [1, 1]} : vector<512x2xf32> to vector<512x1xf32>
    %slice3A_10 = vector.extract_strided_slice %get3A_9 {offsets = [0, 1], sizes = [512, 1], strides = [1, 1]} : vector<512x2xf32> to vector<512x1xf32>
    %mul3A = arith.mulf %slice3A, %slice3A : vector<512x1xf32>
    %mul3A_11 = arith.mulf %slice3A_10, %slice3A_10 : vector<512x1xf32>
    %add3A_12 = arith.addf %mul3A, %mul3A_11 : vector<512x1xf32>
    %broadcast_in_dim3A = arith.constant 0.000000e+00 : f32
    %broadcast_in_dim3A_13 = vector.broadcast %broadcast_in_dim3A : f32 to vector<512x1xf32>
    %add3A_14 = arith.constant 0 : i32
    %add3A_15 = arith.addi %get3A_0, %add3A_14 : i32
    %min3A = arith.constant 20 : i32
    %min3A_16 = arith.minsi %add3A_15, %min3A : i32
    %get3A_17 = arith.constant 0 : index
    %get3A_18 = arith.constant 0 : index
    %get3A_19 = vector.load %arg2[%get3A_17, %get3A_18] : memref<8x512xf32, #tpu.memory_space<vmem>>, vector<8x512xf32>
    %slice3A_20 = vector.extract_strided_slice %get3A_19 {offsets = [0, 0], sizes = [2, 512], strides = [1, 1]} : vector<8x512xf32> to vector<2x512xf32>
    %dot_general3A = arith.constant dense<0.000000e+00> : vector<512x512xf32>
    %dot_general3A_21 = tpu.matmul %get3A_9, %slice3A_20, %dot_general3A {dimension_numbers = #tpu.dot_dimension_numbers<[1], [0], [0], [1], [0, 0, 1, 1], [], []>, transpose_lhs_hint = false} : vector<512x2xf32>, vector<2x512xf32>, vector<512x512xf32> -> vector<512x512xf32>
    %slice3A_22 = vector.extract_strided_slice %get3A_19 {offsets = [2, 0], sizes = [1, 512], strides = [1, 1]} : vector<8x512xf32> to vector<1x512xf32>
    %add3A_23 = vector.broadcast %add3A_12 : vector<512x1xf32> to vector<512x512xf32>
    %add3A_24 = vector.broadcast %slice3A_22 : vector<1x512xf32> to vector<512x512xf32>
    %add3A_25 = arith.addf %add3A_23, %add3A_24 : vector<512x512xf32>
    %add3A_26 = arith.addf %add3A_25, %dot_general3A_21 : vector<512x512xf32>
    %max3A = arith.constant 9.99999996E-13 : f32
    %max3A_27 = vector.broadcast %max3A : f32 to vector<512x512xf32>
    %max3A_28 = arith.maximumf %add3A_26, %max3A_27 : vector<512x512xf32>
    %mul3A_29 = arith.constant 512 : i32
    %mul3A_30 = arith.muli %arg0, %mul3A_29 : i32
    %iota3A = tpu.iota {dimensions = array<i32: 0>} : vector<512x512xi32>
    %add3A_31 = vector.broadcast %mul3A_30 : i32 to vector<512x512xi32>
    %add3A_32 = arith.addi %add3A_31, %iota3A : vector<512x512xi32>
    %mul3A_33 = arith.constant 512 : i32
    %mul3A_34 = arith.muli %min3A_16, %mul3A_33 : i32
    %iota3A_35 = tpu.iota {dimensions = array<i32: 1>} : vector<512x512xi32>
    %add3A_36 = vector.broadcast %mul3A_34 : i32 to vector<512x512xi32>
    %add3A_37 = arith.addi %add3A_36, %iota3A_35 : vector<512x512xi32>
    %le3A = vector.broadcast %get3A_6 : vector<1x1xf32> to vector<512x512xf32>
    %le3A_38 = arith.cmpf ole, %max3A_28, %le3A : vector<512x512xf32>
    %ne3A = arith.cmpi ne, %add3A_32, %add3A_37 : vector<512x512xi32>
    %and3A = arith.andi %le3A_38, %ne3A : vector<512x512xi1>
    %rsqrt3A = math.rsqrt %max3A_28 : vector<512x512xf32>
    %jit3A = arith.constant 0.000000e+00 : f32
    %broadcast_in_dim3A_39 = vector.broadcast %jit3A : f32 to vector<512x512xf32>
    %select_n3A = arith.select %and3A, %rsqrt3A, %broadcast_in_dim3A_39 : vector<512x512xi1>, vector<512x512xf32>
    %reduce_sum3A = arith.constant dense<0.000000e+00> : vector<512xf32>
    %reduce_sum3A_40 = vector.multi_reduction <add>, %select_n3A, %reduce_sum3A [1] : vector<512x512xf32> to vector<512xf32>
    %broadcast_in_dim3A_41 = vector.shape_cast %reduce_sum3A_40 : vector<512xf32> to vector<512x1xf32>
    %add3A_42 = arith.addf %broadcast_in_dim3A_13, %broadcast_in_dim3A_41 : vector<512x1xf32>
    %add3A_43 = arith.constant 1 : i32
    %add3A_44 = arith.addi %get3A_0, %add3A_43 : i32
    %min3A_45 = arith.constant 20 : i32
    %min3A_46 = arith.minsi %add3A_44, %min3A_45 : i32
    %get3A_47 = arith.constant 0 : index
    %get3A_48 = arith.constant 0 : index
    %get3A_49 = vector.load %arg3[%get3A_47, %get3A_48] : memref<8x512xf32, #tpu.memory_space<vmem>>, vector<8x512xf32>
    %slice3A_50 = vector.extract_strided_slice %get3A_49 {offsets = [0, 0], sizes = [2, 512], strides = [1, 1]} : vector<8x512xf32> to vector<2x512xf32>
    %dot_general3A_51 = arith.constant dense<0.000000e+00> : vector<512x512xf32>
    %dot_general3A_52 = tpu.matmul %get3A_9, %slice3A_50, %dot_general3A_51 {dimension_numbers = #tpu.dot_dimension_numbers<[1], [0], [0], [1], [0, 0, 1, 1], [], []>, transpose_lhs_hint = false} : vector<512x2xf32>, vector<2x512xf32>, vector<512x512xf32> -> vector<512x512xf32>
    %slice3A_53 = vector.extract_strided_slice %get3A_49 {offsets = [2, 0], sizes = [1, 512], strides = [1, 1]} : vector<8x512xf32> to vector<1x512xf32>
    %add3A_54 = vector.broadcast %add3A_12 : vector<512x1xf32> to vector<512x512xf32>
    %add3A_55 = vector.broadcast %slice3A_53 : vector<1x512xf32> to vector<512x512xf32>
    %add3A_56 = arith.addf %add3A_54, %add3A_55 : vector<512x512xf32>
    %add3A_57 = arith.addf %add3A_56, %dot_general3A_52 : vector<512x512xf32>
    %max3A_58 = arith.constant 9.99999996E-13 : f32
    %max3A_59 = vector.broadcast %max3A_58 : f32 to vector<512x512xf32>
    %max3A_60 = arith.maximumf %add3A_57, %max3A_59 : vector<512x512xf32>
    %mul3A_61 = arith.constant 512 : i32
    %mul3A_62 = arith.muli %arg0, %mul3A_61 : i32
    %iota3A_63 = tpu.iota {dimensions = array<i32: 0>} : vector<512x512xi32>
    %add3A_64 = vector.broadcast %mul3A_62 : i32 to vector<512x512xi32>
    %add3A_65 = arith.addi %add3A_64, %iota3A_63 : vector<512x512xi32>
    %mul3A_66 = arith.constant 512 : i32
    %mul3A_67 = arith.muli %min3A_46, %mul3A_66 : i32
    %iota3A_68 = tpu.iota {dimensions = array<i32: 1>} : vector<512x512xi32>
    %add3A_69 = vector.broadcast %mul3A_67 : i32 to vector<512x512xi32>
    %add3A_70 = arith.addi %add3A_69, %iota3A_68 : vector<512x512xi32>
    %le3A_71 = vector.broadcast %get3A_6 : vector<1x1xf32> to vector<512x512xf32>
    %le3A_72 = arith.cmpf ole, %max3A_60, %le3A_71 : vector<512x512xf32>
    %ne3A_73 = arith.cmpi ne, %add3A_65, %add3A_70 : vector<512x512xi32>
    %and3A_74 = arith.andi %le3A_72, %ne3A_73 : vector<512x512xi1>
    %rsqrt3A_75 = math.rsqrt %max3A_60 : vector<512x512xf32>
    %jit3A_76 = arith.constant 0.000000e+00 : f32
    %broadcast_in_dim3A_77 = vector.broadcast %jit3A_76 : f32 to vector<512x512xf32>
    %select_n3A_78 = arith.select %and3A_74, %rsqrt3A_75, %broadcast_in_dim3A_77 : vector<512x512xi1>, vector<512x512xf32>
    %reduce_sum3A_79 = arith.constant dense<0.000000e+00> : vector<512xf32>
    %reduce_sum3A_80 = vector.multi_reduction <add>, %select_n3A_78, %reduce_sum3A_79 [1] : vector<512x512xf32> to vector<512xf32>
    %broadcast_in_dim3A_81 = vector.shape_cast %reduce_sum3A_80 : vector<512xf32> to vector<512x1xf32>
    %add3A_82 = arith.addf %add3A_42, %broadcast_in_dim3A_81 : vector<512x1xf32>
    %add3A_83 = arith.constant 2 : i32
    %add3A_84 = arith.addi %get3A_0, %add3A_83 : i32
    %min3A_85 = arith.constant 20 : i32
    %min3A_86 = arith.minsi %add3A_84, %min3A_85 : i32
    %get3A_87 = arith.constant 0 : index
    %get3A_88 = arith.constant 0 : index
    %get3A_89 = vector.load %arg4[%get3A_87, %get3A_88] : memref<8x512xf32, #tpu.memory_space<vmem>>, vector<8x512xf32>
    %slice3A_90 = vector.extract_strided_slice %get3A_89 {offsets = [0, 0], sizes = [2, 512], strides = [1, 1]} : vector<8x512xf32> to vector<2x512xf32>
    %dot_general3A_91 = arith.constant dense<0.000000e+00> : vector<512x512xf32>
    %dot_general3A_92 = tpu.matmul %get3A_9, %slice3A_90, %dot_general3A_91 {dimension_numbers = #tpu.dot_dimension_numbers<[1], [0], [0], [1], [0, 0, 1, 1], [], []>, transpose_lhs_hint = false} : vector<512x2xf32>, vector<2x512xf32>, vector<512x512xf32> -> vector<512x512xf32>
    %slice3A_93 = vector.extract_strided_slice %get3A_89 {offsets = [2, 0], sizes = [1, 512], strides = [1, 1]} : vector<8x512xf32> to vector<1x512xf32>
    %add3A_94 = vector.broadcast %add3A_12 : vector<512x1xf32> to vector<512x512xf32>
    %add3A_95 = vector.broadcast %slice3A_93 : vector<1x512xf32> to vector<512x512xf32>
    %add3A_96 = arith.addf %add3A_94, %add3A_95 : vector<512x512xf32>
    %add3A_97 = arith.addf %add3A_96, %dot_general3A_92 : vector<512x512xf32>
    %max3A_98 = arith.constant 9.99999996E-13 : f32
    %max3A_99 = vector.broadcast %max3A_98 : f32 to vector<512x512xf32>
    %max3A_100 = arith.maximumf %add3A_97, %max3A_99 : vector<512x512xf32>
    %mul3A_101 = arith.constant 512 : i32
    %mul3A_102 = arith.muli %arg0, %mul3A_101 : i32
    %iota3A_103 = tpu.iota {dimensions = array<i32: 0>} : vector<512x512xi32>
    %add3A_104 = vector.broadcast %mul3A_102 : i32 to vector<512x512xi32>
    %add3A_105 = arith.addi %add3A_104, %iota3A_103 : vector<512x512xi32>
    %mul3A_106 = arith.constant 512 : i32
    %mul3A_107 = arith.muli %min3A_86, %mul3A_106 : i32
    %iota3A_108 = tpu.iota {dimensions = array<i32: 1>} : vector<512x512xi32>
    %add3A_109 = vector.broadcast %mul3A_107 : i32 to vector<512x512xi32>
    %add3A_110 = arith.addi %add3A_109, %iota3A_108 : vector<512x512xi32>
    %le3A_111 = vector.broadcast %get3A_6 : vector<1x1xf32> to vector<512x512xf32>
    %le3A_112 = arith.cmpf ole, %max3A_100, %le3A_111 : vector<512x512xf32>
    %ne3A_113 = arith.cmpi ne, %add3A_105, %add3A_110 : vector<512x512xi32>
    %and3A_114 = arith.andi %le3A_112, %ne3A_113 : vector<512x512xi1>
    %rsqrt3A_115 = math.rsqrt %max3A_100 : vector<512x512xf32>
    %jit3A_116 = arith.constant 0.000000e+00 : f32
    %broadcast_in_dim3A_117 = vector.broadcast %jit3A_116 : f32 to vector<512x512xf32>
    %select_n3A_118 = arith.select %and3A_114, %rsqrt3A_115, %broadcast_in_dim3A_117 : vector<512x512xi1>, vector<512x512xf32>
    %reduce_sum3A_119 = arith.constant dense<0.000000e+00> : vector<512xf32>
    %reduce_sum3A_120 = vector.multi_reduction <add>, %select_n3A_118, %reduce_sum3A_119 [1] : vector<512x512xf32> to vector<512xf32>
    %broadcast_in_dim3A_121 = vector.shape_cast %reduce_sum3A_120 : vector<512xf32> to vector<512x1xf32>
    %add3A_122 = arith.addf %add3A_82, %broadcast_in_dim3A_121 : vector<512x1xf32>
    %add3A_123 = arith.constant 3 : i32
    %add3A_124 = arith.addi %get3A_0, %add3A_123 : i32
    %min3A_125 = arith.constant 20 : i32
    %min3A_126 = arith.minsi %add3A_124, %min3A_125 : i32
    %get3A_127 = arith.constant 0 : index
    %get3A_128 = arith.constant 0 : index
    %get3A_129 = vector.load %arg5[%get3A_127, %get3A_128] : memref<8x512xf32, #tpu.memory_space<vmem>>, vector<8x512xf32>
    %slice3A_130 = vector.extract_strided_slice %get3A_129 {offsets = [0, 0], sizes = [2, 512], strides = [1, 1]} : vector<8x512xf32> to vector<2x512xf32>
    %dot_general3A_131 = arith.constant dense<0.000000e+00> : vector<512x512xf32>
    %dot_general3A_132 = tpu.matmul %get3A_9, %slice3A_130, %dot_general3A_131 {dimension_numbers = #tpu.dot_dimension_numbers<[1], [0], [0], [1], [0, 0, 1, 1], [], []>, transpose_lhs_hint = false} : vector<512x2xf32>, vector<2x512xf32>, vector<512x512xf32> -> vector<512x512xf32>
    %slice3A_133 = vector.extract_strided_slice %get3A_129 {offsets = [2, 0], sizes = [1, 512], strides = [1, 1]} : vector<8x512xf32> to vector<1x512xf32>
    %add3A_134 = vector.broadcast %add3A_12 : vector<512x1xf32> to vector<512x512xf32>
    %add3A_135 = vector.broadcast %slice3A_133 : vector<1x512xf32> to vector<512x512xf32>
    %add3A_136 = arith.addf %add3A_134, %add3A_135 : vector<512x512xf32>
    %add3A_137 = arith.addf %add3A_136, %dot_general3A_132 : vector<512x512xf32>
    %max3A_138 = arith.constant 9.99999996E-13 : f32
    %max3A_139 = vector.broadcast %max3A_138 : f32 to vector<512x512xf32>
    %max3A_140 = arith.maximumf %add3A_137, %max3A_139 : vector<512x512xf32>
    %mul3A_141 = arith.constant 512 : i32
    %mul3A_142 = arith.muli %arg0, %mul3A_141 : i32
    %iota3A_143 = tpu.iota {dimensions = array<i32: 0>} : vector<512x512xi32>
    %add3A_144 = vector.broadcast %mul3A_142 : i32 to vector<512x512xi32>
    %add3A_145 = arith.addi %add3A_144, %iota3A_143 : vector<512x512xi32>
    %mul3A_146 = arith.constant 512 : i32
    %mul3A_147 = arith.muli %min3A_126, %mul3A_146 : i32
    %iota3A_148 = tpu.iota {dimensions = array<i32: 1>} : vector<512x512xi32>
    %add3A_149 = vector.broadcast %mul3A_147 : i32 to vector<512x512xi32>
    %add3A_150 = arith.addi %add3A_149, %iota3A_148 : vector<512x512xi32>
    %le3A_151 = vector.broadcast %get3A_6 : vector<1x1xf32> to vector<512x512xf32>
    %le3A_152 = arith.cmpf ole, %max3A_140, %le3A_151 : vector<512x512xf32>
    %ne3A_153 = arith.cmpi ne, %add3A_145, %add3A_150 : vector<512x512xi32>
    %and3A_154 = arith.andi %le3A_152, %ne3A_153 : vector<512x512xi1>
    %rsqrt3A_155 = math.rsqrt %max3A_140 : vector<512x512xf32>
    %jit3A_156 = arith.constant 0.000000e+00 : f32
    %broadcast_in_dim3A_157 = vector.broadcast %jit3A_156 : f32 to vector<512x512xf32>
    %select_n3A_158 = arith.select %and3A_154, %rsqrt3A_155, %broadcast_in_dim3A_157 : vector<512x512xi1>, vector<512x512xf32>
    %reduce_sum3A_159 = arith.constant dense<0.000000e+00> : vector<512xf32>
    %reduce_sum3A_160 = vector.multi_reduction <add>, %select_n3A_158, %reduce_sum3A_159 [1] : vector<512x512xf32> to vector<512xf32>
    %broadcast_in_dim3A_161 = vector.shape_cast %reduce_sum3A_160 : vector<512xf32> to vector<512x1xf32>
    %add3A_162 = arith.addf %add3A_122, %broadcast_in_dim3A_161 : vector<512x1xf32>
    %add3A_163 = arith.constant 4 : i32
    %add3A_164 = arith.addi %get3A_0, %add3A_163 : i32
    %min3A_165 = arith.constant 20 : i32
    %min3A_166 = arith.minsi %add3A_164, %min3A_165 : i32
    %get3A_167 = arith.constant 0 : index
    %get3A_168 = arith.constant 0 : index
    %get3A_169 = vector.load %arg6[%get3A_167, %get3A_168] : memref<8x512xf32, #tpu.memory_space<vmem>>, vector<8x512xf32>
    %slice3A_170 = vector.extract_strided_slice %get3A_169 {offsets = [0, 0], sizes = [2, 512], strides = [1, 1]} : vector<8x512xf32> to vector<2x512xf32>
    %dot_general3A_171 = arith.constant dense<0.000000e+00> : vector<512x512xf32>
    %dot_general3A_172 = tpu.matmul %get3A_9, %slice3A_170, %dot_general3A_171 {dimension_numbers = #tpu.dot_dimension_numbers<[1], [0], [0], [1], [0, 0, 1, 1], [], []>, transpose_lhs_hint = false} : vector<512x2xf32>, vector<2x512xf32>, vector<512x512xf32> -> vector<512x512xf32>
    %slice3A_173 = vector.extract_strided_slice %get3A_169 {offsets = [2, 0], sizes = [1, 512], strides = [1, 1]} : vector<8x512xf32> to vector<1x512xf32>
    %add3A_174 = vector.broadcast %add3A_12 : vector<512x1xf32> to vector<512x512xf32>
    %add3A_175 = vector.broadcast %slice3A_173 : vector<1x512xf32> to vector<512x512xf32>
    %add3A_176 = arith.addf %add3A_174, %add3A_175 : vector<512x512xf32>
    %add3A_177 = arith.addf %add3A_176, %dot_general3A_172 : vector<512x512xf32>
    %max3A_178 = arith.constant 9.99999996E-13 : f32
    %max3A_179 = vector.broadcast %max3A_178 : f32 to vector<512x512xf32>
    %max3A_180 = arith.maximumf %add3A_177, %max3A_179 : vector<512x512xf32>
    %mul3A_181 = arith.constant 512 : i32
    %mul3A_182 = arith.muli %arg0, %mul3A_181 : i32
    %iota3A_183 = tpu.iota {dimensions = array<i32: 0>} : vector<512x512xi32>
    %add3A_184 = vector.broadcast %mul3A_182 : i32 to vector<512x512xi32>
    %add3A_185 = arith.addi %add3A_184, %iota3A_183 : vector<512x512xi32>
    %mul3A_186 = arith.constant 512 : i32
    %mul3A_187 = arith.muli %min3A_166, %mul3A_186 : i32
    %iota3A_188 = tpu.iota {dimensions = array<i32: 1>} : vector<512x512xi32>
    %add3A_189 = vector.broadcast %mul3A_187 : i32 to vector<512x512xi32>
    %add3A_190 = arith.addi %add3A_189, %iota3A_188 : vector<512x512xi32>
    %le3A_191 = vector.broadcast %get3A_6 : vector<1x1xf32> to vector<512x512xf32>
    %le3A_192 = arith.cmpf ole, %max3A_180, %le3A_191 : vector<512x512xf32>
    %ne3A_193 = arith.cmpi ne, %add3A_185, %add3A_190 : vector<512x512xi32>
    %and3A_194 = arith.andi %le3A_192, %ne3A_193 : vector<512x512xi1>
    %rsqrt3A_195 = math.rsqrt %max3A_180 : vector<512x512xf32>
    %jit3A_196 = arith.constant 0.000000e+00 : f32
    %broadcast_in_dim3A_197 = vector.broadcast %jit3A_196 : f32 to vector<512x512xf32>
    %select_n3A_198 = arith.select %and3A_194, %rsqrt3A_195, %broadcast_in_dim3A_197 : vector<512x512xi1>, vector<512x512xf32>
    %reduce_sum3A_199 = arith.constant dense<0.000000e+00> : vector<512xf32>
    %reduce_sum3A_200 = vector.multi_reduction <add>, %select_n3A_198, %reduce_sum3A_199 [1] : vector<512x512xf32> to vector<512xf32>
    %broadcast_in_dim3A_201 = vector.shape_cast %reduce_sum3A_200 : vector<512xf32> to vector<512x1xf32>
    %add3A_202 = arith.addf %add3A_162, %broadcast_in_dim3A_201 : vector<512x1xf32>
    %add3A_203 = arith.constant 5 : i32
    %add3A_204 = arith.addi %get3A_0, %add3A_203 : i32
    %min3A_205 = arith.constant 20 : i32
    %min3A_206 = arith.minsi %add3A_204, %min3A_205 : i32
    %get3A_207 = arith.constant 0 : index
    %get3A_208 = arith.constant 0 : index
    %get3A_209 = vector.load %arg7[%get3A_207, %get3A_208] : memref<8x512xf32, #tpu.memory_space<vmem>>, vector<8x512xf32>
    %slice3A_210 = vector.extract_strided_slice %get3A_209 {offsets = [0, 0], sizes = [2, 512], strides = [1, 1]} : vector<8x512xf32> to vector<2x512xf32>
    %dot_general3A_211 = arith.constant dense<0.000000e+00> : vector<512x512xf32>
    %dot_general3A_212 = tpu.matmul %get3A_9, %slice3A_210, %dot_general3A_211 {dimension_numbers = #tpu.dot_dimension_numbers<[1], [0], [0], [1], [0, 0, 1, 1], [], []>, transpose_lhs_hint = false} : vector<512x2xf32>, vector<2x512xf32>, vector<512x512xf32> -> vector<512x512xf32>
    %slice3A_213 = vector.extract_strided_slice %get3A_209 {offsets = [2, 0], sizes = [1, 512], strides = [1, 1]} : vector<8x512xf32> to vector<1x512xf32>
    %add3A_214 = vector.broadcast %add3A_12 : vector<512x1xf32> to vector<512x512xf32>
    %add3A_215 = vector.broadcast %slice3A_213 : vector<1x512xf32> to vector<512x512xf32>
    %add3A_216 = arith.addf %add3A_214, %add3A_215 : vector<512x512xf32>
    %add3A_217 = arith.addf %add3A_216, %dot_general3A_212 : vector<512x512xf32>
    %max3A_218 = arith.constant 9.99999996E-13 : f32
    %max3A_219 = vector.broadcast %max3A_218 : f32 to vector<512x512xf32>
    %max3A_220 = arith.maximumf %add3A_217, %max3A_219 : vector<512x512xf32>
    %mul3A_221 = arith.constant 512 : i32
    %mul3A_222 = arith.muli %arg0, %mul3A_221 : i32
    %iota3A_223 = tpu.iota {dimensions = array<i32: 0>} : vector<512x512xi32>
    %add3A_224 = vector.broadcast %mul3A_222 : i32 to vector<512x512xi32>
    %add3A_225 = arith.addi %add3A_224, %iota3A_223 : vector<512x512xi32>
    %mul3A_226 = arith.constant 512 : i32
    %mul3A_227 = arith.muli %min3A_206, %mul3A_226 : i32
    %iota3A_228 = tpu.iota {dimensions = array<i32: 1>} : vector<512x512xi32>
    %add3A_229 = vector.broadcast %mul3A_227 : i32 to vector<512x512xi32>
    %add3A_230 = arith.addi %add3A_229, %iota3A_228 : vector<512x512xi32>
    %le3A_231 = vector.broadcast %get3A_6 : vector<1x1xf32> to vector<512x512xf32>
    %le3A_232 = arith.cmpf ole, %max3A_220, %le3A_231 : vector<512x512xf32>
    %ne3A_233 = arith.cmpi ne, %add3A_225, %add3A_230 : vector<512x512xi32>
    %and3A_234 = arith.andi %le3A_232, %ne3A_233 : vector<512x512xi1>
    %rsqrt3A_235 = math.rsqrt %max3A_220 : vector<512x512xf32>
    %jit3A_236 = arith.constant 0.000000e+00 : f32
    %broadcast_in_dim3A_237 = vector.broadcast %jit3A_236 : f32 to vector<512x512xf32>
    %select_n3A_238 = arith.select %and3A_234, %rsqrt3A_235, %broadcast_in_dim3A_237 : vector<512x512xi1>, vector<512x512xf32>
    %reduce_sum3A_239 = arith.constant dense<0.000000e+00> : vector<512xf32>
    %reduce_sum3A_240 = vector.multi_reduction <add>, %select_n3A_238, %reduce_sum3A_239 [1] : vector<512x512xf32> to vector<512xf32>
    %broadcast_in_dim3A_241 = vector.shape_cast %reduce_sum3A_240 : vector<512xf32> to vector<512x1xf32>
    %add3A_242 = arith.addf %add3A_202, %broadcast_in_dim3A_241 : vector<512x1xf32>
    %add3A_243 = arith.constant 6 : i32
    %add3A_244 = arith.addi %get3A_0, %add3A_243 : i32
    %min3A_245 = arith.constant 20 : i32
    %min3A_246 = arith.minsi %add3A_244, %min3A_245 : i32
    %get3A_247 = arith.constant 0 : index
    %get3A_248 = arith.constant 0 : index
    %get3A_249 = vector.load %arg8[%get3A_247, %get3A_248] : memref<8x512xf32, #tpu.memory_space<vmem>>, vector<8x512xf32>
    %slice3A_250 = vector.extract_strided_slice %get3A_249 {offsets = [0, 0], sizes = [2, 512], strides = [1, 1]} : vector<8x512xf32> to vector<2x512xf32>
    %dot_general3A_251 = arith.constant dense<0.000000e+00> : vector<512x512xf32>
    %dot_general3A_252 = tpu.matmul %get3A_9, %slice3A_250, %dot_general3A_251 {dimension_numbers = #tpu.dot_dimension_numbers<[1], [0], [0], [1], [0, 0, 1, 1], [], []>, transpose_lhs_hint = false} : vector<512x2xf32>, vector<2x512xf32>, vector<512x512xf32> -> vector<512x512xf32>
    %slice3A_253 = vector.extract_strided_slice %get3A_249 {offsets = [2, 0], sizes = [1, 512], strides = [1, 1]} : vector<8x512xf32> to vector<1x512xf32>
    %add3A_254 = vector.broadcast %add3A_12 : vector<512x1xf32> to vector<512x512xf32>
    %add3A_255 = vector.broadcast %slice3A_253 : vector<1x512xf32> to vector<512x512xf32>
    %add3A_256 = arith.addf %add3A_254, %add3A_255 : vector<512x512xf32>
    %add3A_257 = arith.addf %add3A_256, %dot_general3A_252 : vector<512x512xf32>
    %max3A_258 = arith.constant 9.99999996E-13 : f32
    %max3A_259 = vector.broadcast %max3A_258 : f32 to vector<512x512xf32>
    %max3A_260 = arith.maximumf %add3A_257, %max3A_259 : vector<512x512xf32>
    %mul3A_261 = arith.constant 512 : i32
    %mul3A_262 = arith.muli %arg0, %mul3A_261 : i32
    %iota3A_263 = tpu.iota {dimensions = array<i32: 0>} : vector<512x512xi32>
    %add3A_264 = vector.broadcast %mul3A_262 : i32 to vector<512x512xi32>
    %add3A_265 = arith.addi %add3A_264, %iota3A_263 : vector<512x512xi32>
    %mul3A_266 = arith.constant 512 : i32
    %mul3A_267 = arith.muli %min3A_246, %mul3A_266 : i32
    %iota3A_268 = tpu.iota {dimensions = array<i32: 1>} : vector<512x512xi32>
    %add3A_269 = vector.broadcast %mul3A_267 : i32 to vector<512x512xi32>
    %add3A_270 = arith.addi %add3A_269, %iota3A_268 : vector<512x512xi32>
    %le3A_271 = vector.broadcast %get3A_6 : vector<1x1xf32> to vector<512x512xf32>
    %le3A_272 = arith.cmpf ole, %max3A_260, %le3A_271 : vector<512x512xf32>
    %ne3A_273 = arith.cmpi ne, %add3A_265, %add3A_270 : vector<512x512xi32>
    %and3A_274 = arith.andi %le3A_272, %ne3A_273 : vector<512x512xi1>
    %rsqrt3A_275 = math.rsqrt %max3A_260 : vector<512x512xf32>
    %jit3A_276 = arith.constant 0.000000e+00 : f32
    %broadcast_in_dim3A_277 = vector.broadcast %jit3A_276 : f32 to vector<512x512xf32>
    %select_n3A_278 = arith.select %and3A_274, %rsqrt3A_275, %broadcast_in_dim3A_277 : vector<512x512xi1>, vector<512x512xf32>
    %reduce_sum3A_279 = arith.constant dense<0.000000e+00> : vector<512xf32>
    %reduce_sum3A_280 = vector.multi_reduction <add>, %select_n3A_278, %reduce_sum3A_279 [1] : vector<512x512xf32> to vector<512xf32>
    %broadcast_in_dim3A_281 = vector.shape_cast %reduce_sum3A_280 : vector<512xf32> to vector<512x1xf32>
    %add3A_282 = arith.addf %add3A_242, %broadcast_in_dim3A_281 : vector<512x1xf32>
    %add3A_283 = arith.constant 7 : i32
    %add3A_284 = arith.addi %get3A_0, %add3A_283 : i32
    %min3A_285 = arith.constant 20 : i32
    %min3A_286 = arith.minsi %add3A_284, %min3A_285 : i32
    %get3A_287 = arith.constant 0 : index
    %get3A_288 = arith.constant 0 : index
    %get3A_289 = vector.load %arg9[%get3A_287, %get3A_288] : memref<8x512xf32, #tpu.memory_space<vmem>>, vector<8x512xf32>
    %slice3A_290 = vector.extract_strided_slice %get3A_289 {offsets = [0, 0], sizes = [2, 512], strides = [1, 1]} : vector<8x512xf32> to vector<2x512xf32>
    %dot_general3A_291 = arith.constant dense<0.000000e+00> : vector<512x512xf32>
    %dot_general3A_292 = tpu.matmul %get3A_9, %slice3A_290, %dot_general3A_291 {dimension_numbers = #tpu.dot_dimension_numbers<[1], [0], [0], [1], [0, 0, 1, 1], [], []>, transpose_lhs_hint = false} : vector<512x2xf32>, vector<2x512xf32>, vector<512x512xf32> -> vector<512x512xf32>
    %slice3A_293 = vector.extract_strided_slice %get3A_289 {offsets = [2, 0], sizes = [1, 512], strides = [1, 1]} : vector<8x512xf32> to vector<1x512xf32>
    %add3A_294 = vector.broadcast %add3A_12 : vector<512x1xf32> to vector<512x512xf32>
    %add3A_295 = vector.broadcast %slice3A_293 : vector<1x512xf32> to vector<512x512xf32>
    %add3A_296 = arith.addf %add3A_294, %add3A_295 : vector<512x512xf32>
    %add3A_297 = arith.addf %add3A_296, %dot_general3A_292 : vector<512x512xf32>
    %max3A_298 = arith.constant 9.99999996E-13 : f32
    %max3A_299 = vector.broadcast %max3A_298 : f32 to vector<512x512xf32>
    %max3A_300 = arith.maximumf %add3A_297, %max3A_299 : vector<512x512xf32>
    %mul3A_301 = arith.constant 512 : i32
    %mul3A_302 = arith.muli %arg0, %mul3A_301 : i32
    %iota3A_303 = tpu.iota {dimensions = array<i32: 0>} : vector<512x512xi32>
    %add3A_304 = vector.broadcast %mul3A_302 : i32 to vector<512x512xi32>
    %add3A_305 = arith.addi %add3A_304, %iota3A_303 : vector<512x512xi32>
    %mul3A_306 = arith.constant 512 : i32
    %mul3A_307 = arith.muli %min3A_286, %mul3A_306 : i32
    %iota3A_308 = tpu.iota {dimensions = array<i32: 1>} : vector<512x512xi32>
    %add3A_309 = vector.broadcast %mul3A_307 : i32 to vector<512x512xi32>
    %add3A_310 = arith.addi %add3A_309, %iota3A_308 : vector<512x512xi32>
    %le3A_311 = vector.broadcast %get3A_6 : vector<1x1xf32> to vector<512x512xf32>
    %le3A_312 = arith.cmpf ole, %max3A_300, %le3A_311 : vector<512x512xf32>
    %ne3A_313 = arith.cmpi ne, %add3A_305, %add3A_310 : vector<512x512xi32>
    %and3A_314 = arith.andi %le3A_312, %ne3A_313 : vector<512x512xi1>
    %rsqrt3A_315 = math.rsqrt %max3A_300 : vector<512x512xf32>
    %jit3A_316 = arith.constant 0.000000e+00 : f32
    %broadcast_in_dim3A_317 = vector.broadcast %jit3A_316 : f32 to vector<512x512xf32>
    %select_n3A_318 = arith.select %and3A_314, %rsqrt3A_315, %broadcast_in_dim3A_317 : vector<512x512xi1>, vector<512x512xf32>
    %reduce_sum3A_319 = arith.constant dense<0.000000e+00> : vector<512xf32>
    %reduce_sum3A_320 = vector.multi_reduction <add>, %select_n3A_318, %reduce_sum3A_319 [1] : vector<512x512xf32> to vector<512xf32>
    %broadcast_in_dim3A_321 = vector.shape_cast %reduce_sum3A_320 : vector<512xf32> to vector<512x1xf32>
    %add3A_322 = arith.addf %add3A_282, %broadcast_in_dim3A_321 : vector<512x1xf32>
    %add3A_323 = arith.constant 8 : i32
    %add3A_324 = arith.addi %get3A_0, %add3A_323 : i32
    %min3A_325 = arith.constant 20 : i32
    %min3A_326 = arith.minsi %add3A_324, %min3A_325 : i32
    %get3A_327 = arith.constant 0 : index
    %get3A_328 = arith.constant 0 : index
    %get3A_329 = vector.load %arg10[%get3A_327, %get3A_328] : memref<8x512xf32, #tpu.memory_space<vmem>>, vector<8x512xf32>
    %slice3A_330 = vector.extract_strided_slice %get3A_329 {offsets = [0, 0], sizes = [2, 512], strides = [1, 1]} : vector<8x512xf32> to vector<2x512xf32>
    %dot_general3A_331 = arith.constant dense<0.000000e+00> : vector<512x512xf32>
    %dot_general3A_332 = tpu.matmul %get3A_9, %slice3A_330, %dot_general3A_331 {dimension_numbers = #tpu.dot_dimension_numbers<[1], [0], [0], [1], [0, 0, 1, 1], [], []>, transpose_lhs_hint = false} : vector<512x2xf32>, vector<2x512xf32>, vector<512x512xf32> -> vector<512x512xf32>
    %slice3A_333 = vector.extract_strided_slice %get3A_329 {offsets = [2, 0], sizes = [1, 512], strides = [1, 1]} : vector<8x512xf32> to vector<1x512xf32>
    %add3A_334 = vector.broadcast %add3A_12 : vector<512x1xf32> to vector<512x512xf32>
    %add3A_335 = vector.broadcast %slice3A_333 : vector<1x512xf32> to vector<512x512xf32>
    %add3A_336 = arith.addf %add3A_334, %add3A_335 : vector<512x512xf32>
    %add3A_337 = arith.addf %add3A_336, %dot_general3A_332 : vector<512x512xf32>
    %max3A_338 = arith.constant 9.99999996E-13 : f32
    %max3A_339 = vector.broadcast %max3A_338 : f32 to vector<512x512xf32>
    %max3A_340 = arith.maximumf %add3A_337, %max3A_339 : vector<512x512xf32>
    %mul3A_341 = arith.constant 512 : i32
    %mul3A_342 = arith.muli %arg0, %mul3A_341 : i32
    %iota3A_343 = tpu.iota {dimensions = array<i32: 0>} : vector<512x512xi32>
    %add3A_344 = vector.broadcast %mul3A_342 : i32 to vector<512x512xi32>
    %add3A_345 = arith.addi %add3A_344, %iota3A_343 : vector<512x512xi32>
    %mul3A_346 = arith.constant 512 : i32
    %mul3A_347 = arith.muli %min3A_326, %mul3A_346 : i32
    %iota3A_348 = tpu.iota {dimensions = array<i32: 1>} : vector<512x512xi32>
    %add3A_349 = vector.broadcast %mul3A_347 : i32 to vector<512x512xi32>
    %add3A_350 = arith.addi %add3A_349, %iota3A_348 : vector<512x512xi32>
    %le3A_351 = vector.broadcast %get3A_6 : vector<1x1xf32> to vector<512x512xf32>
    %le3A_352 = arith.cmpf ole, %max3A_340, %le3A_351 : vector<512x512xf32>
    %ne3A_353 = arith.cmpi ne, %add3A_345, %add3A_350 : vector<512x512xi32>
    %and3A_354 = arith.andi %le3A_352, %ne3A_353 : vector<512x512xi1>
    %rsqrt3A_355 = math.rsqrt %max3A_340 : vector<512x512xf32>
    %jit3A_356 = arith.constant 0.000000e+00 : f32
    %broadcast_in_dim3A_357 = vector.broadcast %jit3A_356 : f32 to vector<512x512xf32>
    %select_n3A_358 = arith.select %and3A_354, %rsqrt3A_355, %broadcast_in_dim3A_357 : vector<512x512xi1>, vector<512x512xf32>
    %reduce_sum3A_359 = arith.constant dense<0.000000e+00> : vector<512xf32>
    %reduce_sum3A_360 = vector.multi_reduction <add>, %select_n3A_358, %reduce_sum3A_359 [1] : vector<512x512xf32> to vector<512xf32>
    %broadcast_in_dim3A_361 = vector.shape_cast %reduce_sum3A_360 : vector<512xf32> to vector<512x1xf32>
    %add3A_362 = arith.addf %add3A_322, %broadcast_in_dim3A_361 : vector<512x1xf32>
    %add3A_363 = arith.constant 9 : i32
    %add3A_364 = arith.addi %get3A_0, %add3A_363 : i32
    %min3A_365 = arith.constant 20 : i32
    %min3A_366 = arith.minsi %add3A_364, %min3A_365 : i32
    %get3A_367 = arith.constant 0 : index
    %get3A_368 = arith.constant 0 : index
    %get3A_369 = vector.load %arg11[%get3A_367, %get3A_368] : memref<8x512xf32, #tpu.memory_space<vmem>>, vector<8x512xf32>
    %slice3A_370 = vector.extract_strided_slice %get3A_369 {offsets = [0, 0], sizes = [2, 512], strides = [1, 1]} : vector<8x512xf32> to vector<2x512xf32>
    %dot_general3A_371 = arith.constant dense<0.000000e+00> : vector<512x512xf32>
    %dot_general3A_372 = tpu.matmul %get3A_9, %slice3A_370, %dot_general3A_371 {dimension_numbers = #tpu.dot_dimension_numbers<[1], [0], [0], [1], [0, 0, 1, 1], [], []>, transpose_lhs_hint = false} : vector<512x2xf32>, vector<2x512xf32>, vector<512x512xf32> -> vector<512x512xf32>
    %slice3A_373 = vector.extract_strided_slice %get3A_369 {offsets = [2, 0], sizes = [1, 512], strides = [1, 1]} : vector<8x512xf32> to vector<1x512xf32>
    %add3A_374 = vector.broadcast %add3A_12 : vector<512x1xf32> to vector<512x512xf32>
    %add3A_375 = vector.broadcast %slice3A_373 : vector<1x512xf32> to vector<512x512xf32>
    %add3A_376 = arith.addf %add3A_374, %add3A_375 : vector<512x512xf32>
    %add3A_377 = arith.addf %add3A_376, %dot_general3A_372 : vector<512x512xf32>
    %max3A_378 = arith.constant 9.99999996E-13 : f32
    %max3A_379 = vector.broadcast %max3A_378 : f32 to vector<512x512xf32>
    %max3A_380 = arith.maximumf %add3A_377, %max3A_379 : vector<512x512xf32>
    %mul3A_381 = arith.constant 512 : i32
    %mul3A_382 = arith.muli %arg0, %mul3A_381 : i32
    %iota3A_383 = tpu.iota {dimensions = array<i32: 0>} : vector<512x512xi32>
    %add3A_384 = vector.broadcast %mul3A_382 : i32 to vector<512x512xi32>
    %add3A_385 = arith.addi %add3A_384, %iota3A_383 : vector<512x512xi32>
    %mul3A_386 = arith.constant 512 : i32
    %mul3A_387 = arith.muli %min3A_366, %mul3A_386 : i32
    %iota3A_388 = tpu.iota {dimensions = array<i32: 1>} : vector<512x512xi32>
    %add3A_389 = vector.broadcast %mul3A_387 : i32 to vector<512x512xi32>
    %add3A_390 = arith.addi %add3A_389, %iota3A_388 : vector<512x512xi32>
    %le3A_391 = vector.broadcast %get3A_6 : vector<1x1xf32> to vector<512x512xf32>
    %le3A_392 = arith.cmpf ole, %max3A_380, %le3A_391 : vector<512x512xf32>
    %ne3A_393 = arith.cmpi ne, %add3A_385, %add3A_390 : vector<512x512xi32>
    %and3A_394 = arith.andi %le3A_392, %ne3A_393 : vector<512x512xi1>
    %rsqrt3A_395 = math.rsqrt %max3A_380 : vector<512x512xf32>
    %jit3A_396 = arith.constant 0.000000e+00 : f32
    %broadcast_in_dim3A_397 = vector.broadcast %jit3A_396 : f32 to vector<512x512xf32>
    %select_n3A_398 = arith.select %and3A_394, %rsqrt3A_395, %broadcast_in_dim3A_397 : vector<512x512xi1>, vector<512x512xf32>
    %reduce_sum3A_399 = arith.constant dense<0.000000e+00> : vector<512xf32>
    %reduce_sum3A_400 = vector.multi_reduction <add>, %select_n3A_398, %reduce_sum3A_399 [1] : vector<512x512xf32> to vector<512xf32>
    %broadcast_in_dim3A_401 = vector.shape_cast %reduce_sum3A_400 : vector<512xf32> to vector<512x1xf32>
    %add3A_402 = arith.addf %add3A_362, %broadcast_in_dim3A_401 : vector<512x1xf32>
    %add3A_403 = arith.constant 10 : i32
    %add3A_404 = arith.addi %get3A_0, %add3A_403 : i32
    %min3A_405 = arith.constant 20 : i32
    %min3A_406 = arith.minsi %add3A_404, %min3A_405 : i32
    %get3A_407 = arith.constant 0 : index
    %get3A_408 = arith.constant 0 : index
    %get3A_409 = vector.load %arg12[%get3A_407, %get3A_408] : memref<8x512xf32, #tpu.memory_space<vmem>>, vector<8x512xf32>
    %slice3A_410 = vector.extract_strided_slice %get3A_409 {offsets = [0, 0], sizes = [2, 512], strides = [1, 1]} : vector<8x512xf32> to vector<2x512xf32>
    %dot_general3A_411 = arith.constant dense<0.000000e+00> : vector<512x512xf32>
    %dot_general3A_412 = tpu.matmul %get3A_9, %slice3A_410, %dot_general3A_411 {dimension_numbers = #tpu.dot_dimension_numbers<[1], [0], [0], [1], [0, 0, 1, 1], [], []>, transpose_lhs_hint = false} : vector<512x2xf32>, vector<2x512xf32>, vector<512x512xf32> -> vector<512x512xf32>
    %slice3A_413 = vector.extract_strided_slice %get3A_409 {offsets = [2, 0], sizes = [1, 512], strides = [1, 1]} : vector<8x512xf32> to vector<1x512xf32>
    %add3A_414 = vector.broadcast %add3A_12 : vector<512x1xf32> to vector<512x512xf32>
    %add3A_415 = vector.broadcast %slice3A_413 : vector<1x512xf32> to vector<512x512xf32>
    %add3A_416 = arith.addf %add3A_414, %add3A_415 : vector<512x512xf32>
    %add3A_417 = arith.addf %add3A_416, %dot_general3A_412 : vector<512x512xf32>
    %max3A_418 = arith.constant 9.99999996E-13 : f32
    %max3A_419 = vector.broadcast %max3A_418 : f32 to vector<512x512xf32>
    %max3A_420 = arith.maximumf %add3A_417, %max3A_419 : vector<512x512xf32>
    %mul3A_421 = arith.constant 512 : i32
    %mul3A_422 = arith.muli %arg0, %mul3A_421 : i32
    %iota3A_423 = tpu.iota {dimensions = array<i32: 0>} : vector<512x512xi32>
    %add3A_424 = vector.broadcast %mul3A_422 : i32 to vector<512x512xi32>
    %add3A_425 = arith.addi %add3A_424, %iota3A_423 : vector<512x512xi32>
    %mul3A_426 = arith.constant 512 : i32
    %mul3A_427 = arith.muli %min3A_406, %mul3A_426 : i32
    %iota3A_428 = tpu.iota {dimensions = array<i32: 1>} : vector<512x512xi32>
    %add3A_429 = vector.broadcast %mul3A_427 : i32 to vector<512x512xi32>
    %add3A_430 = arith.addi %add3A_429, %iota3A_428 : vector<512x512xi32>
    %le3A_431 = vector.broadcast %get3A_6 : vector<1x1xf32> to vector<512x512xf32>
    %le3A_432 = arith.cmpf ole, %max3A_420, %le3A_431 : vector<512x512xf32>
    %ne3A_433 = arith.cmpi ne, %add3A_425, %add3A_430 : vector<512x512xi32>
    %and3A_434 = arith.andi %le3A_432, %ne3A_433 : vector<512x512xi1>
    %rsqrt3A_435 = math.rsqrt %max3A_420 : vector<512x512xf32>
    %jit3A_436 = arith.constant 0.000000e+00 : f32
    %broadcast_in_dim3A_437 = vector.broadcast %jit3A_436 : f32 to vector<512x512xf32>
    %select_n3A_438 = arith.select %and3A_434, %rsqrt3A_435, %broadcast_in_dim3A_437 : vector<512x512xi1>, vector<512x512xf32>
    %reduce_sum3A_439 = arith.constant dense<0.000000e+00> : vector<512xf32>
    %reduce_sum3A_440 = vector.multi_reduction <add>, %select_n3A_438, %reduce_sum3A_439 [1] : vector<512x512xf32> to vector<512xf32>
    %broadcast_in_dim3A_441 = vector.shape_cast %reduce_sum3A_440 : vector<512xf32> to vector<512x1xf32>
    %add3A_442 = arith.addf %add3A_402, %broadcast_in_dim3A_441 : vector<512x1xf32>
    %add3A_443 = arith.constant 11 : i32
    %add3A_444 = arith.addi %get3A_0, %add3A_443 : i32
    %add3A_445 = arith.constant 1 : i32
    %add3A_446 = arith.addi %get3A_3, %add3A_445 : i32
    %while3A = arith.subi %add3A_446, %add3A_444 : i32
    %while3A_447 = arith.addi %add3A_444, %while3A : i32
    %while3A_448 = arith.constant 1 : i32
    %while3A_449 = arith.divsi %while3A, %while3A_448 : i32
    %while3A_450 = arith.muli %while3A_449, %while3A_448 : i32
    %while3A_451 = arith.addi %add3A_444, %while3A_450 : i32
    %while3A_452 = arith.constant 1 : i32
    %while3A_453 = scf.for %while3A_477 = %add3A_444 to %while3A_451 step %while3A_452 iter_args(%while3A_478 = %add3A_442) -> (vector<512x1xf32>)  : i32 {
      %mul3A_479 = arith.constant 512 : i32
      %mul3A_480 = arith.muli %while3A_477, %mul3A_479 : i32
      %get3A_481 = arith.constant 0 : index
      %get3A_482 = arith.index_cast %mul3A_480 : i32 to index
      %get3A_483 = vector.load %arg13[%get3A_481, %get3A_482] : memref<8x10752xf32, #tpu.memory_space<vmem>>, vector<8x512xf32>
      %slice3A_484 = vector.extract_strided_slice %get3A_483 {offsets = [0, 0], sizes = [2, 512], strides = [1, 1]} : vector<8x512xf32> to vector<2x512xf32>
      %dot_general3A_485 = arith.constant dense<0.000000e+00> : vector<512x512xf32>
      %dot_general3A_486 = tpu.matmul %get3A_9, %slice3A_484, %dot_general3A_485 {dimension_numbers = #tpu.dot_dimension_numbers<[1], [0], [0], [1], [0, 0, 1, 1], [], []>, transpose_lhs_hint = false} : vector<512x2xf32>, vector<2x512xf32>, vector<512x512xf32> -> vector<512x512xf32>
      %slice3A_487 = vector.extract_strided_slice %get3A_483 {offsets = [2, 0], sizes = [1, 512], strides = [1, 1]} : vector<8x512xf32> to vector<1x512xf32>
      %add3A_488 = vector.broadcast %add3A_12 : vector<512x1xf32> to vector<512x512xf32>
      %add3A_489 = vector.broadcast %slice3A_487 : vector<1x512xf32> to vector<512x512xf32>
      %add3A_490 = arith.addf %add3A_488, %add3A_489 : vector<512x512xf32>
      %add3A_491 = arith.addf %add3A_490, %dot_general3A_486 : vector<512x512xf32>
      %max3A_492 = arith.constant 9.99999996E-13 : f32
      %max3A_493 = vector.broadcast %max3A_492 : f32 to vector<512x512xf32>
      %max3A_494 = arith.maximumf %add3A_491, %max3A_493 : vector<512x512xf32>
      %mul3A_495 = arith.constant 512 : i32
      %mul3A_496 = arith.muli %arg0, %mul3A_495 : i32
      %iota3A_497 = tpu.iota {dimensions = array<i32: 0>} : vector<512x512xi32>
      %add3A_498 = vector.broadcast %mul3A_496 : i32 to vector<512x512xi32>
      %add3A_499 = arith.addi %add3A_498, %iota3A_497 : vector<512x512xi32>
      %mul3A_500 = arith.constant 512 : i32
      %mul3A_501 = arith.muli %while3A_477, %mul3A_500 : i32
      %iota3A_502 = tpu.iota {dimensions = array<i32: 1>} : vector<512x512xi32>
      %add3A_503 = vector.broadcast %mul3A_501 : i32 to vector<512x512xi32>
      %add3A_504 = arith.addi %add3A_503, %iota3A_502 : vector<512x512xi32>
      %le3A_505 = vector.broadcast %get3A_6 : vector<1x1xf32> to vector<512x512xf32>
      %le3A_506 = arith.cmpf ole, %max3A_494, %le3A_505 : vector<512x512xf32>
      %ne3A_507 = arith.cmpi ne, %add3A_499, %add3A_504 : vector<512x512xi32>
      %and3A_508 = arith.andi %le3A_506, %ne3A_507 : vector<512x512xi1>
      %rsqrt3A_509 = math.rsqrt %max3A_494 : vector<512x512xf32>
      %jit3A_510 = arith.constant 0.000000e+00 : f32
      %broadcast_in_dim3A_511 = vector.broadcast %jit3A_510 : f32 to vector<512x512xf32>
      %select_n3A_512 = arith.select %and3A_508, %rsqrt3A_509, %broadcast_in_dim3A_511 : vector<512x512xi1>, vector<512x512xf32>
      %reduce_sum3A_513 = arith.constant dense<0.000000e+00> : vector<512xf32>
      %reduce_sum3A_514 = vector.multi_reduction <add>, %select_n3A_512, %reduce_sum3A_513 [1] : vector<512x512xf32> to vector<512xf32>
      %broadcast_in_dim3A_515 = vector.shape_cast %reduce_sum3A_514 : vector<512xf32> to vector<512x1xf32>
      %add3A_516 = arith.addf %while3A_478, %broadcast_in_dim3A_515 : vector<512x1xf32>
      scf.yield %add3A_516 : vector<512x1xf32>
    }
    %while3A_454 = arith.constant 1 : i32
    %while3A_455 = scf.for %while3A_477 = %while3A_451 to %while3A_447 step %while3A_454 iter_args(%while3A_478 = %while3A_453) -> (vector<512x1xf32>)  : i32 {
      %mul3A_479 = arith.constant 512 : i32
      %mul3A_480 = arith.muli %while3A_477, %mul3A_479 : i32
      %get3A_481 = arith.constant 0 : index
      %get3A_482 = arith.index_cast %mul3A_480 : i32 to index
      %get3A_483 = vector.load %arg13[%get3A_481, %get3A_482] : memref<8x10752xf32, #tpu.memory_space<vmem>>, vector<8x512xf32>
      %slice3A_484 = vector.extract_strided_slice %get3A_483 {offsets = [0, 0], sizes = [2, 512], strides = [1, 1]} : vector<8x512xf32> to vector<2x512xf32>
      %dot_general3A_485 = arith.constant dense<0.000000e+00> : vector<512x512xf32>
      %dot_general3A_486 = tpu.matmul %get3A_9, %slice3A_484, %dot_general3A_485 {dimension_numbers = #tpu.dot_dimension_numbers<[1], [0], [0], [1], [0, 0, 1, 1], [], []>, transpose_lhs_hint = false} : vector<512x2xf32>, vector<2x512xf32>, vector<512x512xf32> -> vector<512x512xf32>
      %slice3A_487 = vector.extract_strided_slice %get3A_483 {offsets = [2, 0], sizes = [1, 512], strides = [1, 1]} : vector<8x512xf32> to vector<1x512xf32>
      %add3A_488 = vector.broadcast %add3A_12 : vector<512x1xf32> to vector<512x512xf32>
      %add3A_489 = vector.broadcast %slice3A_487 : vector<1x512xf32> to vector<512x512xf32>
      %add3A_490 = arith.addf %add3A_488, %add3A_489 : vector<512x512xf32>
      %add3A_491 = arith.addf %add3A_490, %dot_general3A_486 : vector<512x512xf32>
      %max3A_492 = arith.constant 9.99999996E-13 : f32
      %max3A_493 = vector.broadcast %max3A_492 : f32 to vector<512x512xf32>
      %max3A_494 = arith.maximumf %add3A_491, %max3A_493 : vector<512x512xf32>
      %mul3A_495 = arith.constant 512 : i32
      %mul3A_496 = arith.muli %arg0, %mul3A_495 : i32
      %iota3A_497 = tpu.iota {dimensions = array<i32: 0>} : vector<512x512xi32>
      %add3A_498 = vector.broadcast %mul3A_496 : i32 to vector<512x512xi32>
      %add3A_499 = arith.addi %add3A_498, %iota3A_497 : vector<512x512xi32>
      %mul3A_500 = arith.constant 512 : i32
      %mul3A_501 = arith.muli %while3A_477, %mul3A_500 : i32
      %iota3A_502 = tpu.iota {dimensions = array<i32: 1>} : vector<512x512xi32>
      %add3A_503 = vector.broadcast %mul3A_501 : i32 to vector<512x512xi32>
      %add3A_504 = arith.addi %add3A_503, %iota3A_502 : vector<512x512xi32>
      %le3A_505 = vector.broadcast %get3A_6 : vector<1x1xf32> to vector<512x512xf32>
      %le3A_506 = arith.cmpf ole, %max3A_494, %le3A_505 : vector<512x512xf32>
      %ne3A_507 = arith.cmpi ne, %add3A_499, %add3A_504 : vector<512x512xi32>
      %and3A_508 = arith.andi %le3A_506, %ne3A_507 : vector<512x512xi1>
      %rsqrt3A_509 = math.rsqrt %max3A_494 : vector<512x512xf32>
      %jit3A_510 = arith.constant 0.000000e+00 : f32
      %broadcast_in_dim3A_511 = vector.broadcast %jit3A_510 : f32 to vector<512x512xf32>
      %select_n3A_512 = arith.select %and3A_508, %rsqrt3A_509, %broadcast_in_dim3A_511 : vector<512x512xi1>, vector<512x512xf32>
      %reduce_sum3A_513 = arith.constant dense<0.000000e+00> : vector<512xf32>
      %reduce_sum3A_514 = vector.multi_reduction <add>, %select_n3A_512, %reduce_sum3A_513 [1] : vector<512x512xf32> to vector<512xf32>
      %broadcast_in_dim3A_515 = vector.shape_cast %reduce_sum3A_514 : vector<512xf32> to vector<512x1xf32>
      %add3A_516 = arith.addf %while3A_478, %broadcast_in_dim3A_515 : vector<512x1xf32>
      scf.yield %add3A_516 : vector<512x1xf32>
    }
    %add3A_456 = arith.constant 1.000000e+00 : f32
    %add3A_457 = vector.broadcast %add3A_456 : f32 to vector<512x1xf32>
    %add3A_458 = arith.addf %while3A_455, %add3A_457 : vector<512x1xf32>
    %rsqrt3A_459 = math.rsqrt %add3A_458 : vector<512x1xf32>
    %broadcast_in_dim3A_460 = vector.shape_cast %rsqrt3A_459 : vector<512x1xf32> to vector<512x1xf32>
    %broadcast_in_dim3A_461 = vector.broadcast %broadcast_in_dim3A_460 : vector<512x1xf32> to vector<512x8xf32>
    %swap3A = arith.constant 0 : index
    %swap3A_462 = arith.constant 0 : index
    %swap3A_463 = vector.load %arg18[%swap3A, %swap3A_462] : memref<512x8xf32, #tpu.memory_space<vmem>>, vector<512x8xf32>
    tpu.vector_store %arg18[%swap3A, %swap3A_462], %broadcast_in_dim3A_461 {strides = array<i32>} : memref<512x8xf32, #tpu.memory_space<vmem>>, vector<512x8xf32>,
    %get3A_464 = arith.constant 0 : index
    %get3A_465 = arith.constant 0 : index
    %get3A_466 = vector.load %arg15[%get3A_464, %get3A_465] : memref<512x128xf32, #tpu.memory_space<vmem>>, vector<512x128xf32>
    %get3A_467 = arith.constant 0 : index
    %get3A_468 = arith.constant 0 : index
    %get3A_469 = vector.load %arg16[%get3A_467, %get3A_468] : memref<128x16xf32, #tpu.memory_space<vmem>>, vector<128x16xf32>
    %dot_general3A_470 = arith.constant dense<0.000000e+00> : vector<512x16xf32>
    %dot_general3A_471 = tpu.matmul %get3A_466, %get3A_469, %dot_general3A_470 {dimension_numbers = #tpu.dot_dimension_numbers<[1], [0], [0], [1], [0, 0, 1, 1], [], []>, transpose_lhs_hint = false} : vector<512x128xf32>, vector<128x16xf32>, vector<512x16xf32> -> vector<512x16xf32>
    %mul3A_472 = vector.broadcast %rsqrt3A_459 : vector<512x1xf32> to vector<512x16xf32>
    %mul3A_473 = arith.mulf %mul3A_472, %dot_general3A_471 : vector<512x16xf32>
    %swap3A_474 = arith.constant 0 : index
    %swap3A_475 = arith.constant 0 : index
    %swap3A_476 = vector.load %arg19[%swap3A_474, %swap3A_475] : memref<512x16xf32, #tpu.memory_space<vmem>>, vector<512x16xf32>
    tpu.vector_store %arg19[%swap3A_474, %swap3A_475], %mul3A_473 {strides = array<i32>} : memref<512x16xf32, #tpu.memory_space<vmem>>, vector<512x16xf32>,
    return
  }
  func.func @transform_0(%arg0: i32, %arg1: memref<42xi32, #tpu.memory_space<smem>>) -> (i32, i32) {
    %get3A = arith.index_cast %arg0 : i32 to index
    %get3A_0 = memref.load %arg1[%get3A] : memref<42xi32, #tpu.memory_space<smem>>
    %add3A = arith.constant 0 : i32
    %add3A_1 = arith.addi %get3A_0, %add3A : i32
    %min3A = arith.constant 20 : i32
    %min3A_2 = arith.minsi %add3A_1, %min3A : i32
    %c0_i32 = arith.constant 0 : i32
    %c0_i32_3 = arith.constant 0 : i32
    return %c0_i32, %min3A_2 : i32, i32
  }
  func.func @transform_1(%arg0: i32, %arg1: memref<42xi32, #tpu.memory_space<smem>>) -> (i32, i32) {
    %get3A = arith.index_cast %arg0 : i32 to index
    %get3A_0 = memref.load %arg1[%get3A] : memref<42xi32, #tpu.memory_space<smem>>
    %add3A = arith.constant 1 : i32
    %add3A_1 = arith.addi %get3A_0, %add3A : i32
    %min3A = arith.constant 20 : i32
    %min3A_2 = arith.minsi %add3A_1, %min3A : i32
    %c0_i32 = arith.constant 0 : i32
    %c0_i32_3 = arith.constant 0 : i32
    return %c0_i32, %min3A_2 : i32, i32
  }
  func.func @transform_2(%arg0: i32, %arg1: memref<42xi32, #tpu.memory_space<smem>>) -> (i32, i32) {
    %get3A = arith.index_cast %arg0 : i32 to index
    %get3A_0 = memref.load %arg1[%get3A] : memref<42xi32, #tpu.memory_space<smem>>
    %add3A = arith.constant 2 : i32
    %add3A_1 = arith.addi %get3A_0, %add3A : i32
    %min3A = arith.constant 20 : i32
    %min3A_2 = arith.minsi %add3A_1, %min3A : i32
    %c0_i32 = arith.constant 0 : i32
    %c0_i32_3 = arith.constant 0 : i32
    return %c0_i32, %min3A_2 : i32, i32
  }
  func.func @transform_3(%arg0: i32, %arg1: memref<42xi32, #tpu.memory_space<smem>>) -> (i32, i32) {
    %get3A = arith.index_cast %arg0 : i32 to index
    %get3A_0 = memref.load %arg1[%get3A] : memref<42xi32, #tpu.memory_space<smem>>
    %add3A = arith.constant 3 : i32
    %add3A_1 = arith.addi %get3A_0, %add3A : i32
    %min3A = arith.constant 20 : i32
    %min3A_2 = arith.minsi %add3A_1, %min3A : i32
    %c0_i32 = arith.constant 0 : i32
    %c0_i32_3 = arith.constant 0 : i32
    return %c0_i32, %min3A_2 : i32, i32
  }
  func.func @transform_4(%arg0: i32, %arg1: memref<42xi32, #tpu.memory_space<smem>>) -> (i32, i32) {
    %get3A = arith.index_cast %arg0 : i32 to index
    %get3A_0 = memref.load %arg1[%get3A] : memref<42xi32, #tpu.memory_space<smem>>
    %add3A = arith.constant 4 : i32
    %add3A_1 = arith.addi %get3A_0, %add3A : i32
    %min3A = arith.constant 20 : i32
    %min3A_2 = arith.minsi %add3A_1, %min3A : i32
    %c0_i32 = arith.constant 0 : i32
    %c0_i32_3 = arith.constant 0 : i32
    return %c0_i32, %min3A_2 : i32, i32
  }
  func.func @transform_5(%arg0: i32, %arg1: memref<42xi32, #tpu.memory_space<smem>>) -> (i32, i32) {
    %get3A = arith.index_cast %arg0 : i32 to index
    %get3A_0 = memref.load %arg1[%get3A] : memref<42xi32, #tpu.memory_space<smem>>
    %add3A = arith.constant 5 : i32
    %add3A_1 = arith.addi %get3A_0, %add3A : i32
    %min3A = arith.constant 20 : i32
    %min3A_2 = arith.minsi %add3A_1, %min3A : i32
    %c0_i32 = arith.constant 0 : i32
    %c0_i32_3 = arith.constant 0 : i32
    return %c0_i32, %min3A_2 : i32, i32
  }
  func.func @transform_6(%arg0: i32, %arg1: memref<42xi32, #tpu.memory_space<smem>>) -> (i32, i32) {
    %get3A = arith.index_cast %arg0 : i32 to index
    %get3A_0 = memref.load %arg1[%get3A] : memref<42xi32, #tpu.memory_space<smem>>
    %add3A = arith.constant 6 : i32
    %add3A_1 = arith.addi %get3A_0, %add3A : i32
    %min3A = arith.constant 20 : i32
    %min3A_2 = arith.minsi %add3A_1, %min3A : i32
    %c0_i32 = arith.constant 0 : i32
    %c0_i32_3 = arith.constant 0 : i32
    return %c0_i32, %min3A_2 : i32, i32
  }
  func.func @transform_7(%arg0: i32, %arg1: memref<42xi32, #tpu.memory_space<smem>>) -> (i32, i32) {
    %get3A = arith.index_cast %arg0 : i32 to index
    %get3A_0 = memref.load %arg1[%get3A] : memref<42xi32, #tpu.memory_space<smem>>
    %add3A = arith.constant 7 : i32
    %add3A_1 = arith.addi %get3A_0, %add3A : i32
    %min3A = arith.constant 20 : i32
    %min3A_2 = arith.minsi %add3A_1, %min3A : i32
    %c0_i32 = arith.constant 0 : i32
    %c0_i32_3 = arith.constant 0 : i32
    return %c0_i32, %min3A_2 : i32, i32
  }
  func.func @transform_8(%arg0: i32, %arg1: memref<42xi32, #tpu.memory_space<smem>>) -> (i32, i32) {
    %get3A = arith.index_cast %arg0 : i32 to index
    %get3A_0 = memref.load %arg1[%get3A] : memref<42xi32, #tpu.memory_space<smem>>
    %add3A = arith.constant 8 : i32
    %add3A_1 = arith.addi %get3A_0, %add3A : i32
    %min3A = arith.constant 20 : i32
    %min3A_2 = arith.minsi %add3A_1, %min3A : i32
    %c0_i32 = arith.constant 0 : i32
    %c0_i32_3 = arith.constant 0 : i32
    return %c0_i32, %min3A_2 : i32, i32
  }
  func.func @transform_9(%arg0: i32, %arg1: memref<42xi32, #tpu.memory_space<smem>>) -> (i32, i32) {
    %get3A = arith.index_cast %arg0 : i32 to index
    %get3A_0 = memref.load %arg1[%get3A] : memref<42xi32, #tpu.memory_space<smem>>
    %add3A = arith.constant 9 : i32
    %add3A_1 = arith.addi %get3A_0, %add3A : i32
    %min3A = arith.constant 20 : i32
    %min3A_2 = arith.minsi %add3A_1, %min3A : i32
    %c0_i32 = arith.constant 0 : i32
    %c0_i32_3 = arith.constant 0 : i32
    return %c0_i32, %min3A_2 : i32, i32
  }
  func.func @transform_10(%arg0: i32, %arg1: memref<42xi32, #tpu.memory_space<smem>>) -> (i32, i32) {
    %get3A = arith.index_cast %arg0 : i32 to index
    %get3A_0 = memref.load %arg1[%get3A] : memref<42xi32, #tpu.memory_space<smem>>
    %add3A = arith.constant 10 : i32
    %add3A_1 = arith.addi %get3A_0, %add3A : i32
    %min3A = arith.constant 20 : i32
    %min3A_2 = arith.minsi %add3A_1, %min3A : i32
    %c0_i32 = arith.constant 0 : i32
    %c0_i32_3 = arith.constant 0 : i32
    return %c0_i32, %min3A_2 : i32, i32
  }
  func.func @transform_11(%arg0: i32, %arg1: memref<42xi32, #tpu.memory_space<smem>>) -> (i32, i32) {
    %c0_i32 = arith.constant 0 : i32
    %c0_i32_0 = arith.constant 0 : i32
    %c0_i32_1 = arith.constant 0 : i32
    return %c0_i32, %c0_i32_0 : i32, i32
  }
  func.func @transform_12(%arg0: i32, %arg1: memref<42xi32, #tpu.memory_space<smem>>) -> (i32, i32) {
    %c0_i32 = arith.constant 0 : i32
    %c0_i32_0 = arith.constant 0 : i32
    return %arg0, %c0_i32 : i32, i32
  }
  func.func @transform_13(%arg0: i32, %arg1: memref<42xi32, #tpu.memory_space<smem>>) -> (i32, i32) {
    %c0_i32 = arith.constant 0 : i32
    %c0_i32_0 = arith.constant 0 : i32
    return %arg0, %c0_i32 : i32, i32
  }
  func.func @transform_14(%arg0: i32, %arg1: memref<42xi32, #tpu.memory_space<smem>>) -> (i32, i32) {
    %c0_i32 = arith.constant 0 : i32
    %c0_i32_0 = arith.constant 0 : i32
    %c0_i32_1 = arith.constant 0 : i32
    return %c0_i32, %c0_i32_0 : i32, i32
  }
  func.func @transform_15(%arg0: i32, %arg1: memref<42xi32, #tpu.memory_space<smem>>) -> (i32, i32) {
    %c0_i32 = arith.constant 0 : i32
    %c0_i32_0 = arith.constant 0 : i32
    %c0_i32_1 = arith.constant 0 : i32
    return %c0_i32, %c0_i32_0 : i32, i32
  }
  func.func @transform_16(%arg0: i32, %arg1: memref<42xi32, #tpu.memory_space<smem>>) -> (i32, i32) {
    %c0_i32 = arith.constant 0 : i32
    %c0_i32_0 = arith.constant 0 : i32
    return %arg0, %c0_i32 : i32, i32
  }
  func.func @transform_17(%arg0: i32, %arg1: memref<42xi32, #tpu.memory_space<smem>>) -> (i32, i32) {
    %c0_i32 = arith.constant 0 : i32
    %c0_i32_0 = arith.constant 0 : i32
    return %arg0, %c0_i32 : i32, i32
  }
}

module attributes {stable_mosaic.version = 14 : i64} {
  func.func @_agg_kernel(%arg0: i32, %arg1: memref<42xi32, #tpu.memory_space<smem>>, %arg2: memref<8x512xf32, #tpu.memory_space<vmem>>, %arg3: memref<8x512xf32, #tpu.memory_space<vmem>>, %arg4: memref<8x512xf32, #tpu.memory_space<vmem>>, %arg5: memref<8x512xf32, #tpu.memory_space<vmem>>, %arg6: memref<8x512xf32, #tpu.memory_space<vmem>>, %arg7: memref<8x512xf32, #tpu.memory_space<vmem>>, %arg8: memref<8x512xf32, #tpu.memory_space<vmem>>, %arg9: memref<8x512xf32, #tpu.memory_space<vmem>>, %arg10: memref<8x512xf32, #tpu.memory_space<vmem>>, %arg11: memref<8x512xf32, #tpu.memory_space<vmem>>, %arg12: memref<8x512xf32, #tpu.memory_space<vmem>>, %arg13: memref<512x16xf32, #tpu.memory_space<vmem>>, %arg14: memref<512x16xf32, #tpu.memory_space<vmem>>, %arg15: memref<512x16xf32, #tpu.memory_space<vmem>>, %arg16: memref<512x16xf32, #tpu.memory_space<vmem>>, %arg17: memref<512x16xf32, #tpu.memory_space<vmem>>, %arg18: memref<512x16xf32, #tpu.memory_space<vmem>>, %arg19: memref<512x16xf32, #tpu.memory_space<vmem>>, %arg20: memref<512x16xf32, #tpu.memory_space<vmem>>, %arg21: memref<512x16xf32, #tpu.memory_space<vmem>>, %arg22: memref<512x16xf32, #tpu.memory_space<vmem>>, %arg23: memref<512x16xf32, #tpu.memory_space<vmem>>, %arg24: memref<8x10752xf32, #tpu.memory_space<vmem>>, %arg25: memref<512x2xf32, #tpu.memory_space<vmem>>, %arg26: memref<10752x16xf32, #tpu.memory_space<vmem>>, %arg27: memref<512x16xf32, #tpu.memory_space<vmem>>, %arg28: memref<512x8xf32, #tpu.memory_space<vmem>>, %arg29: memref<16x8xf32, #tpu.memory_space<vmem>>, %arg30: memref<1x16xf32, #tpu.memory_space<vmem>>, %arg31: memref<1x128xf32, #tpu.memory_space<vmem>>, %arg32: memref<512x8xf32, #tpu.memory_space<vmem>>) attributes {dimension_semantics = [#tpu.dimension_semantics<arbitrary>], iteration_bounds = array<i64: 21>, scalar_prefetch = 1 : i64, scratch_operands = 0 : i64, tpu.core_type = #tpu.core_type<tc>, window_params = [{transform_indices = @transform_0, window_bounds = array<i64: 8, 512>}, {transform_indices = @transform_1, window_bounds = array<i64: 8, 512>}, {transform_indices = @transform_2, window_bounds = array<i64: 8, 512>}, {transform_indices = @transform_3, window_bounds = array<i64: 8, 512>}, {transform_indices = @transform_4, window_bounds = array<i64: 8, 512>}, {transform_indices = @transform_5, window_bounds = array<i64: 8, 512>}, {transform_indices = @transform_6, window_bounds = array<i64: 8, 512>}, {transform_indices = @transform_7, window_bounds = array<i64: 8, 512>}, {transform_indices = @transform_8, window_bounds = array<i64: 8, 512>}, {transform_indices = @transform_9, window_bounds = array<i64: 8, 512>}, {transform_indices = @transform_10, window_bounds = array<i64: 8, 512>}, {transform_indices = @transform_11, window_bounds = array<i64: 512, 16>}, {transform_indices = @transform_12, window_bounds = array<i64: 512, 16>}, {transform_indices = @transform_13, window_bounds = array<i64: 512, 16>}, {transform_indices = @transform_14, window_bounds = array<i64: 512, 16>}, {transform_indices = @transform_15, window_bounds = array<i64: 512, 16>}, {transform_indices = @transform_16, window_bounds = array<i64: 512, 16>}, {transform_indices = @transform_17, window_bounds = array<i64: 512, 16>}, {transform_indices = @transform_18, window_bounds = array<i64: 512, 16>}, {transform_indices = @transform_19, window_bounds = array<i64: 512, 16>}, {transform_indices = @transform_20, window_bounds = array<i64: 512, 16>}, {transform_indices = @transform_21, window_bounds = array<i64: 512, 16>}, {pipeline_mode = #tpu.pipeline_mode<synchronous>, transform_indices = @transform_22, window_bounds = array<i64: 8, 10752>}, {transform_indices = @transform_23, window_bounds = array<i64: 512, 2>}, {pipeline_mode = #tpu.pipeline_mode<synchronous>, transform_indices = @transform_24, window_bounds = array<i64: 10752, 16>}, {transform_indices = @transform_25, window_bounds = array<i64: 512, 16>}, {transform_indices = @transform_26, window_bounds = array<i64: 512, 8>}, {pipeline_mode = #tpu.pipeline_mode<synchronous>, transform_indices = @transform_27, window_bounds = array<i64: 16, 8>}, {pipeline_mode = #tpu.pipeline_mode<synchronous>, transform_indices = @transform_28, window_bounds = array<i64: 1, 16>}, {pipeline_mode = #tpu.pipeline_mode<synchronous>, transform_indices = @transform_29, window_bounds = array<i64: 1, 128>}, {transform_indices = @transform_30, window_bounds = array<i64: 512, 8>}]} {
    %get3A = arith.index_cast %arg0 : i32 to index
    %get3A_0 = memref.load %arg1[%get3A] : memref<42xi32, #tpu.memory_space<smem>>
    %add3A = arith.constant 21 : i32
    %add3A_1 = arith.addi %add3A, %arg0 : i32
    %get3A_2 = arith.index_cast %add3A_1 : i32 to index
    %get3A_3 = memref.load %arg1[%get3A_2] : memref<42xi32, #tpu.memory_space<smem>>
    %get3A_4 = arith.constant 0 : index
    %get3A_5 = arith.constant 0 : index
    %get3A_6 = vector.load %arg31[%get3A_4, %get3A_5] : memref<1x128xf32, #tpu.memory_space<vmem>>, vector<1x1xf32>
    %get3A_7 = arith.constant 0 : index
    %get3A_8 = arith.constant 0 : index
    %get3A_9 = vector.load %arg25[%get3A_7, %get3A_8] : memref<512x2xf32, #tpu.memory_space<vmem>>, vector<512x2xf32>
    %slice3A = vector.extract_strided_slice %get3A_9 {offsets = [0, 0], sizes = [512, 1], strides = [1, 1]} : vector<512x2xf32> to vector<512x1xf32>
    %slice3A_10 = vector.extract_strided_slice %get3A_9 {offsets = [0, 1], sizes = [512, 1], strides = [1, 1]} : vector<512x2xf32> to vector<512x1xf32>
    %mul3A = arith.mulf %slice3A, %slice3A : vector<512x1xf32>
    %mul3A_11 = arith.mulf %slice3A_10, %slice3A_10 : vector<512x1xf32>
    %add3A_12 = arith.addf %mul3A, %mul3A_11 : vector<512x1xf32>
    %get3A_13 = arith.constant 0 : index
    %get3A_14 = arith.constant 0 : index
    %get3A_15 = vector.load %arg27[%get3A_13, %get3A_14] : memref<512x16xf32, #tpu.memory_space<vmem>>, vector<512x16xf32>
    %add3A_16 = arith.constant 0 : i32
    %add3A_17 = arith.addi %get3A_0, %add3A_16 : i32
    %min3A = arith.constant 20 : i32
    %min3A_18 = arith.minsi %add3A_17, %min3A : i32
    %get3A_19 = arith.constant 0 : index
    %get3A_20 = arith.constant 0 : index
    %get3A_21 = vector.load %arg2[%get3A_19, %get3A_20] : memref<8x512xf32, #tpu.memory_space<vmem>>, vector<8x512xf32>
    %slice3A_22 = vector.extract_strided_slice %get3A_21 {offsets = [0, 0], sizes = [2, 512], strides = [1, 1]} : vector<8x512xf32> to vector<2x512xf32>
    %dot_general3A = arith.constant dense<0.000000e+00> : vector<512x512xf32>
    %dot_general3A_23 = tpu.matmul %get3A_9, %slice3A_22, %dot_general3A {dimension_numbers = #tpu.dot_dimension_numbers<[1], [0], [0], [1], [0, 0, 1, 1], [], []>, transpose_lhs_hint = false} : vector<512x2xf32>, vector<2x512xf32>, vector<512x512xf32> -> vector<512x512xf32>
    %slice3A_24 = vector.extract_strided_slice %get3A_21 {offsets = [2, 0], sizes = [1, 512], strides = [1, 1]} : vector<8x512xf32> to vector<1x512xf32>
    %add3A_25 = vector.broadcast %add3A_12 : vector<512x1xf32> to vector<512x512xf32>
    %add3A_26 = vector.broadcast %slice3A_24 : vector<1x512xf32> to vector<512x512xf32>
    %add3A_27 = arith.addf %add3A_25, %add3A_26 : vector<512x512xf32>
    %add3A_28 = arith.addf %add3A_27, %dot_general3A_23 : vector<512x512xf32>
    %max3A = arith.constant 9.99999996E-13 : f32
    %max3A_29 = vector.broadcast %max3A : f32 to vector<512x512xf32>
    %max3A_30 = arith.maximumf %add3A_28, %max3A_29 : vector<512x512xf32>
    %mul3A_31 = arith.constant 512 : i32
    %mul3A_32 = arith.muli %arg0, %mul3A_31 : i32
    %iota3A = tpu.iota {dimensions = array<i32: 0>} : vector<512x512xi32>
    %add3A_33 = vector.broadcast %mul3A_32 : i32 to vector<512x512xi32>
    %add3A_34 = arith.addi %add3A_33, %iota3A : vector<512x512xi32>
    %mul3A_35 = arith.constant 512 : i32
    %mul3A_36 = arith.muli %min3A_18, %mul3A_35 : i32
    %iota3A_37 = tpu.iota {dimensions = array<i32: 1>} : vector<512x512xi32>
    %add3A_38 = vector.broadcast %mul3A_36 : i32 to vector<512x512xi32>
    %add3A_39 = arith.addi %add3A_38, %iota3A_37 : vector<512x512xi32>
    %le3A = vector.broadcast %get3A_6 : vector<1x1xf32> to vector<512x512xf32>
    %le3A_40 = arith.cmpf ole, %max3A_30, %le3A : vector<512x512xf32>
    %ne3A = arith.cmpi ne, %add3A_34, %add3A_39 : vector<512x512xi32>
    %and3A = arith.andi %le3A_40, %ne3A : vector<512x512xi1>
    %rsqrt3A = math.rsqrt %max3A_30 : vector<512x512xf32>
    %jit3A = arith.constant 0.000000e+00 : f32
    %broadcast_in_dim3A = vector.broadcast %jit3A : f32 to vector<512x512xf32>
    %select_n3A = arith.select %and3A, %rsqrt3A, %broadcast_in_dim3A : vector<512x512xi1>, vector<512x512xf32>
    %get3A_41 = arith.constant 0 : index
    %get3A_42 = arith.constant 0 : index
    %get3A_43 = vector.load %arg13[%get3A_41, %get3A_42] : memref<512x16xf32, #tpu.memory_space<vmem>>, vector<512x16xf32>
    %dot_general3A_44 = arith.constant dense<0.000000e+00> : vector<512x16xf32>
    %dot_general3A_45 = tpu.matmul %select_n3A, %get3A_43, %dot_general3A_44 {dimension_numbers = #tpu.dot_dimension_numbers<[1], [0], [0], [1], [0, 0, 1, 1], [], []>, transpose_lhs_hint = false} : vector<512x512xf32>, vector<512x16xf32>, vector<512x16xf32> -> vector<512x16xf32>
    %add3A_46 = arith.addf %get3A_15, %dot_general3A_45 : vector<512x16xf32>
    %add3A_47 = arith.constant 1 : i32
    %add3A_48 = arith.addi %get3A_0, %add3A_47 : i32
    %min3A_49 = arith.constant 20 : i32
    %min3A_50 = arith.minsi %add3A_48, %min3A_49 : i32
    %get3A_51 = arith.constant 0 : index
    %get3A_52 = arith.constant 0 : index
    %get3A_53 = vector.load %arg3[%get3A_51, %get3A_52] : memref<8x512xf32, #tpu.memory_space<vmem>>, vector<8x512xf32>
    %slice3A_54 = vector.extract_strided_slice %get3A_53 {offsets = [0, 0], sizes = [2, 512], strides = [1, 1]} : vector<8x512xf32> to vector<2x512xf32>
    %dot_general3A_55 = arith.constant dense<0.000000e+00> : vector<512x512xf32>
    %dot_general3A_56 = tpu.matmul %get3A_9, %slice3A_54, %dot_general3A_55 {dimension_numbers = #tpu.dot_dimension_numbers<[1], [0], [0], [1], [0, 0, 1, 1], [], []>, transpose_lhs_hint = false} : vector<512x2xf32>, vector<2x512xf32>, vector<512x512xf32> -> vector<512x512xf32>
    %slice3A_57 = vector.extract_strided_slice %get3A_53 {offsets = [2, 0], sizes = [1, 512], strides = [1, 1]} : vector<8x512xf32> to vector<1x512xf32>
    %add3A_58 = vector.broadcast %add3A_12 : vector<512x1xf32> to vector<512x512xf32>
    %add3A_59 = vector.broadcast %slice3A_57 : vector<1x512xf32> to vector<512x512xf32>
    %add3A_60 = arith.addf %add3A_58, %add3A_59 : vector<512x512xf32>
    %add3A_61 = arith.addf %add3A_60, %dot_general3A_56 : vector<512x512xf32>
    %max3A_62 = arith.constant 9.99999996E-13 : f32
    %max3A_63 = vector.broadcast %max3A_62 : f32 to vector<512x512xf32>
    %max3A_64 = arith.maximumf %add3A_61, %max3A_63 : vector<512x512xf32>
    %mul3A_65 = arith.constant 512 : i32
    %mul3A_66 = arith.muli %arg0, %mul3A_65 : i32
    %iota3A_67 = tpu.iota {dimensions = array<i32: 0>} : vector<512x512xi32>
    %add3A_68 = vector.broadcast %mul3A_66 : i32 to vector<512x512xi32>
    %add3A_69 = arith.addi %add3A_68, %iota3A_67 : vector<512x512xi32>
    %mul3A_70 = arith.constant 512 : i32
    %mul3A_71 = arith.muli %min3A_50, %mul3A_70 : i32
    %iota3A_72 = tpu.iota {dimensions = array<i32: 1>} : vector<512x512xi32>
    %add3A_73 = vector.broadcast %mul3A_71 : i32 to vector<512x512xi32>
    %add3A_74 = arith.addi %add3A_73, %iota3A_72 : vector<512x512xi32>
    %le3A_75 = vector.broadcast %get3A_6 : vector<1x1xf32> to vector<512x512xf32>
    %le3A_76 = arith.cmpf ole, %max3A_64, %le3A_75 : vector<512x512xf32>
    %ne3A_77 = arith.cmpi ne, %add3A_69, %add3A_74 : vector<512x512xi32>
    %and3A_78 = arith.andi %le3A_76, %ne3A_77 : vector<512x512xi1>
    %rsqrt3A_79 = math.rsqrt %max3A_64 : vector<512x512xf32>
    %jit3A_80 = arith.constant 0.000000e+00 : f32
    %broadcast_in_dim3A_81 = vector.broadcast %jit3A_80 : f32 to vector<512x512xf32>
    %select_n3A_82 = arith.select %and3A_78, %rsqrt3A_79, %broadcast_in_dim3A_81 : vector<512x512xi1>, vector<512x512xf32>
    %get3A_83 = arith.constant 0 : index
    %get3A_84 = arith.constant 0 : index
    %get3A_85 = vector.load %arg14[%get3A_83, %get3A_84] : memref<512x16xf32, #tpu.memory_space<vmem>>, vector<512x16xf32>
    %dot_general3A_86 = arith.constant dense<0.000000e+00> : vector<512x16xf32>
    %dot_general3A_87 = tpu.matmul %select_n3A_82, %get3A_85, %dot_general3A_86 {dimension_numbers = #tpu.dot_dimension_numbers<[1], [0], [0], [1], [0, 0, 1, 1], [], []>, transpose_lhs_hint = false} : vector<512x512xf32>, vector<512x16xf32>, vector<512x16xf32> -> vector<512x16xf32>
    %add3A_88 = arith.addf %add3A_46, %dot_general3A_87 : vector<512x16xf32>
    %add3A_89 = arith.constant 2 : i32
    %add3A_90 = arith.addi %get3A_0, %add3A_89 : i32
    %min3A_91 = arith.constant 20 : i32
    %min3A_92 = arith.minsi %add3A_90, %min3A_91 : i32
    %get3A_93 = arith.constant 0 : index
    %get3A_94 = arith.constant 0 : index
    %get3A_95 = vector.load %arg4[%get3A_93, %get3A_94] : memref<8x512xf32, #tpu.memory_space<vmem>>, vector<8x512xf32>
    %slice3A_96 = vector.extract_strided_slice %get3A_95 {offsets = [0, 0], sizes = [2, 512], strides = [1, 1]} : vector<8x512xf32> to vector<2x512xf32>
    %dot_general3A_97 = arith.constant dense<0.000000e+00> : vector<512x512xf32>
    %dot_general3A_98 = tpu.matmul %get3A_9, %slice3A_96, %dot_general3A_97 {dimension_numbers = #tpu.dot_dimension_numbers<[1], [0], [0], [1], [0, 0, 1, 1], [], []>, transpose_lhs_hint = false} : vector<512x2xf32>, vector<2x512xf32>, vector<512x512xf32> -> vector<512x512xf32>
    %slice3A_99 = vector.extract_strided_slice %get3A_95 {offsets = [2, 0], sizes = [1, 512], strides = [1, 1]} : vector<8x512xf32> to vector<1x512xf32>
    %add3A_100 = vector.broadcast %add3A_12 : vector<512x1xf32> to vector<512x512xf32>
    %add3A_101 = vector.broadcast %slice3A_99 : vector<1x512xf32> to vector<512x512xf32>
    %add3A_102 = arith.addf %add3A_100, %add3A_101 : vector<512x512xf32>
    %add3A_103 = arith.addf %add3A_102, %dot_general3A_98 : vector<512x512xf32>
    %max3A_104 = arith.constant 9.99999996E-13 : f32
    %max3A_105 = vector.broadcast %max3A_104 : f32 to vector<512x512xf32>
    %max3A_106 = arith.maximumf %add3A_103, %max3A_105 : vector<512x512xf32>
    %mul3A_107 = arith.constant 512 : i32
    %mul3A_108 = arith.muli %arg0, %mul3A_107 : i32
    %iota3A_109 = tpu.iota {dimensions = array<i32: 0>} : vector<512x512xi32>
    %add3A_110 = vector.broadcast %mul3A_108 : i32 to vector<512x512xi32>
    %add3A_111 = arith.addi %add3A_110, %iota3A_109 : vector<512x512xi32>
    %mul3A_112 = arith.constant 512 : i32
    %mul3A_113 = arith.muli %min3A_92, %mul3A_112 : i32
    %iota3A_114 = tpu.iota {dimensions = array<i32: 1>} : vector<512x512xi32>
    %add3A_115 = vector.broadcast %mul3A_113 : i32 to vector<512x512xi32>
    %add3A_116 = arith.addi %add3A_115, %iota3A_114 : vector<512x512xi32>
    %le3A_117 = vector.broadcast %get3A_6 : vector<1x1xf32> to vector<512x512xf32>
    %le3A_118 = arith.cmpf ole, %max3A_106, %le3A_117 : vector<512x512xf32>
    %ne3A_119 = arith.cmpi ne, %add3A_111, %add3A_116 : vector<512x512xi32>
    %and3A_120 = arith.andi %le3A_118, %ne3A_119 : vector<512x512xi1>
    %rsqrt3A_121 = math.rsqrt %max3A_106 : vector<512x512xf32>
    %jit3A_122 = arith.constant 0.000000e+00 : f32
    %broadcast_in_dim3A_123 = vector.broadcast %jit3A_122 : f32 to vector<512x512xf32>
    %select_n3A_124 = arith.select %and3A_120, %rsqrt3A_121, %broadcast_in_dim3A_123 : vector<512x512xi1>, vector<512x512xf32>
    %get3A_125 = arith.constant 0 : index
    %get3A_126 = arith.constant 0 : index
    %get3A_127 = vector.load %arg15[%get3A_125, %get3A_126] : memref<512x16xf32, #tpu.memory_space<vmem>>, vector<512x16xf32>
    %dot_general3A_128 = arith.constant dense<0.000000e+00> : vector<512x16xf32>
    %dot_general3A_129 = tpu.matmul %select_n3A_124, %get3A_127, %dot_general3A_128 {dimension_numbers = #tpu.dot_dimension_numbers<[1], [0], [0], [1], [0, 0, 1, 1], [], []>, transpose_lhs_hint = false} : vector<512x512xf32>, vector<512x16xf32>, vector<512x16xf32> -> vector<512x16xf32>
    %add3A_130 = arith.addf %add3A_88, %dot_general3A_129 : vector<512x16xf32>
    %add3A_131 = arith.constant 3 : i32
    %add3A_132 = arith.addi %get3A_0, %add3A_131 : i32
    %min3A_133 = arith.constant 20 : i32
    %min3A_134 = arith.minsi %add3A_132, %min3A_133 : i32
    %get3A_135 = arith.constant 0 : index
    %get3A_136 = arith.constant 0 : index
    %get3A_137 = vector.load %arg5[%get3A_135, %get3A_136] : memref<8x512xf32, #tpu.memory_space<vmem>>, vector<8x512xf32>
    %slice3A_138 = vector.extract_strided_slice %get3A_137 {offsets = [0, 0], sizes = [2, 512], strides = [1, 1]} : vector<8x512xf32> to vector<2x512xf32>
    %dot_general3A_139 = arith.constant dense<0.000000e+00> : vector<512x512xf32>
    %dot_general3A_140 = tpu.matmul %get3A_9, %slice3A_138, %dot_general3A_139 {dimension_numbers = #tpu.dot_dimension_numbers<[1], [0], [0], [1], [0, 0, 1, 1], [], []>, transpose_lhs_hint = false} : vector<512x2xf32>, vector<2x512xf32>, vector<512x512xf32> -> vector<512x512xf32>
    %slice3A_141 = vector.extract_strided_slice %get3A_137 {offsets = [2, 0], sizes = [1, 512], strides = [1, 1]} : vector<8x512xf32> to vector<1x512xf32>
    %add3A_142 = vector.broadcast %add3A_12 : vector<512x1xf32> to vector<512x512xf32>
    %add3A_143 = vector.broadcast %slice3A_141 : vector<1x512xf32> to vector<512x512xf32>
    %add3A_144 = arith.addf %add3A_142, %add3A_143 : vector<512x512xf32>
    %add3A_145 = arith.addf %add3A_144, %dot_general3A_140 : vector<512x512xf32>
    %max3A_146 = arith.constant 9.99999996E-13 : f32
    %max3A_147 = vector.broadcast %max3A_146 : f32 to vector<512x512xf32>
    %max3A_148 = arith.maximumf %add3A_145, %max3A_147 : vector<512x512xf32>
    %mul3A_149 = arith.constant 512 : i32
    %mul3A_150 = arith.muli %arg0, %mul3A_149 : i32
    %iota3A_151 = tpu.iota {dimensions = array<i32: 0>} : vector<512x512xi32>
    %add3A_152 = vector.broadcast %mul3A_150 : i32 to vector<512x512xi32>
    %add3A_153 = arith.addi %add3A_152, %iota3A_151 : vector<512x512xi32>
    %mul3A_154 = arith.constant 512 : i32
    %mul3A_155 = arith.muli %min3A_134, %mul3A_154 : i32
    %iota3A_156 = tpu.iota {dimensions = array<i32: 1>} : vector<512x512xi32>
    %add3A_157 = vector.broadcast %mul3A_155 : i32 to vector<512x512xi32>
    %add3A_158 = arith.addi %add3A_157, %iota3A_156 : vector<512x512xi32>
    %le3A_159 = vector.broadcast %get3A_6 : vector<1x1xf32> to vector<512x512xf32>
    %le3A_160 = arith.cmpf ole, %max3A_148, %le3A_159 : vector<512x512xf32>
    %ne3A_161 = arith.cmpi ne, %add3A_153, %add3A_158 : vector<512x512xi32>
    %and3A_162 = arith.andi %le3A_160, %ne3A_161 : vector<512x512xi1>
    %rsqrt3A_163 = math.rsqrt %max3A_148 : vector<512x512xf32>
    %jit3A_164 = arith.constant 0.000000e+00 : f32
    %broadcast_in_dim3A_165 = vector.broadcast %jit3A_164 : f32 to vector<512x512xf32>
    %select_n3A_166 = arith.select %and3A_162, %rsqrt3A_163, %broadcast_in_dim3A_165 : vector<512x512xi1>, vector<512x512xf32>
    %get3A_167 = arith.constant 0 : index
    %get3A_168 = arith.constant 0 : index
    %get3A_169 = vector.load %arg16[%get3A_167, %get3A_168] : memref<512x16xf32, #tpu.memory_space<vmem>>, vector<512x16xf32>
    %dot_general3A_170 = arith.constant dense<0.000000e+00> : vector<512x16xf32>
    %dot_general3A_171 = tpu.matmul %select_n3A_166, %get3A_169, %dot_general3A_170 {dimension_numbers = #tpu.dot_dimension_numbers<[1], [0], [0], [1], [0, 0, 1, 1], [], []>, transpose_lhs_hint = false} : vector<512x512xf32>, vector<512x16xf32>, vector<512x16xf32> -> vector<512x16xf32>
    %add3A_172 = arith.addf %add3A_130, %dot_general3A_171 : vector<512x16xf32>
    %add3A_173 = arith.constant 4 : i32
    %add3A_174 = arith.addi %get3A_0, %add3A_173 : i32
    %min3A_175 = arith.constant 20 : i32
    %min3A_176 = arith.minsi %add3A_174, %min3A_175 : i32
    %get3A_177 = arith.constant 0 : index
    %get3A_178 = arith.constant 0 : index
    %get3A_179 = vector.load %arg6[%get3A_177, %get3A_178] : memref<8x512xf32, #tpu.memory_space<vmem>>, vector<8x512xf32>
    %slice3A_180 = vector.extract_strided_slice %get3A_179 {offsets = [0, 0], sizes = [2, 512], strides = [1, 1]} : vector<8x512xf32> to vector<2x512xf32>
    %dot_general3A_181 = arith.constant dense<0.000000e+00> : vector<512x512xf32>
    %dot_general3A_182 = tpu.matmul %get3A_9, %slice3A_180, %dot_general3A_181 {dimension_numbers = #tpu.dot_dimension_numbers<[1], [0], [0], [1], [0, 0, 1, 1], [], []>, transpose_lhs_hint = false} : vector<512x2xf32>, vector<2x512xf32>, vector<512x512xf32> -> vector<512x512xf32>
    %slice3A_183 = vector.extract_strided_slice %get3A_179 {offsets = [2, 0], sizes = [1, 512], strides = [1, 1]} : vector<8x512xf32> to vector<1x512xf32>
    %add3A_184 = vector.broadcast %add3A_12 : vector<512x1xf32> to vector<512x512xf32>
    %add3A_185 = vector.broadcast %slice3A_183 : vector<1x512xf32> to vector<512x512xf32>
    %add3A_186 = arith.addf %add3A_184, %add3A_185 : vector<512x512xf32>
    %add3A_187 = arith.addf %add3A_186, %dot_general3A_182 : vector<512x512xf32>
    %max3A_188 = arith.constant 9.99999996E-13 : f32
    %max3A_189 = vector.broadcast %max3A_188 : f32 to vector<512x512xf32>
    %max3A_190 = arith.maximumf %add3A_187, %max3A_189 : vector<512x512xf32>
    %mul3A_191 = arith.constant 512 : i32
    %mul3A_192 = arith.muli %arg0, %mul3A_191 : i32
    %iota3A_193 = tpu.iota {dimensions = array<i32: 0>} : vector<512x512xi32>
    %add3A_194 = vector.broadcast %mul3A_192 : i32 to vector<512x512xi32>
    %add3A_195 = arith.addi %add3A_194, %iota3A_193 : vector<512x512xi32>
    %mul3A_196 = arith.constant 512 : i32
    %mul3A_197 = arith.muli %min3A_176, %mul3A_196 : i32
    %iota3A_198 = tpu.iota {dimensions = array<i32: 1>} : vector<512x512xi32>
    %add3A_199 = vector.broadcast %mul3A_197 : i32 to vector<512x512xi32>
    %add3A_200 = arith.addi %add3A_199, %iota3A_198 : vector<512x512xi32>
    %le3A_201 = vector.broadcast %get3A_6 : vector<1x1xf32> to vector<512x512xf32>
    %le3A_202 = arith.cmpf ole, %max3A_190, %le3A_201 : vector<512x512xf32>
    %ne3A_203 = arith.cmpi ne, %add3A_195, %add3A_200 : vector<512x512xi32>
    %and3A_204 = arith.andi %le3A_202, %ne3A_203 : vector<512x512xi1>
    %rsqrt3A_205 = math.rsqrt %max3A_190 : vector<512x512xf32>
    %jit3A_206 = arith.constant 0.000000e+00 : f32
    %broadcast_in_dim3A_207 = vector.broadcast %jit3A_206 : f32 to vector<512x512xf32>
    %select_n3A_208 = arith.select %and3A_204, %rsqrt3A_205, %broadcast_in_dim3A_207 : vector<512x512xi1>, vector<512x512xf32>
    %get3A_209 = arith.constant 0 : index
    %get3A_210 = arith.constant 0 : index
    %get3A_211 = vector.load %arg17[%get3A_209, %get3A_210] : memref<512x16xf32, #tpu.memory_space<vmem>>, vector<512x16xf32>
    %dot_general3A_212 = arith.constant dense<0.000000e+00> : vector<512x16xf32>
    %dot_general3A_213 = tpu.matmul %select_n3A_208, %get3A_211, %dot_general3A_212 {dimension_numbers = #tpu.dot_dimension_numbers<[1], [0], [0], [1], [0, 0, 1, 1], [], []>, transpose_lhs_hint = false} : vector<512x512xf32>, vector<512x16xf32>, vector<512x16xf32> -> vector<512x16xf32>
    %add3A_214 = arith.addf %add3A_172, %dot_general3A_213 : vector<512x16xf32>
    %add3A_215 = arith.constant 5 : i32
    %add3A_216 = arith.addi %get3A_0, %add3A_215 : i32
    %min3A_217 = arith.constant 20 : i32
    %min3A_218 = arith.minsi %add3A_216, %min3A_217 : i32
    %get3A_219 = arith.constant 0 : index
    %get3A_220 = arith.constant 0 : index
    %get3A_221 = vector.load %arg7[%get3A_219, %get3A_220] : memref<8x512xf32, #tpu.memory_space<vmem>>, vector<8x512xf32>
    %slice3A_222 = vector.extract_strided_slice %get3A_221 {offsets = [0, 0], sizes = [2, 512], strides = [1, 1]} : vector<8x512xf32> to vector<2x512xf32>
    %dot_general3A_223 = arith.constant dense<0.000000e+00> : vector<512x512xf32>
    %dot_general3A_224 = tpu.matmul %get3A_9, %slice3A_222, %dot_general3A_223 {dimension_numbers = #tpu.dot_dimension_numbers<[1], [0], [0], [1], [0, 0, 1, 1], [], []>, transpose_lhs_hint = false} : vector<512x2xf32>, vector<2x512xf32>, vector<512x512xf32> -> vector<512x512xf32>
    %slice3A_225 = vector.extract_strided_slice %get3A_221 {offsets = [2, 0], sizes = [1, 512], strides = [1, 1]} : vector<8x512xf32> to vector<1x512xf32>
    %add3A_226 = vector.broadcast %add3A_12 : vector<512x1xf32> to vector<512x512xf32>
    %add3A_227 = vector.broadcast %slice3A_225 : vector<1x512xf32> to vector<512x512xf32>
    %add3A_228 = arith.addf %add3A_226, %add3A_227 : vector<512x512xf32>
    %add3A_229 = arith.addf %add3A_228, %dot_general3A_224 : vector<512x512xf32>
    %max3A_230 = arith.constant 9.99999996E-13 : f32
    %max3A_231 = vector.broadcast %max3A_230 : f32 to vector<512x512xf32>
    %max3A_232 = arith.maximumf %add3A_229, %max3A_231 : vector<512x512xf32>
    %mul3A_233 = arith.constant 512 : i32
    %mul3A_234 = arith.muli %arg0, %mul3A_233 : i32
    %iota3A_235 = tpu.iota {dimensions = array<i32: 0>} : vector<512x512xi32>
    %add3A_236 = vector.broadcast %mul3A_234 : i32 to vector<512x512xi32>
    %add3A_237 = arith.addi %add3A_236, %iota3A_235 : vector<512x512xi32>
    %mul3A_238 = arith.constant 512 : i32
    %mul3A_239 = arith.muli %min3A_218, %mul3A_238 : i32
    %iota3A_240 = tpu.iota {dimensions = array<i32: 1>} : vector<512x512xi32>
    %add3A_241 = vector.broadcast %mul3A_239 : i32 to vector<512x512xi32>
    %add3A_242 = arith.addi %add3A_241, %iota3A_240 : vector<512x512xi32>
    %le3A_243 = vector.broadcast %get3A_6 : vector<1x1xf32> to vector<512x512xf32>
    %le3A_244 = arith.cmpf ole, %max3A_232, %le3A_243 : vector<512x512xf32>
    %ne3A_245 = arith.cmpi ne, %add3A_237, %add3A_242 : vector<512x512xi32>
    %and3A_246 = arith.andi %le3A_244, %ne3A_245 : vector<512x512xi1>
    %rsqrt3A_247 = math.rsqrt %max3A_232 : vector<512x512xf32>
    %jit3A_248 = arith.constant 0.000000e+00 : f32
    %broadcast_in_dim3A_249 = vector.broadcast %jit3A_248 : f32 to vector<512x512xf32>
    %select_n3A_250 = arith.select %and3A_246, %rsqrt3A_247, %broadcast_in_dim3A_249 : vector<512x512xi1>, vector<512x512xf32>
    %get3A_251 = arith.constant 0 : index
    %get3A_252 = arith.constant 0 : index
    %get3A_253 = vector.load %arg18[%get3A_251, %get3A_252] : memref<512x16xf32, #tpu.memory_space<vmem>>, vector<512x16xf32>
    %dot_general3A_254 = arith.constant dense<0.000000e+00> : vector<512x16xf32>
    %dot_general3A_255 = tpu.matmul %select_n3A_250, %get3A_253, %dot_general3A_254 {dimension_numbers = #tpu.dot_dimension_numbers<[1], [0], [0], [1], [0, 0, 1, 1], [], []>, transpose_lhs_hint = false} : vector<512x512xf32>, vector<512x16xf32>, vector<512x16xf32> -> vector<512x16xf32>
    %add3A_256 = arith.addf %add3A_214, %dot_general3A_255 : vector<512x16xf32>
    %add3A_257 = arith.constant 6 : i32
    %add3A_258 = arith.addi %get3A_0, %add3A_257 : i32
    %min3A_259 = arith.constant 20 : i32
    %min3A_260 = arith.minsi %add3A_258, %min3A_259 : i32
    %get3A_261 = arith.constant 0 : index
    %get3A_262 = arith.constant 0 : index
    %get3A_263 = vector.load %arg8[%get3A_261, %get3A_262] : memref<8x512xf32, #tpu.memory_space<vmem>>, vector<8x512xf32>
    %slice3A_264 = vector.extract_strided_slice %get3A_263 {offsets = [0, 0], sizes = [2, 512], strides = [1, 1]} : vector<8x512xf32> to vector<2x512xf32>
    %dot_general3A_265 = arith.constant dense<0.000000e+00> : vector<512x512xf32>
    %dot_general3A_266 = tpu.matmul %get3A_9, %slice3A_264, %dot_general3A_265 {dimension_numbers = #tpu.dot_dimension_numbers<[1], [0], [0], [1], [0, 0, 1, 1], [], []>, transpose_lhs_hint = false} : vector<512x2xf32>, vector<2x512xf32>, vector<512x512xf32> -> vector<512x512xf32>
    %slice3A_267 = vector.extract_strided_slice %get3A_263 {offsets = [2, 0], sizes = [1, 512], strides = [1, 1]} : vector<8x512xf32> to vector<1x512xf32>
    %add3A_268 = vector.broadcast %add3A_12 : vector<512x1xf32> to vector<512x512xf32>
    %add3A_269 = vector.broadcast %slice3A_267 : vector<1x512xf32> to vector<512x512xf32>
    %add3A_270 = arith.addf %add3A_268, %add3A_269 : vector<512x512xf32>
    %add3A_271 = arith.addf %add3A_270, %dot_general3A_266 : vector<512x512xf32>
    %max3A_272 = arith.constant 9.99999996E-13 : f32
    %max3A_273 = vector.broadcast %max3A_272 : f32 to vector<512x512xf32>
    %max3A_274 = arith.maximumf %add3A_271, %max3A_273 : vector<512x512xf32>
    %mul3A_275 = arith.constant 512 : i32
    %mul3A_276 = arith.muli %arg0, %mul3A_275 : i32
    %iota3A_277 = tpu.iota {dimensions = array<i32: 0>} : vector<512x512xi32>
    %add3A_278 = vector.broadcast %mul3A_276 : i32 to vector<512x512xi32>
    %add3A_279 = arith.addi %add3A_278, %iota3A_277 : vector<512x512xi32>
    %mul3A_280 = arith.constant 512 : i32
    %mul3A_281 = arith.muli %min3A_260, %mul3A_280 : i32
    %iota3A_282 = tpu.iota {dimensions = array<i32: 1>} : vector<512x512xi32>
    %add3A_283 = vector.broadcast %mul3A_281 : i32 to vector<512x512xi32>
    %add3A_284 = arith.addi %add3A_283, %iota3A_282 : vector<512x512xi32>
    %le3A_285 = vector.broadcast %get3A_6 : vector<1x1xf32> to vector<512x512xf32>
    %le3A_286 = arith.cmpf ole, %max3A_274, %le3A_285 : vector<512x512xf32>
    %ne3A_287 = arith.cmpi ne, %add3A_279, %add3A_284 : vector<512x512xi32>
    %and3A_288 = arith.andi %le3A_286, %ne3A_287 : vector<512x512xi1>
    %rsqrt3A_289 = math.rsqrt %max3A_274 : vector<512x512xf32>
    %jit3A_290 = arith.constant 0.000000e+00 : f32
    %broadcast_in_dim3A_291 = vector.broadcast %jit3A_290 : f32 to vector<512x512xf32>
    %select_n3A_292 = arith.select %and3A_288, %rsqrt3A_289, %broadcast_in_dim3A_291 : vector<512x512xi1>, vector<512x512xf32>
    %get3A_293 = arith.constant 0 : index
    %get3A_294 = arith.constant 0 : index
    %get3A_295 = vector.load %arg19[%get3A_293, %get3A_294] : memref<512x16xf32, #tpu.memory_space<vmem>>, vector<512x16xf32>
    %dot_general3A_296 = arith.constant dense<0.000000e+00> : vector<512x16xf32>
    %dot_general3A_297 = tpu.matmul %select_n3A_292, %get3A_295, %dot_general3A_296 {dimension_numbers = #tpu.dot_dimension_numbers<[1], [0], [0], [1], [0, 0, 1, 1], [], []>, transpose_lhs_hint = false} : vector<512x512xf32>, vector<512x16xf32>, vector<512x16xf32> -> vector<512x16xf32>
    %add3A_298 = arith.addf %add3A_256, %dot_general3A_297 : vector<512x16xf32>
    %add3A_299 = arith.constant 7 : i32
    %add3A_300 = arith.addi %get3A_0, %add3A_299 : i32
    %min3A_301 = arith.constant 20 : i32
    %min3A_302 = arith.minsi %add3A_300, %min3A_301 : i32
    %get3A_303 = arith.constant 0 : index
    %get3A_304 = arith.constant 0 : index
    %get3A_305 = vector.load %arg9[%get3A_303, %get3A_304] : memref<8x512xf32, #tpu.memory_space<vmem>>, vector<8x512xf32>
    %slice3A_306 = vector.extract_strided_slice %get3A_305 {offsets = [0, 0], sizes = [2, 512], strides = [1, 1]} : vector<8x512xf32> to vector<2x512xf32>
    %dot_general3A_307 = arith.constant dense<0.000000e+00> : vector<512x512xf32>
    %dot_general3A_308 = tpu.matmul %get3A_9, %slice3A_306, %dot_general3A_307 {dimension_numbers = #tpu.dot_dimension_numbers<[1], [0], [0], [1], [0, 0, 1, 1], [], []>, transpose_lhs_hint = false} : vector<512x2xf32>, vector<2x512xf32>, vector<512x512xf32> -> vector<512x512xf32>
    %slice3A_309 = vector.extract_strided_slice %get3A_305 {offsets = [2, 0], sizes = [1, 512], strides = [1, 1]} : vector<8x512xf32> to vector<1x512xf32>
    %add3A_310 = vector.broadcast %add3A_12 : vector<512x1xf32> to vector<512x512xf32>
    %add3A_311 = vector.broadcast %slice3A_309 : vector<1x512xf32> to vector<512x512xf32>
    %add3A_312 = arith.addf %add3A_310, %add3A_311 : vector<512x512xf32>
    %add3A_313 = arith.addf %add3A_312, %dot_general3A_308 : vector<512x512xf32>
    %max3A_314 = arith.constant 9.99999996E-13 : f32
    %max3A_315 = vector.broadcast %max3A_314 : f32 to vector<512x512xf32>
    %max3A_316 = arith.maximumf %add3A_313, %max3A_315 : vector<512x512xf32>
    %mul3A_317 = arith.constant 512 : i32
    %mul3A_318 = arith.muli %arg0, %mul3A_317 : i32
    %iota3A_319 = tpu.iota {dimensions = array<i32: 0>} : vector<512x512xi32>
    %add3A_320 = vector.broadcast %mul3A_318 : i32 to vector<512x512xi32>
    %add3A_321 = arith.addi %add3A_320, %iota3A_319 : vector<512x512xi32>
    %mul3A_322 = arith.constant 512 : i32
    %mul3A_323 = arith.muli %min3A_302, %mul3A_322 : i32
    %iota3A_324 = tpu.iota {dimensions = array<i32: 1>} : vector<512x512xi32>
    %add3A_325 = vector.broadcast %mul3A_323 : i32 to vector<512x512xi32>
    %add3A_326 = arith.addi %add3A_325, %iota3A_324 : vector<512x512xi32>
    %le3A_327 = vector.broadcast %get3A_6 : vector<1x1xf32> to vector<512x512xf32>
    %le3A_328 = arith.cmpf ole, %max3A_316, %le3A_327 : vector<512x512xf32>
    %ne3A_329 = arith.cmpi ne, %add3A_321, %add3A_326 : vector<512x512xi32>
    %and3A_330 = arith.andi %le3A_328, %ne3A_329 : vector<512x512xi1>
    %rsqrt3A_331 = math.rsqrt %max3A_316 : vector<512x512xf32>
    %jit3A_332 = arith.constant 0.000000e+00 : f32
    %broadcast_in_dim3A_333 = vector.broadcast %jit3A_332 : f32 to vector<512x512xf32>
    %select_n3A_334 = arith.select %and3A_330, %rsqrt3A_331, %broadcast_in_dim3A_333 : vector<512x512xi1>, vector<512x512xf32>
    %get3A_335 = arith.constant 0 : index
    %get3A_336 = arith.constant 0 : index
    %get3A_337 = vector.load %arg20[%get3A_335, %get3A_336] : memref<512x16xf32, #tpu.memory_space<vmem>>, vector<512x16xf32>
    %dot_general3A_338 = arith.constant dense<0.000000e+00> : vector<512x16xf32>
    %dot_general3A_339 = tpu.matmul %select_n3A_334, %get3A_337, %dot_general3A_338 {dimension_numbers = #tpu.dot_dimension_numbers<[1], [0], [0], [1], [0, 0, 1, 1], [], []>, transpose_lhs_hint = false} : vector<512x512xf32>, vector<512x16xf32>, vector<512x16xf32> -> vector<512x16xf32>
    %add3A_340 = arith.addf %add3A_298, %dot_general3A_339 : vector<512x16xf32>
    %add3A_341 = arith.constant 8 : i32
    %add3A_342 = arith.addi %get3A_0, %add3A_341 : i32
    %min3A_343 = arith.constant 20 : i32
    %min3A_344 = arith.minsi %add3A_342, %min3A_343 : i32
    %get3A_345 = arith.constant 0 : index
    %get3A_346 = arith.constant 0 : index
    %get3A_347 = vector.load %arg10[%get3A_345, %get3A_346] : memref<8x512xf32, #tpu.memory_space<vmem>>, vector<8x512xf32>
    %slice3A_348 = vector.extract_strided_slice %get3A_347 {offsets = [0, 0], sizes = [2, 512], strides = [1, 1]} : vector<8x512xf32> to vector<2x512xf32>
    %dot_general3A_349 = arith.constant dense<0.000000e+00> : vector<512x512xf32>
    %dot_general3A_350 = tpu.matmul %get3A_9, %slice3A_348, %dot_general3A_349 {dimension_numbers = #tpu.dot_dimension_numbers<[1], [0], [0], [1], [0, 0, 1, 1], [], []>, transpose_lhs_hint = false} : vector<512x2xf32>, vector<2x512xf32>, vector<512x512xf32> -> vector<512x512xf32>
    %slice3A_351 = vector.extract_strided_slice %get3A_347 {offsets = [2, 0], sizes = [1, 512], strides = [1, 1]} : vector<8x512xf32> to vector<1x512xf32>
    %add3A_352 = vector.broadcast %add3A_12 : vector<512x1xf32> to vector<512x512xf32>
    %add3A_353 = vector.broadcast %slice3A_351 : vector<1x512xf32> to vector<512x512xf32>
    %add3A_354 = arith.addf %add3A_352, %add3A_353 : vector<512x512xf32>
    %add3A_355 = arith.addf %add3A_354, %dot_general3A_350 : vector<512x512xf32>
    %max3A_356 = arith.constant 9.99999996E-13 : f32
    %max3A_357 = vector.broadcast %max3A_356 : f32 to vector<512x512xf32>
    %max3A_358 = arith.maximumf %add3A_355, %max3A_357 : vector<512x512xf32>
    %mul3A_359 = arith.constant 512 : i32
    %mul3A_360 = arith.muli %arg0, %mul3A_359 : i32
    %iota3A_361 = tpu.iota {dimensions = array<i32: 0>} : vector<512x512xi32>
    %add3A_362 = vector.broadcast %mul3A_360 : i32 to vector<512x512xi32>
    %add3A_363 = arith.addi %add3A_362, %iota3A_361 : vector<512x512xi32>
    %mul3A_364 = arith.constant 512 : i32
    %mul3A_365 = arith.muli %min3A_344, %mul3A_364 : i32
    %iota3A_366 = tpu.iota {dimensions = array<i32: 1>} : vector<512x512xi32>
    %add3A_367 = vector.broadcast %mul3A_365 : i32 to vector<512x512xi32>
    %add3A_368 = arith.addi %add3A_367, %iota3A_366 : vector<512x512xi32>
    %le3A_369 = vector.broadcast %get3A_6 : vector<1x1xf32> to vector<512x512xf32>
    %le3A_370 = arith.cmpf ole, %max3A_358, %le3A_369 : vector<512x512xf32>
    %ne3A_371 = arith.cmpi ne, %add3A_363, %add3A_368 : vector<512x512xi32>
    %and3A_372 = arith.andi %le3A_370, %ne3A_371 : vector<512x512xi1>
    %rsqrt3A_373 = math.rsqrt %max3A_358 : vector<512x512xf32>
    %jit3A_374 = arith.constant 0.000000e+00 : f32
    %broadcast_in_dim3A_375 = vector.broadcast %jit3A_374 : f32 to vector<512x512xf32>
    %select_n3A_376 = arith.select %and3A_372, %rsqrt3A_373, %broadcast_in_dim3A_375 : vector<512x512xi1>, vector<512x512xf32>
    %get3A_377 = arith.constant 0 : index
    %get3A_378 = arith.constant 0 : index
    %get3A_379 = vector.load %arg21[%get3A_377, %get3A_378] : memref<512x16xf32, #tpu.memory_space<vmem>>, vector<512x16xf32>
    %dot_general3A_380 = arith.constant dense<0.000000e+00> : vector<512x16xf32>
    %dot_general3A_381 = tpu.matmul %select_n3A_376, %get3A_379, %dot_general3A_380 {dimension_numbers = #tpu.dot_dimension_numbers<[1], [0], [0], [1], [0, 0, 1, 1], [], []>, transpose_lhs_hint = false} : vector<512x512xf32>, vector<512x16xf32>, vector<512x16xf32> -> vector<512x16xf32>
    %add3A_382 = arith.addf %add3A_340, %dot_general3A_381 : vector<512x16xf32>
    %add3A_383 = arith.constant 9 : i32
    %add3A_384 = arith.addi %get3A_0, %add3A_383 : i32
    %min3A_385 = arith.constant 20 : i32
    %min3A_386 = arith.minsi %add3A_384, %min3A_385 : i32
    %get3A_387 = arith.constant 0 : index
    %get3A_388 = arith.constant 0 : index
    %get3A_389 = vector.load %arg11[%get3A_387, %get3A_388] : memref<8x512xf32, #tpu.memory_space<vmem>>, vector<8x512xf32>
    %slice3A_390 = vector.extract_strided_slice %get3A_389 {offsets = [0, 0], sizes = [2, 512], strides = [1, 1]} : vector<8x512xf32> to vector<2x512xf32>
    %dot_general3A_391 = arith.constant dense<0.000000e+00> : vector<512x512xf32>
    %dot_general3A_392 = tpu.matmul %get3A_9, %slice3A_390, %dot_general3A_391 {dimension_numbers = #tpu.dot_dimension_numbers<[1], [0], [0], [1], [0, 0, 1, 1], [], []>, transpose_lhs_hint = false} : vector<512x2xf32>, vector<2x512xf32>, vector<512x512xf32> -> vector<512x512xf32>
    %slice3A_393 = vector.extract_strided_slice %get3A_389 {offsets = [2, 0], sizes = [1, 512], strides = [1, 1]} : vector<8x512xf32> to vector<1x512xf32>
    %add3A_394 = vector.broadcast %add3A_12 : vector<512x1xf32> to vector<512x512xf32>
    %add3A_395 = vector.broadcast %slice3A_393 : vector<1x512xf32> to vector<512x512xf32>
    %add3A_396 = arith.addf %add3A_394, %add3A_395 : vector<512x512xf32>
    %add3A_397 = arith.addf %add3A_396, %dot_general3A_392 : vector<512x512xf32>
    %max3A_398 = arith.constant 9.99999996E-13 : f32
    %max3A_399 = vector.broadcast %max3A_398 : f32 to vector<512x512xf32>
    %max3A_400 = arith.maximumf %add3A_397, %max3A_399 : vector<512x512xf32>
    %mul3A_401 = arith.constant 512 : i32
    %mul3A_402 = arith.muli %arg0, %mul3A_401 : i32
    %iota3A_403 = tpu.iota {dimensions = array<i32: 0>} : vector<512x512xi32>
    %add3A_404 = vector.broadcast %mul3A_402 : i32 to vector<512x512xi32>
    %add3A_405 = arith.addi %add3A_404, %iota3A_403 : vector<512x512xi32>
    %mul3A_406 = arith.constant 512 : i32
    %mul3A_407 = arith.muli %min3A_386, %mul3A_406 : i32
    %iota3A_408 = tpu.iota {dimensions = array<i32: 1>} : vector<512x512xi32>
    %add3A_409 = vector.broadcast %mul3A_407 : i32 to vector<512x512xi32>
    %add3A_410 = arith.addi %add3A_409, %iota3A_408 : vector<512x512xi32>
    %le3A_411 = vector.broadcast %get3A_6 : vector<1x1xf32> to vector<512x512xf32>
    %le3A_412 = arith.cmpf ole, %max3A_400, %le3A_411 : vector<512x512xf32>
    %ne3A_413 = arith.cmpi ne, %add3A_405, %add3A_410 : vector<512x512xi32>
    %and3A_414 = arith.andi %le3A_412, %ne3A_413 : vector<512x512xi1>
    %rsqrt3A_415 = math.rsqrt %max3A_400 : vector<512x512xf32>
    %jit3A_416 = arith.constant 0.000000e+00 : f32
    %broadcast_in_dim3A_417 = vector.broadcast %jit3A_416 : f32 to vector<512x512xf32>
    %select_n3A_418 = arith.select %and3A_414, %rsqrt3A_415, %broadcast_in_dim3A_417 : vector<512x512xi1>, vector<512x512xf32>
    %get3A_419 = arith.constant 0 : index
    %get3A_420 = arith.constant 0 : index
    %get3A_421 = vector.load %arg22[%get3A_419, %get3A_420] : memref<512x16xf32, #tpu.memory_space<vmem>>, vector<512x16xf32>
    %dot_general3A_422 = arith.constant dense<0.000000e+00> : vector<512x16xf32>
    %dot_general3A_423 = tpu.matmul %select_n3A_418, %get3A_421, %dot_general3A_422 {dimension_numbers = #tpu.dot_dimension_numbers<[1], [0], [0], [1], [0, 0, 1, 1], [], []>, transpose_lhs_hint = false} : vector<512x512xf32>, vector<512x16xf32>, vector<512x16xf32> -> vector<512x16xf32>
    %add3A_424 = arith.addf %add3A_382, %dot_general3A_423 : vector<512x16xf32>
    %add3A_425 = arith.constant 10 : i32
    %add3A_426 = arith.addi %get3A_0, %add3A_425 : i32
    %min3A_427 = arith.constant 20 : i32
    %min3A_428 = arith.minsi %add3A_426, %min3A_427 : i32
    %get3A_429 = arith.constant 0 : index
    %get3A_430 = arith.constant 0 : index
    %get3A_431 = vector.load %arg12[%get3A_429, %get3A_430] : memref<8x512xf32, #tpu.memory_space<vmem>>, vector<8x512xf32>
    %slice3A_432 = vector.extract_strided_slice %get3A_431 {offsets = [0, 0], sizes = [2, 512], strides = [1, 1]} : vector<8x512xf32> to vector<2x512xf32>
    %dot_general3A_433 = arith.constant dense<0.000000e+00> : vector<512x512xf32>
    %dot_general3A_434 = tpu.matmul %get3A_9, %slice3A_432, %dot_general3A_433 {dimension_numbers = #tpu.dot_dimension_numbers<[1], [0], [0], [1], [0, 0, 1, 1], [], []>, transpose_lhs_hint = false} : vector<512x2xf32>, vector<2x512xf32>, vector<512x512xf32> -> vector<512x512xf32>
    %slice3A_435 = vector.extract_strided_slice %get3A_431 {offsets = [2, 0], sizes = [1, 512], strides = [1, 1]} : vector<8x512xf32> to vector<1x512xf32>
    %add3A_436 = vector.broadcast %add3A_12 : vector<512x1xf32> to vector<512x512xf32>
    %add3A_437 = vector.broadcast %slice3A_435 : vector<1x512xf32> to vector<512x512xf32>
    %add3A_438 = arith.addf %add3A_436, %add3A_437 : vector<512x512xf32>
    %add3A_439 = arith.addf %add3A_438, %dot_general3A_434 : vector<512x512xf32>
    %max3A_440 = arith.constant 9.99999996E-13 : f32
    %max3A_441 = vector.broadcast %max3A_440 : f32 to vector<512x512xf32>
    %max3A_442 = arith.maximumf %add3A_439, %max3A_441 : vector<512x512xf32>
    %mul3A_443 = arith.constant 512 : i32
    %mul3A_444 = arith.muli %arg0, %mul3A_443 : i32
    %iota3A_445 = tpu.iota {dimensions = array<i32: 0>} : vector<512x512xi32>
    %add3A_446 = vector.broadcast %mul3A_444 : i32 to vector<512x512xi32>
    %add3A_447 = arith.addi %add3A_446, %iota3A_445 : vector<512x512xi32>
    %mul3A_448 = arith.constant 512 : i32
    %mul3A_449 = arith.muli %min3A_428, %mul3A_448 : i32
    %iota3A_450 = tpu.iota {dimensions = array<i32: 1>} : vector<512x512xi32>
    %add3A_451 = vector.broadcast %mul3A_449 : i32 to vector<512x512xi32>
    %add3A_452 = arith.addi %add3A_451, %iota3A_450 : vector<512x512xi32>
    %le3A_453 = vector.broadcast %get3A_6 : vector<1x1xf32> to vector<512x512xf32>
    %le3A_454 = arith.cmpf ole, %max3A_442, %le3A_453 : vector<512x512xf32>
    %ne3A_455 = arith.cmpi ne, %add3A_447, %add3A_452 : vector<512x512xi32>
    %and3A_456 = arith.andi %le3A_454, %ne3A_455 : vector<512x512xi1>
    %rsqrt3A_457 = math.rsqrt %max3A_442 : vector<512x512xf32>
    %jit3A_458 = arith.constant 0.000000e+00 : f32
    %broadcast_in_dim3A_459 = vector.broadcast %jit3A_458 : f32 to vector<512x512xf32>
    %select_n3A_460 = arith.select %and3A_456, %rsqrt3A_457, %broadcast_in_dim3A_459 : vector<512x512xi1>, vector<512x512xf32>
    %get3A_461 = arith.constant 0 : index
    %get3A_462 = arith.constant 0 : index
    %get3A_463 = vector.load %arg23[%get3A_461, %get3A_462] : memref<512x16xf32, #tpu.memory_space<vmem>>, vector<512x16xf32>
    %dot_general3A_464 = arith.constant dense<0.000000e+00> : vector<512x16xf32>
    %dot_general3A_465 = tpu.matmul %select_n3A_460, %get3A_463, %dot_general3A_464 {dimension_numbers = #tpu.dot_dimension_numbers<[1], [0], [0], [1], [0, 0, 1, 1], [], []>, transpose_lhs_hint = false} : vector<512x512xf32>, vector<512x16xf32>, vector<512x16xf32> -> vector<512x16xf32>
    %add3A_466 = arith.addf %add3A_424, %dot_general3A_465 : vector<512x16xf32>
    %add3A_467 = arith.constant 11 : i32
    %add3A_468 = arith.addi %get3A_0, %add3A_467 : i32
    %add3A_469 = arith.constant 1 : i32
    %add3A_470 = arith.addi %get3A_3, %add3A_469 : i32
    %while3A = arith.subi %add3A_470, %add3A_468 : i32
    %while3A_471 = arith.addi %add3A_468, %while3A : i32
    %while3A_472 = arith.constant 1 : i32
    %while3A_473 = arith.divsi %while3A, %while3A_472 : i32
    %while3A_474 = arith.muli %while3A_473, %while3A_472 : i32
    %while3A_475 = arith.addi %add3A_468, %while3A_474 : i32
    %while3A_476 = arith.constant 1 : i32
    %while3A_477 = scf.for %while3A_502 = %add3A_468 to %while3A_475 step %while3A_476 iter_args(%while3A_503 = %add3A_466) -> (vector<512x16xf32>)  : i32 {
      %mul3A_504 = arith.constant 512 : i32
      %mul3A_505 = arith.muli %while3A_502, %mul3A_504 : i32
      %get3A_506 = arith.constant 0 : index
      %get3A_507 = arith.index_cast %mul3A_505 : i32 to index
      %get3A_508 = vector.load %arg24[%get3A_506, %get3A_507] : memref<8x10752xf32, #tpu.memory_space<vmem>>, vector<8x512xf32>
      %slice3A_509 = vector.extract_strided_slice %get3A_508 {offsets = [0, 0], sizes = [2, 512], strides = [1, 1]} : vector<8x512xf32> to vector<2x512xf32>
      %dot_general3A_510 = arith.constant dense<0.000000e+00> : vector<512x512xf32>
      %dot_general3A_511 = tpu.matmul %get3A_9, %slice3A_509, %dot_general3A_510 {dimension_numbers = #tpu.dot_dimension_numbers<[1], [0], [0], [1], [0, 0, 1, 1], [], []>, transpose_lhs_hint = false} : vector<512x2xf32>, vector<2x512xf32>, vector<512x512xf32> -> vector<512x512xf32>
      %slice3A_512 = vector.extract_strided_slice %get3A_508 {offsets = [2, 0], sizes = [1, 512], strides = [1, 1]} : vector<8x512xf32> to vector<1x512xf32>
      %add3A_513 = vector.broadcast %add3A_12 : vector<512x1xf32> to vector<512x512xf32>
      %add3A_514 = vector.broadcast %slice3A_512 : vector<1x512xf32> to vector<512x512xf32>
      %add3A_515 = arith.addf %add3A_513, %add3A_514 : vector<512x512xf32>
      %add3A_516 = arith.addf %add3A_515, %dot_general3A_511 : vector<512x512xf32>
      %max3A_517 = arith.constant 9.99999996E-13 : f32
      %max3A_518 = vector.broadcast %max3A_517 : f32 to vector<512x512xf32>
      %max3A_519 = arith.maximumf %add3A_516, %max3A_518 : vector<512x512xf32>
      %mul3A_520 = arith.constant 512 : i32
      %mul3A_521 = arith.muli %arg0, %mul3A_520 : i32
      %iota3A_522 = tpu.iota {dimensions = array<i32: 0>} : vector<512x512xi32>
      %add3A_523 = vector.broadcast %mul3A_521 : i32 to vector<512x512xi32>
      %add3A_524 = arith.addi %add3A_523, %iota3A_522 : vector<512x512xi32>
      %mul3A_525 = arith.constant 512 : i32
      %mul3A_526 = arith.muli %while3A_502, %mul3A_525 : i32
      %iota3A_527 = tpu.iota {dimensions = array<i32: 1>} : vector<512x512xi32>
      %add3A_528 = vector.broadcast %mul3A_526 : i32 to vector<512x512xi32>
      %add3A_529 = arith.addi %add3A_528, %iota3A_527 : vector<512x512xi32>
      %le3A_530 = vector.broadcast %get3A_6 : vector<1x1xf32> to vector<512x512xf32>
      %le3A_531 = arith.cmpf ole, %max3A_519, %le3A_530 : vector<512x512xf32>
      %ne3A_532 = arith.cmpi ne, %add3A_524, %add3A_529 : vector<512x512xi32>
      %and3A_533 = arith.andi %le3A_531, %ne3A_532 : vector<512x512xi1>
      %rsqrt3A_534 = math.rsqrt %max3A_519 : vector<512x512xf32>
      %jit3A_535 = arith.constant 0.000000e+00 : f32
      %broadcast_in_dim3A_536 = vector.broadcast %jit3A_535 : f32 to vector<512x512xf32>
      %select_n3A_537 = arith.select %and3A_533, %rsqrt3A_534, %broadcast_in_dim3A_536 : vector<512x512xi1>, vector<512x512xf32>
      %mul3A_538 = arith.constant 512 : i32
      %mul3A_539 = arith.muli %while3A_502, %mul3A_538 : i32
      %get3A_540 = arith.index_cast %mul3A_539 : i32 to index
      %get3A_541 = arith.constant 0 : index
      %get3A_542 = vector.load %arg26[%get3A_540, %get3A_541] : memref<10752x16xf32, #tpu.memory_space<vmem>>, vector<512x16xf32>
      %dot_general3A_543 = arith.constant dense<0.000000e+00> : vector<512x16xf32>
      %dot_general3A_544 = tpu.matmul %select_n3A_537, %get3A_542, %dot_general3A_543 {dimension_numbers = #tpu.dot_dimension_numbers<[1], [0], [0], [1], [0, 0, 1, 1], [], []>, transpose_lhs_hint = false} : vector<512x512xf32>, vector<512x16xf32>, vector<512x16xf32> -> vector<512x16xf32>
      %add3A_545 = arith.addf %while3A_503, %dot_general3A_544 : vector<512x16xf32>
      scf.yield %add3A_545 : vector<512x16xf32>
    }
    %while3A_478 = arith.constant 1 : i32
    %while3A_479 = scf.for %while3A_502 = %while3A_475 to %while3A_471 step %while3A_478 iter_args(%while3A_503 = %while3A_477) -> (vector<512x16xf32>)  : i32 {
      %mul3A_504 = arith.constant 512 : i32
      %mul3A_505 = arith.muli %while3A_502, %mul3A_504 : i32
      %get3A_506 = arith.constant 0 : index
      %get3A_507 = arith.index_cast %mul3A_505 : i32 to index
      %get3A_508 = vector.load %arg24[%get3A_506, %get3A_507] : memref<8x10752xf32, #tpu.memory_space<vmem>>, vector<8x512xf32>
      %slice3A_509 = vector.extract_strided_slice %get3A_508 {offsets = [0, 0], sizes = [2, 512], strides = [1, 1]} : vector<8x512xf32> to vector<2x512xf32>
      %dot_general3A_510 = arith.constant dense<0.000000e+00> : vector<512x512xf32>
      %dot_general3A_511 = tpu.matmul %get3A_9, %slice3A_509, %dot_general3A_510 {dimension_numbers = #tpu.dot_dimension_numbers<[1], [0], [0], [1], [0, 0, 1, 1], [], []>, transpose_lhs_hint = false} : vector<512x2xf32>, vector<2x512xf32>, vector<512x512xf32> -> vector<512x512xf32>
      %slice3A_512 = vector.extract_strided_slice %get3A_508 {offsets = [2, 0], sizes = [1, 512], strides = [1, 1]} : vector<8x512xf32> to vector<1x512xf32>
      %add3A_513 = vector.broadcast %add3A_12 : vector<512x1xf32> to vector<512x512xf32>
      %add3A_514 = vector.broadcast %slice3A_512 : vector<1x512xf32> to vector<512x512xf32>
      %add3A_515 = arith.addf %add3A_513, %add3A_514 : vector<512x512xf32>
      %add3A_516 = arith.addf %add3A_515, %dot_general3A_511 : vector<512x512xf32>
      %max3A_517 = arith.constant 9.99999996E-13 : f32
      %max3A_518 = vector.broadcast %max3A_517 : f32 to vector<512x512xf32>
      %max3A_519 = arith.maximumf %add3A_516, %max3A_518 : vector<512x512xf32>
      %mul3A_520 = arith.constant 512 : i32
      %mul3A_521 = arith.muli %arg0, %mul3A_520 : i32
      %iota3A_522 = tpu.iota {dimensions = array<i32: 0>} : vector<512x512xi32>
      %add3A_523 = vector.broadcast %mul3A_521 : i32 to vector<512x512xi32>
      %add3A_524 = arith.addi %add3A_523, %iota3A_522 : vector<512x512xi32>
      %mul3A_525 = arith.constant 512 : i32
      %mul3A_526 = arith.muli %while3A_502, %mul3A_525 : i32
      %iota3A_527 = tpu.iota {dimensions = array<i32: 1>} : vector<512x512xi32>
      %add3A_528 = vector.broadcast %mul3A_526 : i32 to vector<512x512xi32>
      %add3A_529 = arith.addi %add3A_528, %iota3A_527 : vector<512x512xi32>
      %le3A_530 = vector.broadcast %get3A_6 : vector<1x1xf32> to vector<512x512xf32>
      %le3A_531 = arith.cmpf ole, %max3A_519, %le3A_530 : vector<512x512xf32>
      %ne3A_532 = arith.cmpi ne, %add3A_524, %add3A_529 : vector<512x512xi32>
      %and3A_533 = arith.andi %le3A_531, %ne3A_532 : vector<512x512xi1>
      %rsqrt3A_534 = math.rsqrt %max3A_519 : vector<512x512xf32>
      %jit3A_535 = arith.constant 0.000000e+00 : f32
      %broadcast_in_dim3A_536 = vector.broadcast %jit3A_535 : f32 to vector<512x512xf32>
      %select_n3A_537 = arith.select %and3A_533, %rsqrt3A_534, %broadcast_in_dim3A_536 : vector<512x512xi1>, vector<512x512xf32>
      %mul3A_538 = arith.constant 512 : i32
      %mul3A_539 = arith.muli %while3A_502, %mul3A_538 : i32
      %get3A_540 = arith.index_cast %mul3A_539 : i32 to index
      %get3A_541 = arith.constant 0 : index
      %get3A_542 = vector.load %arg26[%get3A_540, %get3A_541] : memref<10752x16xf32, #tpu.memory_space<vmem>>, vector<512x16xf32>
      %dot_general3A_543 = arith.constant dense<0.000000e+00> : vector<512x16xf32>
      %dot_general3A_544 = tpu.matmul %select_n3A_537, %get3A_542, %dot_general3A_543 {dimension_numbers = #tpu.dot_dimension_numbers<[1], [0], [0], [1], [0, 0, 1, 1], [], []>, transpose_lhs_hint = false} : vector<512x512xf32>, vector<512x16xf32>, vector<512x16xf32> -> vector<512x16xf32>
      %add3A_545 = arith.addf %while3A_503, %dot_general3A_544 : vector<512x16xf32>
      scf.yield %add3A_545 : vector<512x16xf32>
    }
    %get3A_480 = arith.constant 0 : index
    %get3A_481 = arith.constant 0 : index
    %get3A_482 = vector.load %arg28[%get3A_480, %get3A_481] : memref<512x8xf32, #tpu.memory_space<vmem>>, vector<512x1xf32>
    %mul3A_483 = vector.broadcast %get3A_482 : vector<512x1xf32> to vector<512x16xf32>
    %mul3A_484 = arith.mulf %mul3A_483, %while3A_479 : vector<512x16xf32>
    %get3A_485 = arith.constant 0 : index
    %get3A_486 = arith.constant 0 : index
    %get3A_487 = vector.load %arg30[%get3A_485, %get3A_486] : memref<1x16xf32, #tpu.memory_space<vmem>>, vector<1x16xf32>
    %add3A_488 = vector.broadcast %get3A_487 : vector<1x16xf32> to vector<512x16xf32>
    %add3A_489 = arith.addf %mul3A_484, %add3A_488 : vector<512x16xf32>
    %max3A_490 = arith.constant 0.000000e+00 : f32
    %max3A_491 = vector.broadcast %max3A_490 : f32 to vector<512x16xf32>
    %max3A_492 = arith.maximumf %add3A_489, %max3A_491 : vector<512x16xf32>
    %get3A_493 = arith.constant 0 : index
    %get3A_494 = arith.constant 0 : index
    %get3A_495 = vector.load %arg29[%get3A_493, %get3A_494] : memref<16x8xf32, #tpu.memory_space<vmem>>, vector<16x8xf32>
    %dot_general3A_496 = arith.constant dense<0.000000e+00> : vector<512x8xf32>
    %dot_general3A_497 = tpu.matmul %max3A_492, %get3A_495, %dot_general3A_496 {dimension_numbers = #tpu.dot_dimension_numbers<[1], [0], [0], [1], [0, 0, 1, 1], [], []>, transpose_lhs_hint = false} : vector<512x16xf32>, vector<16x8xf32>, vector<512x8xf32> -> vector<512x8xf32>
    %mul3A_498 = vector.broadcast %get3A_482 : vector<512x1xf32> to vector<512x8xf32>
    %mul3A_499 = arith.mulf %mul3A_498, %dot_general3A_497 : vector<512x8xf32>
    %swap3A = arith.constant 0 : index
    %swap3A_500 = arith.constant 0 : index
    %swap3A_501 = vector.load %arg32[%swap3A, %swap3A_500] : memref<512x8xf32, #tpu.memory_space<vmem>>, vector<512x8xf32>
    tpu.vector_store %arg32[%swap3A, %swap3A_500], %mul3A_499 {strides = array<i32>} : memref<512x8xf32, #tpu.memory_space<vmem>>, vector<512x8xf32>,
    return
  }
  func.func @transform_0(%arg0: i32, %arg1: memref<42xi32, #tpu.memory_space<smem>>) -> (i32, i32) {
    %get3A = arith.index_cast %arg0 : i32 to index
    %get3A_0 = memref.load %arg1[%get3A] : memref<42xi32, #tpu.memory_space<smem>>
    %add3A = arith.constant 0 : i32
    %add3A_1 = arith.addi %get3A_0, %add3A : i32
    %min3A = arith.constant 20 : i32
    %min3A_2 = arith.minsi %add3A_1, %min3A : i32
    %c0_i32 = arith.constant 0 : i32
    %c0_i32_3 = arith.constant 0 : i32
    return %c0_i32, %min3A_2 : i32, i32
  }
  func.func @transform_1(%arg0: i32, %arg1: memref<42xi32, #tpu.memory_space<smem>>) -> (i32, i32) {
    %get3A = arith.index_cast %arg0 : i32 to index
    %get3A_0 = memref.load %arg1[%get3A] : memref<42xi32, #tpu.memory_space<smem>>
    %add3A = arith.constant 1 : i32
    %add3A_1 = arith.addi %get3A_0, %add3A : i32
    %min3A = arith.constant 20 : i32
    %min3A_2 = arith.minsi %add3A_1, %min3A : i32
    %c0_i32 = arith.constant 0 : i32
    %c0_i32_3 = arith.constant 0 : i32
    return %c0_i32, %min3A_2 : i32, i32
  }
  func.func @transform_2(%arg0: i32, %arg1: memref<42xi32, #tpu.memory_space<smem>>) -> (i32, i32) {
    %get3A = arith.index_cast %arg0 : i32 to index
    %get3A_0 = memref.load %arg1[%get3A] : memref<42xi32, #tpu.memory_space<smem>>
    %add3A = arith.constant 2 : i32
    %add3A_1 = arith.addi %get3A_0, %add3A : i32
    %min3A = arith.constant 20 : i32
    %min3A_2 = arith.minsi %add3A_1, %min3A : i32
    %c0_i32 = arith.constant 0 : i32
    %c0_i32_3 = arith.constant 0 : i32
    return %c0_i32, %min3A_2 : i32, i32
  }
  func.func @transform_3(%arg0: i32, %arg1: memref<42xi32, #tpu.memory_space<smem>>) -> (i32, i32) {
    %get3A = arith.index_cast %arg0 : i32 to index
    %get3A_0 = memref.load %arg1[%get3A] : memref<42xi32, #tpu.memory_space<smem>>
    %add3A = arith.constant 3 : i32
    %add3A_1 = arith.addi %get3A_0, %add3A : i32
    %min3A = arith.constant 20 : i32
    %min3A_2 = arith.minsi %add3A_1, %min3A : i32
    %c0_i32 = arith.constant 0 : i32
    %c0_i32_3 = arith.constant 0 : i32
    return %c0_i32, %min3A_2 : i32, i32
  }
  func.func @transform_4(%arg0: i32, %arg1: memref<42xi32, #tpu.memory_space<smem>>) -> (i32, i32) {
    %get3A = arith.index_cast %arg0 : i32 to index
    %get3A_0 = memref.load %arg1[%get3A] : memref<42xi32, #tpu.memory_space<smem>>
    %add3A = arith.constant 4 : i32
    %add3A_1 = arith.addi %get3A_0, %add3A : i32
    %min3A = arith.constant 20 : i32
    %min3A_2 = arith.minsi %add3A_1, %min3A : i32
    %c0_i32 = arith.constant 0 : i32
    %c0_i32_3 = arith.constant 0 : i32
    return %c0_i32, %min3A_2 : i32, i32
  }
  func.func @transform_5(%arg0: i32, %arg1: memref<42xi32, #tpu.memory_space<smem>>) -> (i32, i32) {
    %get3A = arith.index_cast %arg0 : i32 to index
    %get3A_0 = memref.load %arg1[%get3A] : memref<42xi32, #tpu.memory_space<smem>>
    %add3A = arith.constant 5 : i32
    %add3A_1 = arith.addi %get3A_0, %add3A : i32
    %min3A = arith.constant 20 : i32
    %min3A_2 = arith.minsi %add3A_1, %min3A : i32
    %c0_i32 = arith.constant 0 : i32
    %c0_i32_3 = arith.constant 0 : i32
    return %c0_i32, %min3A_2 : i32, i32
  }
  func.func @transform_6(%arg0: i32, %arg1: memref<42xi32, #tpu.memory_space<smem>>) -> (i32, i32) {
    %get3A = arith.index_cast %arg0 : i32 to index
    %get3A_0 = memref.load %arg1[%get3A] : memref<42xi32, #tpu.memory_space<smem>>
    %add3A = arith.constant 6 : i32
    %add3A_1 = arith.addi %get3A_0, %add3A : i32
    %min3A = arith.constant 20 : i32
    %min3A_2 = arith.minsi %add3A_1, %min3A : i32
    %c0_i32 = arith.constant 0 : i32
    %c0_i32_3 = arith.constant 0 : i32
    return %c0_i32, %min3A_2 : i32, i32
  }
  func.func @transform_7(%arg0: i32, %arg1: memref<42xi32, #tpu.memory_space<smem>>) -> (i32, i32) {
    %get3A = arith.index_cast %arg0 : i32 to index
    %get3A_0 = memref.load %arg1[%get3A] : memref<42xi32, #tpu.memory_space<smem>>
    %add3A = arith.constant 7 : i32
    %add3A_1 = arith.addi %get3A_0, %add3A : i32
    %min3A = arith.constant 20 : i32
    %min3A_2 = arith.minsi %add3A_1, %min3A : i32
    %c0_i32 = arith.constant 0 : i32
    %c0_i32_3 = arith.constant 0 : i32
    return %c0_i32, %min3A_2 : i32, i32
  }
  func.func @transform_8(%arg0: i32, %arg1: memref<42xi32, #tpu.memory_space<smem>>) -> (i32, i32) {
    %get3A = arith.index_cast %arg0 : i32 to index
    %get3A_0 = memref.load %arg1[%get3A] : memref<42xi32, #tpu.memory_space<smem>>
    %add3A = arith.constant 8 : i32
    %add3A_1 = arith.addi %get3A_0, %add3A : i32
    %min3A = arith.constant 20 : i32
    %min3A_2 = arith.minsi %add3A_1, %min3A : i32
    %c0_i32 = arith.constant 0 : i32
    %c0_i32_3 = arith.constant 0 : i32
    return %c0_i32, %min3A_2 : i32, i32
  }
  func.func @transform_9(%arg0: i32, %arg1: memref<42xi32, #tpu.memory_space<smem>>) -> (i32, i32) {
    %get3A = arith.index_cast %arg0 : i32 to index
    %get3A_0 = memref.load %arg1[%get3A] : memref<42xi32, #tpu.memory_space<smem>>
    %add3A = arith.constant 9 : i32
    %add3A_1 = arith.addi %get3A_0, %add3A : i32
    %min3A = arith.constant 20 : i32
    %min3A_2 = arith.minsi %add3A_1, %min3A : i32
    %c0_i32 = arith.constant 0 : i32
    %c0_i32_3 = arith.constant 0 : i32
    return %c0_i32, %min3A_2 : i32, i32
  }
  func.func @transform_10(%arg0: i32, %arg1: memref<42xi32, #tpu.memory_space<smem>>) -> (i32, i32) {
    %get3A = arith.index_cast %arg0 : i32 to index
    %get3A_0 = memref.load %arg1[%get3A] : memref<42xi32, #tpu.memory_space<smem>>
    %add3A = arith.constant 10 : i32
    %add3A_1 = arith.addi %get3A_0, %add3A : i32
    %min3A = arith.constant 20 : i32
    %min3A_2 = arith.minsi %add3A_1, %min3A : i32
    %c0_i32 = arith.constant 0 : i32
    %c0_i32_3 = arith.constant 0 : i32
    return %c0_i32, %min3A_2 : i32, i32
  }
  func.func @transform_11(%arg0: i32, %arg1: memref<42xi32, #tpu.memory_space<smem>>) -> (i32, i32) {
    %get3A = arith.index_cast %arg0 : i32 to index
    %get3A_0 = memref.load %arg1[%get3A] : memref<42xi32, #tpu.memory_space<smem>>
    %add3A = arith.constant 0 : i32
    %add3A_1 = arith.addi %get3A_0, %add3A : i32
    %min3A = arith.constant 20 : i32
    %min3A_2 = arith.minsi %add3A_1, %min3A : i32
    %c0_i32 = arith.constant 0 : i32
    %c0_i32_3 = arith.constant 0 : i32
    return %min3A_2, %c0_i32 : i32, i32
  }
  func.func @transform_12(%arg0: i32, %arg1: memref<42xi32, #tpu.memory_space<smem>>) -> (i32, i32) {
    %get3A = arith.index_cast %arg0 : i32 to index
    %get3A_0 = memref.load %arg1[%get3A] : memref<42xi32, #tpu.memory_space<smem>>
    %add3A = arith.constant 1 : i32
    %add3A_1 = arith.addi %get3A_0, %add3A : i32
    %min3A = arith.constant 20 : i32
    %min3A_2 = arith.minsi %add3A_1, %min3A : i32
    %c0_i32 = arith.constant 0 : i32
    %c0_i32_3 = arith.constant 0 : i32
    return %min3A_2, %c0_i32 : i32, i32
  }
  func.func @transform_13(%arg0: i32, %arg1: memref<42xi32, #tpu.memory_space<smem>>) -> (i32, i32) {
    %get3A = arith.index_cast %arg0 : i32 to index
    %get3A_0 = memref.load %arg1[%get3A] : memref<42xi32, #tpu.memory_space<smem>>
    %add3A = arith.constant 2 : i32
    %add3A_1 = arith.addi %get3A_0, %add3A : i32
    %min3A = arith.constant 20 : i32
    %min3A_2 = arith.minsi %add3A_1, %min3A : i32
    %c0_i32 = arith.constant 0 : i32
    %c0_i32_3 = arith.constant 0 : i32
    return %min3A_2, %c0_i32 : i32, i32
  }
  func.func @transform_14(%arg0: i32, %arg1: memref<42xi32, #tpu.memory_space<smem>>) -> (i32, i32) {
    %get3A = arith.index_cast %arg0 : i32 to index
    %get3A_0 = memref.load %arg1[%get3A] : memref<42xi32, #tpu.memory_space<smem>>
    %add3A = arith.constant 3 : i32
    %add3A_1 = arith.addi %get3A_0, %add3A : i32
    %min3A = arith.constant 20 : i32
    %min3A_2 = arith.minsi %add3A_1, %min3A : i32
    %c0_i32 = arith.constant 0 : i32
    %c0_i32_3 = arith.constant 0 : i32
    return %min3A_2, %c0_i32 : i32, i32
  }
  func.func @transform_15(%arg0: i32, %arg1: memref<42xi32, #tpu.memory_space<smem>>) -> (i32, i32) {
    %get3A = arith.index_cast %arg0 : i32 to index
    %get3A_0 = memref.load %arg1[%get3A] : memref<42xi32, #tpu.memory_space<smem>>
    %add3A = arith.constant 4 : i32
    %add3A_1 = arith.addi %get3A_0, %add3A : i32
    %min3A = arith.constant 20 : i32
    %min3A_2 = arith.minsi %add3A_1, %min3A : i32
    %c0_i32 = arith.constant 0 : i32
    %c0_i32_3 = arith.constant 0 : i32
    return %min3A_2, %c0_i32 : i32, i32
  }
  func.func @transform_16(%arg0: i32, %arg1: memref<42xi32, #tpu.memory_space<smem>>) -> (i32, i32) {
    %get3A = arith.index_cast %arg0 : i32 to index
    %get3A_0 = memref.load %arg1[%get3A] : memref<42xi32, #tpu.memory_space<smem>>
    %add3A = arith.constant 5 : i32
    %add3A_1 = arith.addi %get3A_0, %add3A : i32
    %min3A = arith.constant 20 : i32
    %min3A_2 = arith.minsi %add3A_1, %min3A : i32
    %c0_i32 = arith.constant 0 : i32
    %c0_i32_3 = arith.constant 0 : i32
    return %min3A_2, %c0_i32 : i32, i32
  }
  func.func @transform_17(%arg0: i32, %arg1: memref<42xi32, #tpu.memory_space<smem>>) -> (i32, i32) {
    %get3A = arith.index_cast %arg0 : i32 to index
    %get3A_0 = memref.load %arg1[%get3A] : memref<42xi32, #tpu.memory_space<smem>>
    %add3A = arith.constant 6 : i32
    %add3A_1 = arith.addi %get3A_0, %add3A : i32
    %min3A = arith.constant 20 : i32
    %min3A_2 = arith.minsi %add3A_1, %min3A : i32
    %c0_i32 = arith.constant 0 : i32
    %c0_i32_3 = arith.constant 0 : i32
    return %min3A_2, %c0_i32 : i32, i32
  }
  func.func @transform_18(%arg0: i32, %arg1: memref<42xi32, #tpu.memory_space<smem>>) -> (i32, i32) {
    %get3A = arith.index_cast %arg0 : i32 to index
    %get3A_0 = memref.load %arg1[%get3A] : memref<42xi32, #tpu.memory_space<smem>>
    %add3A = arith.constant 7 : i32
    %add3A_1 = arith.addi %get3A_0, %add3A : i32
    %min3A = arith.constant 20 : i32
    %min3A_2 = arith.minsi %add3A_1, %min3A : i32
    %c0_i32 = arith.constant 0 : i32
    %c0_i32_3 = arith.constant 0 : i32
    return %min3A_2, %c0_i32 : i32, i32
  }
  func.func @transform_19(%arg0: i32, %arg1: memref<42xi32, #tpu.memory_space<smem>>) -> (i32, i32) {
    %get3A = arith.index_cast %arg0 : i32 to index
    %get3A_0 = memref.load %arg1[%get3A] : memref<42xi32, #tpu.memory_space<smem>>
    %add3A = arith.constant 8 : i32
    %add3A_1 = arith.addi %get3A_0, %add3A : i32
    %min3A = arith.constant 20 : i32
    %min3A_2 = arith.minsi %add3A_1, %min3A : i32
    %c0_i32 = arith.constant 0 : i32
    %c0_i32_3 = arith.constant 0 : i32
    return %min3A_2, %c0_i32 : i32, i32
  }
  func.func @transform_20(%arg0: i32, %arg1: memref<42xi32, #tpu.memory_space<smem>>) -> (i32, i32) {
    %get3A = arith.index_cast %arg0 : i32 to index
    %get3A_0 = memref.load %arg1[%get3A] : memref<42xi32, #tpu.memory_space<smem>>
    %add3A = arith.constant 9 : i32
    %add3A_1 = arith.addi %get3A_0, %add3A : i32
    %min3A = arith.constant 20 : i32
    %min3A_2 = arith.minsi %add3A_1, %min3A : i32
    %c0_i32 = arith.constant 0 : i32
    %c0_i32_3 = arith.constant 0 : i32
    return %min3A_2, %c0_i32 : i32, i32
  }
  func.func @transform_21(%arg0: i32, %arg1: memref<42xi32, #tpu.memory_space<smem>>) -> (i32, i32) {
    %get3A = arith.index_cast %arg0 : i32 to index
    %get3A_0 = memref.load %arg1[%get3A] : memref<42xi32, #tpu.memory_space<smem>>
    %add3A = arith.constant 10 : i32
    %add3A_1 = arith.addi %get3A_0, %add3A : i32
    %min3A = arith.constant 20 : i32
    %min3A_2 = arith.minsi %add3A_1, %min3A : i32
    %c0_i32 = arith.constant 0 : i32
    %c0_i32_3 = arith.constant 0 : i32
    return %min3A_2, %c0_i32 : i32, i32
  }
  func.func @transform_22(%arg0: i32, %arg1: memref<42xi32, #tpu.memory_space<smem>>) -> (i32, i32) {
    %c0_i32 = arith.constant 0 : i32
    %c0_i32_0 = arith.constant 0 : i32
    %c0_i32_1 = arith.constant 0 : i32
    return %c0_i32, %c0_i32_0 : i32, i32
  }
  func.func @transform_23(%arg0: i32, %arg1: memref<42xi32, #tpu.memory_space<smem>>) -> (i32, i32) {
    %c0_i32 = arith.constant 0 : i32
    %c0_i32_0 = arith.constant 0 : i32
    return %arg0, %c0_i32 : i32, i32
  }
  func.func @transform_24(%arg0: i32, %arg1: memref<42xi32, #tpu.memory_space<smem>>) -> (i32, i32) {
    %c0_i32 = arith.constant 0 : i32
    %c0_i32_0 = arith.constant 0 : i32
    %c0_i32_1 = arith.constant 0 : i32
    return %c0_i32, %c0_i32_0 : i32, i32
  }
  func.func @transform_25(%arg0: i32, %arg1: memref<42xi32, #tpu.memory_space<smem>>) -> (i32, i32) {
    %c0_i32 = arith.constant 0 : i32
    %c0_i32_0 = arith.constant 0 : i32
    return %arg0, %c0_i32 : i32, i32
  }
  func.func @transform_26(%arg0: i32, %arg1: memref<42xi32, #tpu.memory_space<smem>>) -> (i32, i32) {
    %c0_i32 = arith.constant 0 : i32
    %c0_i32_0 = arith.constant 0 : i32
    return %arg0, %c0_i32 : i32, i32
  }
  func.func @transform_27(%arg0: i32, %arg1: memref<42xi32, #tpu.memory_space<smem>>) -> (i32, i32) {
    %c0_i32 = arith.constant 0 : i32
    %c0_i32_0 = arith.constant 0 : i32
    %c0_i32_1 = arith.constant 0 : i32
    return %c0_i32, %c0_i32_0 : i32, i32
  }
  func.func @transform_28(%arg0: i32, %arg1: memref<42xi32, #tpu.memory_space<smem>>) -> (i32, i32) {
    %c0_i32 = arith.constant 0 : i32
    %c0_i32_0 = arith.constant 0 : i32
    %c0_i32_1 = arith.constant 0 : i32
    return %c0_i32, %c0_i32_0 : i32, i32
  }
  func.func @transform_29(%arg0: i32, %arg1: memref<42xi32, #tpu.memory_space<smem>>) -> (i32, i32) {
    %c0_i32 = arith.constant 0 : i32
    %c0_i32_0 = arith.constant 0 : i32
    %c0_i32_1 = arith.constant 0 : i32
    return %c0_i32, %c0_i32_0 : i32, i32
  }
  func.func @transform_30(%arg0: i32, %arg1: memref<42xi32, #tpu.memory_space<smem>>) -> (i32, i32) {
    %c0_i32 = arith.constant 0 : i32
    %c0_i32_0 = arith.constant 0 : i32
    return %arg0, %c0_i32 : i32, i32
  }
}

module attributes {stable_mosaic.version = 14 : i64} {
  func.func @_agg_kernel(%arg0: i32, %arg1: memref<42xi32, #tpu.memory_space<smem>>, %arg2: memref<8x512xf32, #tpu.memory_space<vmem>>, %arg3: memref<8x512xf32, #tpu.memory_space<vmem>>, %arg4: memref<8x512xf32, #tpu.memory_space<vmem>>, %arg5: memref<8x512xf32, #tpu.memory_space<vmem>>, %arg6: memref<8x512xf32, #tpu.memory_space<vmem>>, %arg7: memref<8x512xf32, #tpu.memory_space<vmem>>, %arg8: memref<8x512xf32, #tpu.memory_space<vmem>>, %arg9: memref<8x512xf32, #tpu.memory_space<vmem>>, %arg10: memref<8x512xf32, #tpu.memory_space<vmem>>, %arg11: memref<8x512xf32, #tpu.memory_space<vmem>>, %arg12: memref<8x512xf32, #tpu.memory_space<vmem>>, %arg13: memref<512x8xf32, #tpu.memory_space<vmem>>, %arg14: memref<512x8xf32, #tpu.memory_space<vmem>>, %arg15: memref<512x8xf32, #tpu.memory_space<vmem>>, %arg16: memref<512x8xf32, #tpu.memory_space<vmem>>, %arg17: memref<512x8xf32, #tpu.memory_space<vmem>>, %arg18: memref<512x8xf32, #tpu.memory_space<vmem>>, %arg19: memref<512x8xf32, #tpu.memory_space<vmem>>, %arg20: memref<512x8xf32, #tpu.memory_space<vmem>>, %arg21: memref<512x8xf32, #tpu.memory_space<vmem>>, %arg22: memref<512x8xf32, #tpu.memory_space<vmem>>, %arg23: memref<512x8xf32, #tpu.memory_space<vmem>>, %arg24: memref<8x10752xf32, #tpu.memory_space<vmem>>, %arg25: memref<512x2xf32, #tpu.memory_space<vmem>>, %arg26: memref<10752x8xf32, #tpu.memory_space<vmem>>, %arg27: memref<512x8xf32, #tpu.memory_space<vmem>>, %arg28: memref<512x8xf32, #tpu.memory_space<vmem>>, %arg29: memref<16x8xf32, #tpu.memory_space<vmem>>, %arg30: memref<1x8xf32, #tpu.memory_space<vmem>>, %arg31: memref<1x128xf32, #tpu.memory_space<vmem>>, %arg32: memref<512x8xf32, #tpu.memory_space<vmem>>) attributes {dimension_semantics = [#tpu.dimension_semantics<arbitrary>], iteration_bounds = array<i64: 21>, scalar_prefetch = 1 : i64, scratch_operands = 0 : i64, tpu.core_type = #tpu.core_type<tc>, window_params = [{transform_indices = @transform_0, window_bounds = array<i64: 8, 512>}, {transform_indices = @transform_1, window_bounds = array<i64: 8, 512>}, {transform_indices = @transform_2, window_bounds = array<i64: 8, 512>}, {transform_indices = @transform_3, window_bounds = array<i64: 8, 512>}, {transform_indices = @transform_4, window_bounds = array<i64: 8, 512>}, {transform_indices = @transform_5, window_bounds = array<i64: 8, 512>}, {transform_indices = @transform_6, window_bounds = array<i64: 8, 512>}, {transform_indices = @transform_7, window_bounds = array<i64: 8, 512>}, {transform_indices = @transform_8, window_bounds = array<i64: 8, 512>}, {transform_indices = @transform_9, window_bounds = array<i64: 8, 512>}, {transform_indices = @transform_10, window_bounds = array<i64: 8, 512>}, {transform_indices = @transform_11, window_bounds = array<i64: 512, 8>}, {transform_indices = @transform_12, window_bounds = array<i64: 512, 8>}, {transform_indices = @transform_13, window_bounds = array<i64: 512, 8>}, {transform_indices = @transform_14, window_bounds = array<i64: 512, 8>}, {transform_indices = @transform_15, window_bounds = array<i64: 512, 8>}, {transform_indices = @transform_16, window_bounds = array<i64: 512, 8>}, {transform_indices = @transform_17, window_bounds = array<i64: 512, 8>}, {transform_indices = @transform_18, window_bounds = array<i64: 512, 8>}, {transform_indices = @transform_19, window_bounds = array<i64: 512, 8>}, {transform_indices = @transform_20, window_bounds = array<i64: 512, 8>}, {transform_indices = @transform_21, window_bounds = array<i64: 512, 8>}, {pipeline_mode = #tpu.pipeline_mode<synchronous>, transform_indices = @transform_22, window_bounds = array<i64: 8, 10752>}, {transform_indices = @transform_23, window_bounds = array<i64: 512, 2>}, {pipeline_mode = #tpu.pipeline_mode<synchronous>, transform_indices = @transform_24, window_bounds = array<i64: 10752, 8>}, {transform_indices = @transform_25, window_bounds = array<i64: 512, 8>}, {transform_indices = @transform_26, window_bounds = array<i64: 512, 8>}, {pipeline_mode = #tpu.pipeline_mode<synchronous>, transform_indices = @transform_27, window_bounds = array<i64: 16, 8>}, {pipeline_mode = #tpu.pipeline_mode<synchronous>, transform_indices = @transform_28, window_bounds = array<i64: 1, 8>}, {pipeline_mode = #tpu.pipeline_mode<synchronous>, transform_indices = @transform_29, window_bounds = array<i64: 1, 128>}, {transform_indices = @transform_30, window_bounds = array<i64: 512, 8>}]} {
    %get3A = arith.index_cast %arg0 : i32 to index
    %get3A_0 = memref.load %arg1[%get3A] : memref<42xi32, #tpu.memory_space<smem>>
    %add3A = arith.constant 21 : i32
    %add3A_1 = arith.addi %add3A, %arg0 : i32
    %get3A_2 = arith.index_cast %add3A_1 : i32 to index
    %get3A_3 = memref.load %arg1[%get3A_2] : memref<42xi32, #tpu.memory_space<smem>>
    %get3A_4 = arith.constant 0 : index
    %get3A_5 = arith.constant 0 : index
    %get3A_6 = vector.load %arg31[%get3A_4, %get3A_5] : memref<1x128xf32, #tpu.memory_space<vmem>>, vector<1x1xf32>
    %get3A_7 = arith.constant 0 : index
    %get3A_8 = arith.constant 0 : index
    %get3A_9 = vector.load %arg25[%get3A_7, %get3A_8] : memref<512x2xf32, #tpu.memory_space<vmem>>, vector<512x2xf32>
    %slice3A = vector.extract_strided_slice %get3A_9 {offsets = [0, 0], sizes = [512, 1], strides = [1, 1]} : vector<512x2xf32> to vector<512x1xf32>
    %slice3A_10 = vector.extract_strided_slice %get3A_9 {offsets = [0, 1], sizes = [512, 1], strides = [1, 1]} : vector<512x2xf32> to vector<512x1xf32>
    %mul3A = arith.mulf %slice3A, %slice3A : vector<512x1xf32>
    %mul3A_11 = arith.mulf %slice3A_10, %slice3A_10 : vector<512x1xf32>
    %add3A_12 = arith.addf %mul3A, %mul3A_11 : vector<512x1xf32>
    %get3A_13 = arith.constant 0 : index
    %get3A_14 = arith.constant 0 : index
    %get3A_15 = vector.load %arg27[%get3A_13, %get3A_14] : memref<512x8xf32, #tpu.memory_space<vmem>>, vector<512x8xf32>
    %add3A_16 = arith.constant 0 : i32
    %add3A_17 = arith.addi %get3A_0, %add3A_16 : i32
    %min3A = arith.constant 20 : i32
    %min3A_18 = arith.minsi %add3A_17, %min3A : i32
    %get3A_19 = arith.constant 0 : index
    %get3A_20 = arith.constant 0 : index
    %get3A_21 = vector.load %arg2[%get3A_19, %get3A_20] : memref<8x512xf32, #tpu.memory_space<vmem>>, vector<8x512xf32>
    %slice3A_22 = vector.extract_strided_slice %get3A_21 {offsets = [0, 0], sizes = [2, 512], strides = [1, 1]} : vector<8x512xf32> to vector<2x512xf32>
    %dot_general3A = arith.constant dense<0.000000e+00> : vector<512x512xf32>
    %dot_general3A_23 = tpu.matmul %get3A_9, %slice3A_22, %dot_general3A {dimension_numbers = #tpu.dot_dimension_numbers<[1], [0], [0], [1], [0, 0, 1, 1], [], []>, transpose_lhs_hint = false} : vector<512x2xf32>, vector<2x512xf32>, vector<512x512xf32> -> vector<512x512xf32>
    %slice3A_24 = vector.extract_strided_slice %get3A_21 {offsets = [2, 0], sizes = [1, 512], strides = [1, 1]} : vector<8x512xf32> to vector<1x512xf32>
    %add3A_25 = vector.broadcast %add3A_12 : vector<512x1xf32> to vector<512x512xf32>
    %add3A_26 = vector.broadcast %slice3A_24 : vector<1x512xf32> to vector<512x512xf32>
    %add3A_27 = arith.addf %add3A_25, %add3A_26 : vector<512x512xf32>
    %add3A_28 = arith.addf %add3A_27, %dot_general3A_23 : vector<512x512xf32>
    %max3A = arith.constant 9.99999996E-13 : f32
    %max3A_29 = vector.broadcast %max3A : f32 to vector<512x512xf32>
    %max3A_30 = arith.maximumf %add3A_28, %max3A_29 : vector<512x512xf32>
    %mul3A_31 = arith.constant 512 : i32
    %mul3A_32 = arith.muli %arg0, %mul3A_31 : i32
    %iota3A = tpu.iota {dimensions = array<i32: 0>} : vector<512x512xi32>
    %add3A_33 = vector.broadcast %mul3A_32 : i32 to vector<512x512xi32>
    %add3A_34 = arith.addi %add3A_33, %iota3A : vector<512x512xi32>
    %mul3A_35 = arith.constant 512 : i32
    %mul3A_36 = arith.muli %min3A_18, %mul3A_35 : i32
    %iota3A_37 = tpu.iota {dimensions = array<i32: 1>} : vector<512x512xi32>
    %add3A_38 = vector.broadcast %mul3A_36 : i32 to vector<512x512xi32>
    %add3A_39 = arith.addi %add3A_38, %iota3A_37 : vector<512x512xi32>
    %le3A = vector.broadcast %get3A_6 : vector<1x1xf32> to vector<512x512xf32>
    %le3A_40 = arith.cmpf ole, %max3A_30, %le3A : vector<512x512xf32>
    %ne3A = arith.cmpi ne, %add3A_34, %add3A_39 : vector<512x512xi32>
    %and3A = arith.andi %le3A_40, %ne3A : vector<512x512xi1>
    %rsqrt3A = math.rsqrt %max3A_30 : vector<512x512xf32>
    %jit3A = arith.constant 0.000000e+00 : f32
    %broadcast_in_dim3A = vector.broadcast %jit3A : f32 to vector<512x512xf32>
    %select_n3A = arith.select %and3A, %rsqrt3A, %broadcast_in_dim3A : vector<512x512xi1>, vector<512x512xf32>
    %get3A_41 = arith.constant 0 : index
    %get3A_42 = arith.constant 0 : index
    %get3A_43 = vector.load %arg13[%get3A_41, %get3A_42] : memref<512x8xf32, #tpu.memory_space<vmem>>, vector<512x8xf32>
    %dot_general3A_44 = arith.constant dense<0.000000e+00> : vector<512x8xf32>
    %dot_general3A_45 = tpu.matmul %select_n3A, %get3A_43, %dot_general3A_44 {dimension_numbers = #tpu.dot_dimension_numbers<[1], [0], [0], [1], [0, 0, 1, 1], [], []>, transpose_lhs_hint = false} : vector<512x512xf32>, vector<512x8xf32>, vector<512x8xf32> -> vector<512x8xf32>
    %add3A_46 = arith.addf %get3A_15, %dot_general3A_45 : vector<512x8xf32>
    %add3A_47 = arith.constant 1 : i32
    %add3A_48 = arith.addi %get3A_0, %add3A_47 : i32
    %min3A_49 = arith.constant 20 : i32
    %min3A_50 = arith.minsi %add3A_48, %min3A_49 : i32
    %get3A_51 = arith.constant 0 : index
    %get3A_52 = arith.constant 0 : index
    %get3A_53 = vector.load %arg3[%get3A_51, %get3A_52] : memref<8x512xf32, #tpu.memory_space<vmem>>, vector<8x512xf32>
    %slice3A_54 = vector.extract_strided_slice %get3A_53 {offsets = [0, 0], sizes = [2, 512], strides = [1, 1]} : vector<8x512xf32> to vector<2x512xf32>
    %dot_general3A_55 = arith.constant dense<0.000000e+00> : vector<512x512xf32>
    %dot_general3A_56 = tpu.matmul %get3A_9, %slice3A_54, %dot_general3A_55 {dimension_numbers = #tpu.dot_dimension_numbers<[1], [0], [0], [1], [0, 0, 1, 1], [], []>, transpose_lhs_hint = false} : vector<512x2xf32>, vector<2x512xf32>, vector<512x512xf32> -> vector<512x512xf32>
    %slice3A_57 = vector.extract_strided_slice %get3A_53 {offsets = [2, 0], sizes = [1, 512], strides = [1, 1]} : vector<8x512xf32> to vector<1x512xf32>
    %add3A_58 = vector.broadcast %add3A_12 : vector<512x1xf32> to vector<512x512xf32>
    %add3A_59 = vector.broadcast %slice3A_57 : vector<1x512xf32> to vector<512x512xf32>
    %add3A_60 = arith.addf %add3A_58, %add3A_59 : vector<512x512xf32>
    %add3A_61 = arith.addf %add3A_60, %dot_general3A_56 : vector<512x512xf32>
    %max3A_62 = arith.constant 9.99999996E-13 : f32
    %max3A_63 = vector.broadcast %max3A_62 : f32 to vector<512x512xf32>
    %max3A_64 = arith.maximumf %add3A_61, %max3A_63 : vector<512x512xf32>
    %mul3A_65 = arith.constant 512 : i32
    %mul3A_66 = arith.muli %arg0, %mul3A_65 : i32
    %iota3A_67 = tpu.iota {dimensions = array<i32: 0>} : vector<512x512xi32>
    %add3A_68 = vector.broadcast %mul3A_66 : i32 to vector<512x512xi32>
    %add3A_69 = arith.addi %add3A_68, %iota3A_67 : vector<512x512xi32>
    %mul3A_70 = arith.constant 512 : i32
    %mul3A_71 = arith.muli %min3A_50, %mul3A_70 : i32
    %iota3A_72 = tpu.iota {dimensions = array<i32: 1>} : vector<512x512xi32>
    %add3A_73 = vector.broadcast %mul3A_71 : i32 to vector<512x512xi32>
    %add3A_74 = arith.addi %add3A_73, %iota3A_72 : vector<512x512xi32>
    %le3A_75 = vector.broadcast %get3A_6 : vector<1x1xf32> to vector<512x512xf32>
    %le3A_76 = arith.cmpf ole, %max3A_64, %le3A_75 : vector<512x512xf32>
    %ne3A_77 = arith.cmpi ne, %add3A_69, %add3A_74 : vector<512x512xi32>
    %and3A_78 = arith.andi %le3A_76, %ne3A_77 : vector<512x512xi1>
    %rsqrt3A_79 = math.rsqrt %max3A_64 : vector<512x512xf32>
    %jit3A_80 = arith.constant 0.000000e+00 : f32
    %broadcast_in_dim3A_81 = vector.broadcast %jit3A_80 : f32 to vector<512x512xf32>
    %select_n3A_82 = arith.select %and3A_78, %rsqrt3A_79, %broadcast_in_dim3A_81 : vector<512x512xi1>, vector<512x512xf32>
    %get3A_83 = arith.constant 0 : index
    %get3A_84 = arith.constant 0 : index
    %get3A_85 = vector.load %arg14[%get3A_83, %get3A_84] : memref<512x8xf32, #tpu.memory_space<vmem>>, vector<512x8xf32>
    %dot_general3A_86 = arith.constant dense<0.000000e+00> : vector<512x8xf32>
    %dot_general3A_87 = tpu.matmul %select_n3A_82, %get3A_85, %dot_general3A_86 {dimension_numbers = #tpu.dot_dimension_numbers<[1], [0], [0], [1], [0, 0, 1, 1], [], []>, transpose_lhs_hint = false} : vector<512x512xf32>, vector<512x8xf32>, vector<512x8xf32> -> vector<512x8xf32>
    %add3A_88 = arith.addf %add3A_46, %dot_general3A_87 : vector<512x8xf32>
    %add3A_89 = arith.constant 2 : i32
    %add3A_90 = arith.addi %get3A_0, %add3A_89 : i32
    %min3A_91 = arith.constant 20 : i32
    %min3A_92 = arith.minsi %add3A_90, %min3A_91 : i32
    %get3A_93 = arith.constant 0 : index
    %get3A_94 = arith.constant 0 : index
    %get3A_95 = vector.load %arg4[%get3A_93, %get3A_94] : memref<8x512xf32, #tpu.memory_space<vmem>>, vector<8x512xf32>
    %slice3A_96 = vector.extract_strided_slice %get3A_95 {offsets = [0, 0], sizes = [2, 512], strides = [1, 1]} : vector<8x512xf32> to vector<2x512xf32>
    %dot_general3A_97 = arith.constant dense<0.000000e+00> : vector<512x512xf32>
    %dot_general3A_98 = tpu.matmul %get3A_9, %slice3A_96, %dot_general3A_97 {dimension_numbers = #tpu.dot_dimension_numbers<[1], [0], [0], [1], [0, 0, 1, 1], [], []>, transpose_lhs_hint = false} : vector<512x2xf32>, vector<2x512xf32>, vector<512x512xf32> -> vector<512x512xf32>
    %slice3A_99 = vector.extract_strided_slice %get3A_95 {offsets = [2, 0], sizes = [1, 512], strides = [1, 1]} : vector<8x512xf32> to vector<1x512xf32>
    %add3A_100 = vector.broadcast %add3A_12 : vector<512x1xf32> to vector<512x512xf32>
    %add3A_101 = vector.broadcast %slice3A_99 : vector<1x512xf32> to vector<512x512xf32>
    %add3A_102 = arith.addf %add3A_100, %add3A_101 : vector<512x512xf32>
    %add3A_103 = arith.addf %add3A_102, %dot_general3A_98 : vector<512x512xf32>
    %max3A_104 = arith.constant 9.99999996E-13 : f32
    %max3A_105 = vector.broadcast %max3A_104 : f32 to vector<512x512xf32>
    %max3A_106 = arith.maximumf %add3A_103, %max3A_105 : vector<512x512xf32>
    %mul3A_107 = arith.constant 512 : i32
    %mul3A_108 = arith.muli %arg0, %mul3A_107 : i32
    %iota3A_109 = tpu.iota {dimensions = array<i32: 0>} : vector<512x512xi32>
    %add3A_110 = vector.broadcast %mul3A_108 : i32 to vector<512x512xi32>
    %add3A_111 = arith.addi %add3A_110, %iota3A_109 : vector<512x512xi32>
    %mul3A_112 = arith.constant 512 : i32
    %mul3A_113 = arith.muli %min3A_92, %mul3A_112 : i32
    %iota3A_114 = tpu.iota {dimensions = array<i32: 1>} : vector<512x512xi32>
    %add3A_115 = vector.broadcast %mul3A_113 : i32 to vector<512x512xi32>
    %add3A_116 = arith.addi %add3A_115, %iota3A_114 : vector<512x512xi32>
    %le3A_117 = vector.broadcast %get3A_6 : vector<1x1xf32> to vector<512x512xf32>
    %le3A_118 = arith.cmpf ole, %max3A_106, %le3A_117 : vector<512x512xf32>
    %ne3A_119 = arith.cmpi ne, %add3A_111, %add3A_116 : vector<512x512xi32>
    %and3A_120 = arith.andi %le3A_118, %ne3A_119 : vector<512x512xi1>
    %rsqrt3A_121 = math.rsqrt %max3A_106 : vector<512x512xf32>
    %jit3A_122 = arith.constant 0.000000e+00 : f32
    %broadcast_in_dim3A_123 = vector.broadcast %jit3A_122 : f32 to vector<512x512xf32>
    %select_n3A_124 = arith.select %and3A_120, %rsqrt3A_121, %broadcast_in_dim3A_123 : vector<512x512xi1>, vector<512x512xf32>
    %get3A_125 = arith.constant 0 : index
    %get3A_126 = arith.constant 0 : index
    %get3A_127 = vector.load %arg15[%get3A_125, %get3A_126] : memref<512x8xf32, #tpu.memory_space<vmem>>, vector<512x8xf32>
    %dot_general3A_128 = arith.constant dense<0.000000e+00> : vector<512x8xf32>
    %dot_general3A_129 = tpu.matmul %select_n3A_124, %get3A_127, %dot_general3A_128 {dimension_numbers = #tpu.dot_dimension_numbers<[1], [0], [0], [1], [0, 0, 1, 1], [], []>, transpose_lhs_hint = false} : vector<512x512xf32>, vector<512x8xf32>, vector<512x8xf32> -> vector<512x8xf32>
    %add3A_130 = arith.addf %add3A_88, %dot_general3A_129 : vector<512x8xf32>
    %add3A_131 = arith.constant 3 : i32
    %add3A_132 = arith.addi %get3A_0, %add3A_131 : i32
    %min3A_133 = arith.constant 20 : i32
    %min3A_134 = arith.minsi %add3A_132, %min3A_133 : i32
    %get3A_135 = arith.constant 0 : index
    %get3A_136 = arith.constant 0 : index
    %get3A_137 = vector.load %arg5[%get3A_135, %get3A_136] : memref<8x512xf32, #tpu.memory_space<vmem>>, vector<8x512xf32>
    %slice3A_138 = vector.extract_strided_slice %get3A_137 {offsets = [0, 0], sizes = [2, 512], strides = [1, 1]} : vector<8x512xf32> to vector<2x512xf32>
    %dot_general3A_139 = arith.constant dense<0.000000e+00> : vector<512x512xf32>
    %dot_general3A_140 = tpu.matmul %get3A_9, %slice3A_138, %dot_general3A_139 {dimension_numbers = #tpu.dot_dimension_numbers<[1], [0], [0], [1], [0, 0, 1, 1], [], []>, transpose_lhs_hint = false} : vector<512x2xf32>, vector<2x512xf32>, vector<512x512xf32> -> vector<512x512xf32>
    %slice3A_141 = vector.extract_strided_slice %get3A_137 {offsets = [2, 0], sizes = [1, 512], strides = [1, 1]} : vector<8x512xf32> to vector<1x512xf32>
    %add3A_142 = vector.broadcast %add3A_12 : vector<512x1xf32> to vector<512x512xf32>
    %add3A_143 = vector.broadcast %slice3A_141 : vector<1x512xf32> to vector<512x512xf32>
    %add3A_144 = arith.addf %add3A_142, %add3A_143 : vector<512x512xf32>
    %add3A_145 = arith.addf %add3A_144, %dot_general3A_140 : vector<512x512xf32>
    %max3A_146 = arith.constant 9.99999996E-13 : f32
    %max3A_147 = vector.broadcast %max3A_146 : f32 to vector<512x512xf32>
    %max3A_148 = arith.maximumf %add3A_145, %max3A_147 : vector<512x512xf32>
    %mul3A_149 = arith.constant 512 : i32
    %mul3A_150 = arith.muli %arg0, %mul3A_149 : i32
    %iota3A_151 = tpu.iota {dimensions = array<i32: 0>} : vector<512x512xi32>
    %add3A_152 = vector.broadcast %mul3A_150 : i32 to vector<512x512xi32>
    %add3A_153 = arith.addi %add3A_152, %iota3A_151 : vector<512x512xi32>
    %mul3A_154 = arith.constant 512 : i32
    %mul3A_155 = arith.muli %min3A_134, %mul3A_154 : i32
    %iota3A_156 = tpu.iota {dimensions = array<i32: 1>} : vector<512x512xi32>
    %add3A_157 = vector.broadcast %mul3A_155 : i32 to vector<512x512xi32>
    %add3A_158 = arith.addi %add3A_157, %iota3A_156 : vector<512x512xi32>
    %le3A_159 = vector.broadcast %get3A_6 : vector<1x1xf32> to vector<512x512xf32>
    %le3A_160 = arith.cmpf ole, %max3A_148, %le3A_159 : vector<512x512xf32>
    %ne3A_161 = arith.cmpi ne, %add3A_153, %add3A_158 : vector<512x512xi32>
    %and3A_162 = arith.andi %le3A_160, %ne3A_161 : vector<512x512xi1>
    %rsqrt3A_163 = math.rsqrt %max3A_148 : vector<512x512xf32>
    %jit3A_164 = arith.constant 0.000000e+00 : f32
    %broadcast_in_dim3A_165 = vector.broadcast %jit3A_164 : f32 to vector<512x512xf32>
    %select_n3A_166 = arith.select %and3A_162, %rsqrt3A_163, %broadcast_in_dim3A_165 : vector<512x512xi1>, vector<512x512xf32>
    %get3A_167 = arith.constant 0 : index
    %get3A_168 = arith.constant 0 : index
    %get3A_169 = vector.load %arg16[%get3A_167, %get3A_168] : memref<512x8xf32, #tpu.memory_space<vmem>>, vector<512x8xf32>
    %dot_general3A_170 = arith.constant dense<0.000000e+00> : vector<512x8xf32>
    %dot_general3A_171 = tpu.matmul %select_n3A_166, %get3A_169, %dot_general3A_170 {dimension_numbers = #tpu.dot_dimension_numbers<[1], [0], [0], [1], [0, 0, 1, 1], [], []>, transpose_lhs_hint = false} : vector<512x512xf32>, vector<512x8xf32>, vector<512x8xf32> -> vector<512x8xf32>
    %add3A_172 = arith.addf %add3A_130, %dot_general3A_171 : vector<512x8xf32>
    %add3A_173 = arith.constant 4 : i32
    %add3A_174 = arith.addi %get3A_0, %add3A_173 : i32
    %min3A_175 = arith.constant 20 : i32
    %min3A_176 = arith.minsi %add3A_174, %min3A_175 : i32
    %get3A_177 = arith.constant 0 : index
    %get3A_178 = arith.constant 0 : index
    %get3A_179 = vector.load %arg6[%get3A_177, %get3A_178] : memref<8x512xf32, #tpu.memory_space<vmem>>, vector<8x512xf32>
    %slice3A_180 = vector.extract_strided_slice %get3A_179 {offsets = [0, 0], sizes = [2, 512], strides = [1, 1]} : vector<8x512xf32> to vector<2x512xf32>
    %dot_general3A_181 = arith.constant dense<0.000000e+00> : vector<512x512xf32>
    %dot_general3A_182 = tpu.matmul %get3A_9, %slice3A_180, %dot_general3A_181 {dimension_numbers = #tpu.dot_dimension_numbers<[1], [0], [0], [1], [0, 0, 1, 1], [], []>, transpose_lhs_hint = false} : vector<512x2xf32>, vector<2x512xf32>, vector<512x512xf32> -> vector<512x512xf32>
    %slice3A_183 = vector.extract_strided_slice %get3A_179 {offsets = [2, 0], sizes = [1, 512], strides = [1, 1]} : vector<8x512xf32> to vector<1x512xf32>
    %add3A_184 = vector.broadcast %add3A_12 : vector<512x1xf32> to vector<512x512xf32>
    %add3A_185 = vector.broadcast %slice3A_183 : vector<1x512xf32> to vector<512x512xf32>
    %add3A_186 = arith.addf %add3A_184, %add3A_185 : vector<512x512xf32>
    %add3A_187 = arith.addf %add3A_186, %dot_general3A_182 : vector<512x512xf32>
    %max3A_188 = arith.constant 9.99999996E-13 : f32
    %max3A_189 = vector.broadcast %max3A_188 : f32 to vector<512x512xf32>
    %max3A_190 = arith.maximumf %add3A_187, %max3A_189 : vector<512x512xf32>
    %mul3A_191 = arith.constant 512 : i32
    %mul3A_192 = arith.muli %arg0, %mul3A_191 : i32
    %iota3A_193 = tpu.iota {dimensions = array<i32: 0>} : vector<512x512xi32>
    %add3A_194 = vector.broadcast %mul3A_192 : i32 to vector<512x512xi32>
    %add3A_195 = arith.addi %add3A_194, %iota3A_193 : vector<512x512xi32>
    %mul3A_196 = arith.constant 512 : i32
    %mul3A_197 = arith.muli %min3A_176, %mul3A_196 : i32
    %iota3A_198 = tpu.iota {dimensions = array<i32: 1>} : vector<512x512xi32>
    %add3A_199 = vector.broadcast %mul3A_197 : i32 to vector<512x512xi32>
    %add3A_200 = arith.addi %add3A_199, %iota3A_198 : vector<512x512xi32>
    %le3A_201 = vector.broadcast %get3A_6 : vector<1x1xf32> to vector<512x512xf32>
    %le3A_202 = arith.cmpf ole, %max3A_190, %le3A_201 : vector<512x512xf32>
    %ne3A_203 = arith.cmpi ne, %add3A_195, %add3A_200 : vector<512x512xi32>
    %and3A_204 = arith.andi %le3A_202, %ne3A_203 : vector<512x512xi1>
    %rsqrt3A_205 = math.rsqrt %max3A_190 : vector<512x512xf32>
    %jit3A_206 = arith.constant 0.000000e+00 : f32
    %broadcast_in_dim3A_207 = vector.broadcast %jit3A_206 : f32 to vector<512x512xf32>
    %select_n3A_208 = arith.select %and3A_204, %rsqrt3A_205, %broadcast_in_dim3A_207 : vector<512x512xi1>, vector<512x512xf32>
    %get3A_209 = arith.constant 0 : index
    %get3A_210 = arith.constant 0 : index
    %get3A_211 = vector.load %arg17[%get3A_209, %get3A_210] : memref<512x8xf32, #tpu.memory_space<vmem>>, vector<512x8xf32>
    %dot_general3A_212 = arith.constant dense<0.000000e+00> : vector<512x8xf32>
    %dot_general3A_213 = tpu.matmul %select_n3A_208, %get3A_211, %dot_general3A_212 {dimension_numbers = #tpu.dot_dimension_numbers<[1], [0], [0], [1], [0, 0, 1, 1], [], []>, transpose_lhs_hint = false} : vector<512x512xf32>, vector<512x8xf32>, vector<512x8xf32> -> vector<512x8xf32>
    %add3A_214 = arith.addf %add3A_172, %dot_general3A_213 : vector<512x8xf32>
    %add3A_215 = arith.constant 5 : i32
    %add3A_216 = arith.addi %get3A_0, %add3A_215 : i32
    %min3A_217 = arith.constant 20 : i32
    %min3A_218 = arith.minsi %add3A_216, %min3A_217 : i32
    %get3A_219 = arith.constant 0 : index
    %get3A_220 = arith.constant 0 : index
    %get3A_221 = vector.load %arg7[%get3A_219, %get3A_220] : memref<8x512xf32, #tpu.memory_space<vmem>>, vector<8x512xf32>
    %slice3A_222 = vector.extract_strided_slice %get3A_221 {offsets = [0, 0], sizes = [2, 512], strides = [1, 1]} : vector<8x512xf32> to vector<2x512xf32>
    %dot_general3A_223 = arith.constant dense<0.000000e+00> : vector<512x512xf32>
    %dot_general3A_224 = tpu.matmul %get3A_9, %slice3A_222, %dot_general3A_223 {dimension_numbers = #tpu.dot_dimension_numbers<[1], [0], [0], [1], [0, 0, 1, 1], [], []>, transpose_lhs_hint = false} : vector<512x2xf32>, vector<2x512xf32>, vector<512x512xf32> -> vector<512x512xf32>
    %slice3A_225 = vector.extract_strided_slice %get3A_221 {offsets = [2, 0], sizes = [1, 512], strides = [1, 1]} : vector<8x512xf32> to vector<1x512xf32>
    %add3A_226 = vector.broadcast %add3A_12 : vector<512x1xf32> to vector<512x512xf32>
    %add3A_227 = vector.broadcast %slice3A_225 : vector<1x512xf32> to vector<512x512xf32>
    %add3A_228 = arith.addf %add3A_226, %add3A_227 : vector<512x512xf32>
    %add3A_229 = arith.addf %add3A_228, %dot_general3A_224 : vector<512x512xf32>
    %max3A_230 = arith.constant 9.99999996E-13 : f32
    %max3A_231 = vector.broadcast %max3A_230 : f32 to vector<512x512xf32>
    %max3A_232 = arith.maximumf %add3A_229, %max3A_231 : vector<512x512xf32>
    %mul3A_233 = arith.constant 512 : i32
    %mul3A_234 = arith.muli %arg0, %mul3A_233 : i32
    %iota3A_235 = tpu.iota {dimensions = array<i32: 0>} : vector<512x512xi32>
    %add3A_236 = vector.broadcast %mul3A_234 : i32 to vector<512x512xi32>
    %add3A_237 = arith.addi %add3A_236, %iota3A_235 : vector<512x512xi32>
    %mul3A_238 = arith.constant 512 : i32
    %mul3A_239 = arith.muli %min3A_218, %mul3A_238 : i32
    %iota3A_240 = tpu.iota {dimensions = array<i32: 1>} : vector<512x512xi32>
    %add3A_241 = vector.broadcast %mul3A_239 : i32 to vector<512x512xi32>
    %add3A_242 = arith.addi %add3A_241, %iota3A_240 : vector<512x512xi32>
    %le3A_243 = vector.broadcast %get3A_6 : vector<1x1xf32> to vector<512x512xf32>
    %le3A_244 = arith.cmpf ole, %max3A_232, %le3A_243 : vector<512x512xf32>
    %ne3A_245 = arith.cmpi ne, %add3A_237, %add3A_242 : vector<512x512xi32>
    %and3A_246 = arith.andi %le3A_244, %ne3A_245 : vector<512x512xi1>
    %rsqrt3A_247 = math.rsqrt %max3A_232 : vector<512x512xf32>
    %jit3A_248 = arith.constant 0.000000e+00 : f32
    %broadcast_in_dim3A_249 = vector.broadcast %jit3A_248 : f32 to vector<512x512xf32>
    %select_n3A_250 = arith.select %and3A_246, %rsqrt3A_247, %broadcast_in_dim3A_249 : vector<512x512xi1>, vector<512x512xf32>
    %get3A_251 = arith.constant 0 : index
    %get3A_252 = arith.constant 0 : index
    %get3A_253 = vector.load %arg18[%get3A_251, %get3A_252] : memref<512x8xf32, #tpu.memory_space<vmem>>, vector<512x8xf32>
    %dot_general3A_254 = arith.constant dense<0.000000e+00> : vector<512x8xf32>
    %dot_general3A_255 = tpu.matmul %select_n3A_250, %get3A_253, %dot_general3A_254 {dimension_numbers = #tpu.dot_dimension_numbers<[1], [0], [0], [1], [0, 0, 1, 1], [], []>, transpose_lhs_hint = false} : vector<512x512xf32>, vector<512x8xf32>, vector<512x8xf32> -> vector<512x8xf32>
    %add3A_256 = arith.addf %add3A_214, %dot_general3A_255 : vector<512x8xf32>
    %add3A_257 = arith.constant 6 : i32
    %add3A_258 = arith.addi %get3A_0, %add3A_257 : i32
    %min3A_259 = arith.constant 20 : i32
    %min3A_260 = arith.minsi %add3A_258, %min3A_259 : i32
    %get3A_261 = arith.constant 0 : index
    %get3A_262 = arith.constant 0 : index
    %get3A_263 = vector.load %arg8[%get3A_261, %get3A_262] : memref<8x512xf32, #tpu.memory_space<vmem>>, vector<8x512xf32>
    %slice3A_264 = vector.extract_strided_slice %get3A_263 {offsets = [0, 0], sizes = [2, 512], strides = [1, 1]} : vector<8x512xf32> to vector<2x512xf32>
    %dot_general3A_265 = arith.constant dense<0.000000e+00> : vector<512x512xf32>
    %dot_general3A_266 = tpu.matmul %get3A_9, %slice3A_264, %dot_general3A_265 {dimension_numbers = #tpu.dot_dimension_numbers<[1], [0], [0], [1], [0, 0, 1, 1], [], []>, transpose_lhs_hint = false} : vector<512x2xf32>, vector<2x512xf32>, vector<512x512xf32> -> vector<512x512xf32>
    %slice3A_267 = vector.extract_strided_slice %get3A_263 {offsets = [2, 0], sizes = [1, 512], strides = [1, 1]} : vector<8x512xf32> to vector<1x512xf32>
    %add3A_268 = vector.broadcast %add3A_12 : vector<512x1xf32> to vector<512x512xf32>
    %add3A_269 = vector.broadcast %slice3A_267 : vector<1x512xf32> to vector<512x512xf32>
    %add3A_270 = arith.addf %add3A_268, %add3A_269 : vector<512x512xf32>
    %add3A_271 = arith.addf %add3A_270, %dot_general3A_266 : vector<512x512xf32>
    %max3A_272 = arith.constant 9.99999996E-13 : f32
    %max3A_273 = vector.broadcast %max3A_272 : f32 to vector<512x512xf32>
    %max3A_274 = arith.maximumf %add3A_271, %max3A_273 : vector<512x512xf32>
    %mul3A_275 = arith.constant 512 : i32
    %mul3A_276 = arith.muli %arg0, %mul3A_275 : i32
    %iota3A_277 = tpu.iota {dimensions = array<i32: 0>} : vector<512x512xi32>
    %add3A_278 = vector.broadcast %mul3A_276 : i32 to vector<512x512xi32>
    %add3A_279 = arith.addi %add3A_278, %iota3A_277 : vector<512x512xi32>
    %mul3A_280 = arith.constant 512 : i32
    %mul3A_281 = arith.muli %min3A_260, %mul3A_280 : i32
    %iota3A_282 = tpu.iota {dimensions = array<i32: 1>} : vector<512x512xi32>
    %add3A_283 = vector.broadcast %mul3A_281 : i32 to vector<512x512xi32>
    %add3A_284 = arith.addi %add3A_283, %iota3A_282 : vector<512x512xi32>
    %le3A_285 = vector.broadcast %get3A_6 : vector<1x1xf32> to vector<512x512xf32>
    %le3A_286 = arith.cmpf ole, %max3A_274, %le3A_285 : vector<512x512xf32>
    %ne3A_287 = arith.cmpi ne, %add3A_279, %add3A_284 : vector<512x512xi32>
    %and3A_288 = arith.andi %le3A_286, %ne3A_287 : vector<512x512xi1>
    %rsqrt3A_289 = math.rsqrt %max3A_274 : vector<512x512xf32>
    %jit3A_290 = arith.constant 0.000000e+00 : f32
    %broadcast_in_dim3A_291 = vector.broadcast %jit3A_290 : f32 to vector<512x512xf32>
    %select_n3A_292 = arith.select %and3A_288, %rsqrt3A_289, %broadcast_in_dim3A_291 : vector<512x512xi1>, vector<512x512xf32>
    %get3A_293 = arith.constant 0 : index
    %get3A_294 = arith.constant 0 : index
    %get3A_295 = vector.load %arg19[%get3A_293, %get3A_294] : memref<512x8xf32, #tpu.memory_space<vmem>>, vector<512x8xf32>
    %dot_general3A_296 = arith.constant dense<0.000000e+00> : vector<512x8xf32>
    %dot_general3A_297 = tpu.matmul %select_n3A_292, %get3A_295, %dot_general3A_296 {dimension_numbers = #tpu.dot_dimension_numbers<[1], [0], [0], [1], [0, 0, 1, 1], [], []>, transpose_lhs_hint = false} : vector<512x512xf32>, vector<512x8xf32>, vector<512x8xf32> -> vector<512x8xf32>
    %add3A_298 = arith.addf %add3A_256, %dot_general3A_297 : vector<512x8xf32>
    %add3A_299 = arith.constant 7 : i32
    %add3A_300 = arith.addi %get3A_0, %add3A_299 : i32
    %min3A_301 = arith.constant 20 : i32
    %min3A_302 = arith.minsi %add3A_300, %min3A_301 : i32
    %get3A_303 = arith.constant 0 : index
    %get3A_304 = arith.constant 0 : index
    %get3A_305 = vector.load %arg9[%get3A_303, %get3A_304] : memref<8x512xf32, #tpu.memory_space<vmem>>, vector<8x512xf32>
    %slice3A_306 = vector.extract_strided_slice %get3A_305 {offsets = [0, 0], sizes = [2, 512], strides = [1, 1]} : vector<8x512xf32> to vector<2x512xf32>
    %dot_general3A_307 = arith.constant dense<0.000000e+00> : vector<512x512xf32>
    %dot_general3A_308 = tpu.matmul %get3A_9, %slice3A_306, %dot_general3A_307 {dimension_numbers = #tpu.dot_dimension_numbers<[1], [0], [0], [1], [0, 0, 1, 1], [], []>, transpose_lhs_hint = false} : vector<512x2xf32>, vector<2x512xf32>, vector<512x512xf32> -> vector<512x512xf32>
    %slice3A_309 = vector.extract_strided_slice %get3A_305 {offsets = [2, 0], sizes = [1, 512], strides = [1, 1]} : vector<8x512xf32> to vector<1x512xf32>
    %add3A_310 = vector.broadcast %add3A_12 : vector<512x1xf32> to vector<512x512xf32>
    %add3A_311 = vector.broadcast %slice3A_309 : vector<1x512xf32> to vector<512x512xf32>
    %add3A_312 = arith.addf %add3A_310, %add3A_311 : vector<512x512xf32>
    %add3A_313 = arith.addf %add3A_312, %dot_general3A_308 : vector<512x512xf32>
    %max3A_314 = arith.constant 9.99999996E-13 : f32
    %max3A_315 = vector.broadcast %max3A_314 : f32 to vector<512x512xf32>
    %max3A_316 = arith.maximumf %add3A_313, %max3A_315 : vector<512x512xf32>
    %mul3A_317 = arith.constant 512 : i32
    %mul3A_318 = arith.muli %arg0, %mul3A_317 : i32
    %iota3A_319 = tpu.iota {dimensions = array<i32: 0>} : vector<512x512xi32>
    %add3A_320 = vector.broadcast %mul3A_318 : i32 to vector<512x512xi32>
    %add3A_321 = arith.addi %add3A_320, %iota3A_319 : vector<512x512xi32>
    %mul3A_322 = arith.constant 512 : i32
    %mul3A_323 = arith.muli %min3A_302, %mul3A_322 : i32
    %iota3A_324 = tpu.iota {dimensions = array<i32: 1>} : vector<512x512xi32>
    %add3A_325 = vector.broadcast %mul3A_323 : i32 to vector<512x512xi32>
    %add3A_326 = arith.addi %add3A_325, %iota3A_324 : vector<512x512xi32>
    %le3A_327 = vector.broadcast %get3A_6 : vector<1x1xf32> to vector<512x512xf32>
    %le3A_328 = arith.cmpf ole, %max3A_316, %le3A_327 : vector<512x512xf32>
    %ne3A_329 = arith.cmpi ne, %add3A_321, %add3A_326 : vector<512x512xi32>
    %and3A_330 = arith.andi %le3A_328, %ne3A_329 : vector<512x512xi1>
    %rsqrt3A_331 = math.rsqrt %max3A_316 : vector<512x512xf32>
    %jit3A_332 = arith.constant 0.000000e+00 : f32
    %broadcast_in_dim3A_333 = vector.broadcast %jit3A_332 : f32 to vector<512x512xf32>
    %select_n3A_334 = arith.select %and3A_330, %rsqrt3A_331, %broadcast_in_dim3A_333 : vector<512x512xi1>, vector<512x512xf32>
    %get3A_335 = arith.constant 0 : index
    %get3A_336 = arith.constant 0 : index
    %get3A_337 = vector.load %arg20[%get3A_335, %get3A_336] : memref<512x8xf32, #tpu.memory_space<vmem>>, vector<512x8xf32>
    %dot_general3A_338 = arith.constant dense<0.000000e+00> : vector<512x8xf32>
    %dot_general3A_339 = tpu.matmul %select_n3A_334, %get3A_337, %dot_general3A_338 {dimension_numbers = #tpu.dot_dimension_numbers<[1], [0], [0], [1], [0, 0, 1, 1], [], []>, transpose_lhs_hint = false} : vector<512x512xf32>, vector<512x8xf32>, vector<512x8xf32> -> vector<512x8xf32>
    %add3A_340 = arith.addf %add3A_298, %dot_general3A_339 : vector<512x8xf32>
    %add3A_341 = arith.constant 8 : i32
    %add3A_342 = arith.addi %get3A_0, %add3A_341 : i32
    %min3A_343 = arith.constant 20 : i32
    %min3A_344 = arith.minsi %add3A_342, %min3A_343 : i32
    %get3A_345 = arith.constant 0 : index
    %get3A_346 = arith.constant 0 : index
    %get3A_347 = vector.load %arg10[%get3A_345, %get3A_346] : memref<8x512xf32, #tpu.memory_space<vmem>>, vector<8x512xf32>
    %slice3A_348 = vector.extract_strided_slice %get3A_347 {offsets = [0, 0], sizes = [2, 512], strides = [1, 1]} : vector<8x512xf32> to vector<2x512xf32>
    %dot_general3A_349 = arith.constant dense<0.000000e+00> : vector<512x512xf32>
    %dot_general3A_350 = tpu.matmul %get3A_9, %slice3A_348, %dot_general3A_349 {dimension_numbers = #tpu.dot_dimension_numbers<[1], [0], [0], [1], [0, 0, 1, 1], [], []>, transpose_lhs_hint = false} : vector<512x2xf32>, vector<2x512xf32>, vector<512x512xf32> -> vector<512x512xf32>
    %slice3A_351 = vector.extract_strided_slice %get3A_347 {offsets = [2, 0], sizes = [1, 512], strides = [1, 1]} : vector<8x512xf32> to vector<1x512xf32>
    %add3A_352 = vector.broadcast %add3A_12 : vector<512x1xf32> to vector<512x512xf32>
    %add3A_353 = vector.broadcast %slice3A_351 : vector<1x512xf32> to vector<512x512xf32>
    %add3A_354 = arith.addf %add3A_352, %add3A_353 : vector<512x512xf32>
    %add3A_355 = arith.addf %add3A_354, %dot_general3A_350 : vector<512x512xf32>
    %max3A_356 = arith.constant 9.99999996E-13 : f32
    %max3A_357 = vector.broadcast %max3A_356 : f32 to vector<512x512xf32>
    %max3A_358 = arith.maximumf %add3A_355, %max3A_357 : vector<512x512xf32>
    %mul3A_359 = arith.constant 512 : i32
    %mul3A_360 = arith.muli %arg0, %mul3A_359 : i32
    %iota3A_361 = tpu.iota {dimensions = array<i32: 0>} : vector<512x512xi32>
    %add3A_362 = vector.broadcast %mul3A_360 : i32 to vector<512x512xi32>
    %add3A_363 = arith.addi %add3A_362, %iota3A_361 : vector<512x512xi32>
    %mul3A_364 = arith.constant 512 : i32
    %mul3A_365 = arith.muli %min3A_344, %mul3A_364 : i32
    %iota3A_366 = tpu.iota {dimensions = array<i32: 1>} : vector<512x512xi32>
    %add3A_367 = vector.broadcast %mul3A_365 : i32 to vector<512x512xi32>
    %add3A_368 = arith.addi %add3A_367, %iota3A_366 : vector<512x512xi32>
    %le3A_369 = vector.broadcast %get3A_6 : vector<1x1xf32> to vector<512x512xf32>
    %le3A_370 = arith.cmpf ole, %max3A_358, %le3A_369 : vector<512x512xf32>
    %ne3A_371 = arith.cmpi ne, %add3A_363, %add3A_368 : vector<512x512xi32>
    %and3A_372 = arith.andi %le3A_370, %ne3A_371 : vector<512x512xi1>
    %rsqrt3A_373 = math.rsqrt %max3A_358 : vector<512x512xf32>
    %jit3A_374 = arith.constant 0.000000e+00 : f32
    %broadcast_in_dim3A_375 = vector.broadcast %jit3A_374 : f32 to vector<512x512xf32>
    %select_n3A_376 = arith.select %and3A_372, %rsqrt3A_373, %broadcast_in_dim3A_375 : vector<512x512xi1>, vector<512x512xf32>
    %get3A_377 = arith.constant 0 : index
    %get3A_378 = arith.constant 0 : index
    %get3A_379 = vector.load %arg21[%get3A_377, %get3A_378] : memref<512x8xf32, #tpu.memory_space<vmem>>, vector<512x8xf32>
    %dot_general3A_380 = arith.constant dense<0.000000e+00> : vector<512x8xf32>
    %dot_general3A_381 = tpu.matmul %select_n3A_376, %get3A_379, %dot_general3A_380 {dimension_numbers = #tpu.dot_dimension_numbers<[1], [0], [0], [1], [0, 0, 1, 1], [], []>, transpose_lhs_hint = false} : vector<512x512xf32>, vector<512x8xf32>, vector<512x8xf32> -> vector<512x8xf32>
    %add3A_382 = arith.addf %add3A_340, %dot_general3A_381 : vector<512x8xf32>
    %add3A_383 = arith.constant 9 : i32
    %add3A_384 = arith.addi %get3A_0, %add3A_383 : i32
    %min3A_385 = arith.constant 20 : i32
    %min3A_386 = arith.minsi %add3A_384, %min3A_385 : i32
    %get3A_387 = arith.constant 0 : index
    %get3A_388 = arith.constant 0 : index
    %get3A_389 = vector.load %arg11[%get3A_387, %get3A_388] : memref<8x512xf32, #tpu.memory_space<vmem>>, vector<8x512xf32>
    %slice3A_390 = vector.extract_strided_slice %get3A_389 {offsets = [0, 0], sizes = [2, 512], strides = [1, 1]} : vector<8x512xf32> to vector<2x512xf32>
    %dot_general3A_391 = arith.constant dense<0.000000e+00> : vector<512x512xf32>
    %dot_general3A_392 = tpu.matmul %get3A_9, %slice3A_390, %dot_general3A_391 {dimension_numbers = #tpu.dot_dimension_numbers<[1], [0], [0], [1], [0, 0, 1, 1], [], []>, transpose_lhs_hint = false} : vector<512x2xf32>, vector<2x512xf32>, vector<512x512xf32> -> vector<512x512xf32>
    %slice3A_393 = vector.extract_strided_slice %get3A_389 {offsets = [2, 0], sizes = [1, 512], strides = [1, 1]} : vector<8x512xf32> to vector<1x512xf32>
    %add3A_394 = vector.broadcast %add3A_12 : vector<512x1xf32> to vector<512x512xf32>
    %add3A_395 = vector.broadcast %slice3A_393 : vector<1x512xf32> to vector<512x512xf32>
    %add3A_396 = arith.addf %add3A_394, %add3A_395 : vector<512x512xf32>
    %add3A_397 = arith.addf %add3A_396, %dot_general3A_392 : vector<512x512xf32>
    %max3A_398 = arith.constant 9.99999996E-13 : f32
    %max3A_399 = vector.broadcast %max3A_398 : f32 to vector<512x512xf32>
    %max3A_400 = arith.maximumf %add3A_397, %max3A_399 : vector<512x512xf32>
    %mul3A_401 = arith.constant 512 : i32
    %mul3A_402 = arith.muli %arg0, %mul3A_401 : i32
    %iota3A_403 = tpu.iota {dimensions = array<i32: 0>} : vector<512x512xi32>
    %add3A_404 = vector.broadcast %mul3A_402 : i32 to vector<512x512xi32>
    %add3A_405 = arith.addi %add3A_404, %iota3A_403 : vector<512x512xi32>
    %mul3A_406 = arith.constant 512 : i32
    %mul3A_407 = arith.muli %min3A_386, %mul3A_406 : i32
    %iota3A_408 = tpu.iota {dimensions = array<i32: 1>} : vector<512x512xi32>
    %add3A_409 = vector.broadcast %mul3A_407 : i32 to vector<512x512xi32>
    %add3A_410 = arith.addi %add3A_409, %iota3A_408 : vector<512x512xi32>
    %le3A_411 = vector.broadcast %get3A_6 : vector<1x1xf32> to vector<512x512xf32>
    %le3A_412 = arith.cmpf ole, %max3A_400, %le3A_411 : vector<512x512xf32>
    %ne3A_413 = arith.cmpi ne, %add3A_405, %add3A_410 : vector<512x512xi32>
    %and3A_414 = arith.andi %le3A_412, %ne3A_413 : vector<512x512xi1>
    %rsqrt3A_415 = math.rsqrt %max3A_400 : vector<512x512xf32>
    %jit3A_416 = arith.constant 0.000000e+00 : f32
    %broadcast_in_dim3A_417 = vector.broadcast %jit3A_416 : f32 to vector<512x512xf32>
    %select_n3A_418 = arith.select %and3A_414, %rsqrt3A_415, %broadcast_in_dim3A_417 : vector<512x512xi1>, vector<512x512xf32>
    %get3A_419 = arith.constant 0 : index
    %get3A_420 = arith.constant 0 : index
    %get3A_421 = vector.load %arg22[%get3A_419, %get3A_420] : memref<512x8xf32, #tpu.memory_space<vmem>>, vector<512x8xf32>
    %dot_general3A_422 = arith.constant dense<0.000000e+00> : vector<512x8xf32>
    %dot_general3A_423 = tpu.matmul %select_n3A_418, %get3A_421, %dot_general3A_422 {dimension_numbers = #tpu.dot_dimension_numbers<[1], [0], [0], [1], [0, 0, 1, 1], [], []>, transpose_lhs_hint = false} : vector<512x512xf32>, vector<512x8xf32>, vector<512x8xf32> -> vector<512x8xf32>
    %add3A_424 = arith.addf %add3A_382, %dot_general3A_423 : vector<512x8xf32>
    %add3A_425 = arith.constant 10 : i32
    %add3A_426 = arith.addi %get3A_0, %add3A_425 : i32
    %min3A_427 = arith.constant 20 : i32
    %min3A_428 = arith.minsi %add3A_426, %min3A_427 : i32
    %get3A_429 = arith.constant 0 : index
    %get3A_430 = arith.constant 0 : index
    %get3A_431 = vector.load %arg12[%get3A_429, %get3A_430] : memref<8x512xf32, #tpu.memory_space<vmem>>, vector<8x512xf32>
    %slice3A_432 = vector.extract_strided_slice %get3A_431 {offsets = [0, 0], sizes = [2, 512], strides = [1, 1]} : vector<8x512xf32> to vector<2x512xf32>
    %dot_general3A_433 = arith.constant dense<0.000000e+00> : vector<512x512xf32>
    %dot_general3A_434 = tpu.matmul %get3A_9, %slice3A_432, %dot_general3A_433 {dimension_numbers = #tpu.dot_dimension_numbers<[1], [0], [0], [1], [0, 0, 1, 1], [], []>, transpose_lhs_hint = false} : vector<512x2xf32>, vector<2x512xf32>, vector<512x512xf32> -> vector<512x512xf32>
    %slice3A_435 = vector.extract_strided_slice %get3A_431 {offsets = [2, 0], sizes = [1, 512], strides = [1, 1]} : vector<8x512xf32> to vector<1x512xf32>
    %add3A_436 = vector.broadcast %add3A_12 : vector<512x1xf32> to vector<512x512xf32>
    %add3A_437 = vector.broadcast %slice3A_435 : vector<1x512xf32> to vector<512x512xf32>
    %add3A_438 = arith.addf %add3A_436, %add3A_437 : vector<512x512xf32>
    %add3A_439 = arith.addf %add3A_438, %dot_general3A_434 : vector<512x512xf32>
    %max3A_440 = arith.constant 9.99999996E-13 : f32
    %max3A_441 = vector.broadcast %max3A_440 : f32 to vector<512x512xf32>
    %max3A_442 = arith.maximumf %add3A_439, %max3A_441 : vector<512x512xf32>
    %mul3A_443 = arith.constant 512 : i32
    %mul3A_444 = arith.muli %arg0, %mul3A_443 : i32
    %iota3A_445 = tpu.iota {dimensions = array<i32: 0>} : vector<512x512xi32>
    %add3A_446 = vector.broadcast %mul3A_444 : i32 to vector<512x512xi32>
    %add3A_447 = arith.addi %add3A_446, %iota3A_445 : vector<512x512xi32>
    %mul3A_448 = arith.constant 512 : i32
    %mul3A_449 = arith.muli %min3A_428, %mul3A_448 : i32
    %iota3A_450 = tpu.iota {dimensions = array<i32: 1>} : vector<512x512xi32>
    %add3A_451 = vector.broadcast %mul3A_449 : i32 to vector<512x512xi32>
    %add3A_452 = arith.addi %add3A_451, %iota3A_450 : vector<512x512xi32>
    %le3A_453 = vector.broadcast %get3A_6 : vector<1x1xf32> to vector<512x512xf32>
    %le3A_454 = arith.cmpf ole, %max3A_442, %le3A_453 : vector<512x512xf32>
    %ne3A_455 = arith.cmpi ne, %add3A_447, %add3A_452 : vector<512x512xi32>
    %and3A_456 = arith.andi %le3A_454, %ne3A_455 : vector<512x512xi1>
    %rsqrt3A_457 = math.rsqrt %max3A_442 : vector<512x512xf32>
    %jit3A_458 = arith.constant 0.000000e+00 : f32
    %broadcast_in_dim3A_459 = vector.broadcast %jit3A_458 : f32 to vector<512x512xf32>
    %select_n3A_460 = arith.select %and3A_456, %rsqrt3A_457, %broadcast_in_dim3A_459 : vector<512x512xi1>, vector<512x512xf32>
    %get3A_461 = arith.constant 0 : index
    %get3A_462 = arith.constant 0 : index
    %get3A_463 = vector.load %arg23[%get3A_461, %get3A_462] : memref<512x8xf32, #tpu.memory_space<vmem>>, vector<512x8xf32>
    %dot_general3A_464 = arith.constant dense<0.000000e+00> : vector<512x8xf32>
    %dot_general3A_465 = tpu.matmul %select_n3A_460, %get3A_463, %dot_general3A_464 {dimension_numbers = #tpu.dot_dimension_numbers<[1], [0], [0], [1], [0, 0, 1, 1], [], []>, transpose_lhs_hint = false} : vector<512x512xf32>, vector<512x8xf32>, vector<512x8xf32> -> vector<512x8xf32>
    %add3A_466 = arith.addf %add3A_424, %dot_general3A_465 : vector<512x8xf32>
    %add3A_467 = arith.constant 11 : i32
    %add3A_468 = arith.addi %get3A_0, %add3A_467 : i32
    %add3A_469 = arith.constant 1 : i32
    %add3A_470 = arith.addi %get3A_3, %add3A_469 : i32
    %while3A = arith.subi %add3A_470, %add3A_468 : i32
    %while3A_471 = arith.addi %add3A_468, %while3A : i32
    %while3A_472 = arith.constant 1 : i32
    %while3A_473 = arith.divsi %while3A, %while3A_472 : i32
    %while3A_474 = arith.muli %while3A_473, %while3A_472 : i32
    %while3A_475 = arith.addi %add3A_468, %while3A_474 : i32
    %while3A_476 = arith.constant 1 : i32
    %while3A_477 = scf.for %while3A_492 = %add3A_468 to %while3A_475 step %while3A_476 iter_args(%while3A_493 = %add3A_466) -> (vector<512x8xf32>)  : i32 {
      %mul3A_494 = arith.constant 512 : i32
      %mul3A_495 = arith.muli %while3A_492, %mul3A_494 : i32
      %get3A_496 = arith.constant 0 : index
      %get3A_497 = arith.index_cast %mul3A_495 : i32 to index
      %get3A_498 = vector.load %arg24[%get3A_496, %get3A_497] : memref<8x10752xf32, #tpu.memory_space<vmem>>, vector<8x512xf32>
      %slice3A_499 = vector.extract_strided_slice %get3A_498 {offsets = [0, 0], sizes = [2, 512], strides = [1, 1]} : vector<8x512xf32> to vector<2x512xf32>
      %dot_general3A_500 = arith.constant dense<0.000000e+00> : vector<512x512xf32>
      %dot_general3A_501 = tpu.matmul %get3A_9, %slice3A_499, %dot_general3A_500 {dimension_numbers = #tpu.dot_dimension_numbers<[1], [0], [0], [1], [0, 0, 1, 1], [], []>, transpose_lhs_hint = false} : vector<512x2xf32>, vector<2x512xf32>, vector<512x512xf32> -> vector<512x512xf32>
      %slice3A_502 = vector.extract_strided_slice %get3A_498 {offsets = [2, 0], sizes = [1, 512], strides = [1, 1]} : vector<8x512xf32> to vector<1x512xf32>
      %add3A_503 = vector.broadcast %add3A_12 : vector<512x1xf32> to vector<512x512xf32>
      %add3A_504 = vector.broadcast %slice3A_502 : vector<1x512xf32> to vector<512x512xf32>
      %add3A_505 = arith.addf %add3A_503, %add3A_504 : vector<512x512xf32>
      %add3A_506 = arith.addf %add3A_505, %dot_general3A_501 : vector<512x512xf32>
      %max3A_507 = arith.constant 9.99999996E-13 : f32
      %max3A_508 = vector.broadcast %max3A_507 : f32 to vector<512x512xf32>
      %max3A_509 = arith.maximumf %add3A_506, %max3A_508 : vector<512x512xf32>
      %mul3A_510 = arith.constant 512 : i32
      %mul3A_511 = arith.muli %arg0, %mul3A_510 : i32
      %iota3A_512 = tpu.iota {dimensions = array<i32: 0>} : vector<512x512xi32>
      %add3A_513 = vector.broadcast %mul3A_511 : i32 to vector<512x512xi32>
      %add3A_514 = arith.addi %add3A_513, %iota3A_512 : vector<512x512xi32>
      %mul3A_515 = arith.constant 512 : i32
      %mul3A_516 = arith.muli %while3A_492, %mul3A_515 : i32
      %iota3A_517 = tpu.iota {dimensions = array<i32: 1>} : vector<512x512xi32>
      %add3A_518 = vector.broadcast %mul3A_516 : i32 to vector<512x512xi32>
      %add3A_519 = arith.addi %add3A_518, %iota3A_517 : vector<512x512xi32>
      %le3A_520 = vector.broadcast %get3A_6 : vector<1x1xf32> to vector<512x512xf32>
      %le3A_521 = arith.cmpf ole, %max3A_509, %le3A_520 : vector<512x512xf32>
      %ne3A_522 = arith.cmpi ne, %add3A_514, %add3A_519 : vector<512x512xi32>
      %and3A_523 = arith.andi %le3A_521, %ne3A_522 : vector<512x512xi1>
      %rsqrt3A_524 = math.rsqrt %max3A_509 : vector<512x512xf32>
      %jit3A_525 = arith.constant 0.000000e+00 : f32
      %broadcast_in_dim3A_526 = vector.broadcast %jit3A_525 : f32 to vector<512x512xf32>
      %select_n3A_527 = arith.select %and3A_523, %rsqrt3A_524, %broadcast_in_dim3A_526 : vector<512x512xi1>, vector<512x512xf32>
      %mul3A_528 = arith.constant 512 : i32
      %mul3A_529 = arith.muli %while3A_492, %mul3A_528 : i32
      %get3A_530 = arith.index_cast %mul3A_529 : i32 to index
      %get3A_531 = arith.constant 0 : index
      %get3A_532 = vector.load %arg26[%get3A_530, %get3A_531] : memref<10752x8xf32, #tpu.memory_space<vmem>>, vector<512x8xf32>
      %dot_general3A_533 = arith.constant dense<0.000000e+00> : vector<512x8xf32>
      %dot_general3A_534 = tpu.matmul %select_n3A_527, %get3A_532, %dot_general3A_533 {dimension_numbers = #tpu.dot_dimension_numbers<[1], [0], [0], [1], [0, 0, 1, 1], [], []>, transpose_lhs_hint = false} : vector<512x512xf32>, vector<512x8xf32>, vector<512x8xf32> -> vector<512x8xf32>
      %add3A_535 = arith.addf %while3A_493, %dot_general3A_534 : vector<512x8xf32>
      scf.yield %add3A_535 : vector<512x8xf32>
    }
    %while3A_478 = arith.constant 1 : i32
    %while3A_479 = scf.for %while3A_492 = %while3A_475 to %while3A_471 step %while3A_478 iter_args(%while3A_493 = %while3A_477) -> (vector<512x8xf32>)  : i32 {
      %mul3A_494 = arith.constant 512 : i32
      %mul3A_495 = arith.muli %while3A_492, %mul3A_494 : i32
      %get3A_496 = arith.constant 0 : index
      %get3A_497 = arith.index_cast %mul3A_495 : i32 to index
      %get3A_498 = vector.load %arg24[%get3A_496, %get3A_497] : memref<8x10752xf32, #tpu.memory_space<vmem>>, vector<8x512xf32>
      %slice3A_499 = vector.extract_strided_slice %get3A_498 {offsets = [0, 0], sizes = [2, 512], strides = [1, 1]} : vector<8x512xf32> to vector<2x512xf32>
      %dot_general3A_500 = arith.constant dense<0.000000e+00> : vector<512x512xf32>
      %dot_general3A_501 = tpu.matmul %get3A_9, %slice3A_499, %dot_general3A_500 {dimension_numbers = #tpu.dot_dimension_numbers<[1], [0], [0], [1], [0, 0, 1, 1], [], []>, transpose_lhs_hint = false} : vector<512x2xf32>, vector<2x512xf32>, vector<512x512xf32> -> vector<512x512xf32>
      %slice3A_502 = vector.extract_strided_slice %get3A_498 {offsets = [2, 0], sizes = [1, 512], strides = [1, 1]} : vector<8x512xf32> to vector<1x512xf32>
      %add3A_503 = vector.broadcast %add3A_12 : vector<512x1xf32> to vector<512x512xf32>
      %add3A_504 = vector.broadcast %slice3A_502 : vector<1x512xf32> to vector<512x512xf32>
      %add3A_505 = arith.addf %add3A_503, %add3A_504 : vector<512x512xf32>
      %add3A_506 = arith.addf %add3A_505, %dot_general3A_501 : vector<512x512xf32>
      %max3A_507 = arith.constant 9.99999996E-13 : f32
      %max3A_508 = vector.broadcast %max3A_507 : f32 to vector<512x512xf32>
      %max3A_509 = arith.maximumf %add3A_506, %max3A_508 : vector<512x512xf32>
      %mul3A_510 = arith.constant 512 : i32
      %mul3A_511 = arith.muli %arg0, %mul3A_510 : i32
      %iota3A_512 = tpu.iota {dimensions = array<i32: 0>} : vector<512x512xi32>
      %add3A_513 = vector.broadcast %mul3A_511 : i32 to vector<512x512xi32>
      %add3A_514 = arith.addi %add3A_513, %iota3A_512 : vector<512x512xi32>
      %mul3A_515 = arith.constant 512 : i32
      %mul3A_516 = arith.muli %while3A_492, %mul3A_515 : i32
      %iota3A_517 = tpu.iota {dimensions = array<i32: 1>} : vector<512x512xi32>
      %add3A_518 = vector.broadcast %mul3A_516 : i32 to vector<512x512xi32>
      %add3A_519 = arith.addi %add3A_518, %iota3A_517 : vector<512x512xi32>
      %le3A_520 = vector.broadcast %get3A_6 : vector<1x1xf32> to vector<512x512xf32>
      %le3A_521 = arith.cmpf ole, %max3A_509, %le3A_520 : vector<512x512xf32>
      %ne3A_522 = arith.cmpi ne, %add3A_514, %add3A_519 : vector<512x512xi32>
      %and3A_523 = arith.andi %le3A_521, %ne3A_522 : vector<512x512xi1>
      %rsqrt3A_524 = math.rsqrt %max3A_509 : vector<512x512xf32>
      %jit3A_525 = arith.constant 0.000000e+00 : f32
      %broadcast_in_dim3A_526 = vector.broadcast %jit3A_525 : f32 to vector<512x512xf32>
      %select_n3A_527 = arith.select %and3A_523, %rsqrt3A_524, %broadcast_in_dim3A_526 : vector<512x512xi1>, vector<512x512xf32>
      %mul3A_528 = arith.constant 512 : i32
      %mul3A_529 = arith.muli %while3A_492, %mul3A_528 : i32
      %get3A_530 = arith.index_cast %mul3A_529 : i32 to index
      %get3A_531 = arith.constant 0 : index
      %get3A_532 = vector.load %arg26[%get3A_530, %get3A_531] : memref<10752x8xf32, #tpu.memory_space<vmem>>, vector<512x8xf32>
      %dot_general3A_533 = arith.constant dense<0.000000e+00> : vector<512x8xf32>
      %dot_general3A_534 = tpu.matmul %select_n3A_527, %get3A_532, %dot_general3A_533 {dimension_numbers = #tpu.dot_dimension_numbers<[1], [0], [0], [1], [0, 0, 1, 1], [], []>, transpose_lhs_hint = false} : vector<512x512xf32>, vector<512x8xf32>, vector<512x8xf32> -> vector<512x8xf32>
      %add3A_535 = arith.addf %while3A_493, %dot_general3A_534 : vector<512x8xf32>
      scf.yield %add3A_535 : vector<512x8xf32>
    }
    %get3A_480 = arith.constant 0 : index
    %get3A_481 = arith.constant 0 : index
    %get3A_482 = vector.load %arg28[%get3A_480, %get3A_481] : memref<512x8xf32, #tpu.memory_space<vmem>>, vector<512x1xf32>
    %mul3A_483 = vector.broadcast %get3A_482 : vector<512x1xf32> to vector<512x8xf32>
    %mul3A_484 = arith.mulf %mul3A_483, %while3A_479 : vector<512x8xf32>
    %get3A_485 = arith.constant 0 : index
    %get3A_486 = arith.constant 0 : index
    %get3A_487 = vector.load %arg30[%get3A_485, %get3A_486] : memref<1x8xf32, #tpu.memory_space<vmem>>, vector<1x8xf32>
    %add3A_488 = vector.broadcast %get3A_487 : vector<1x8xf32> to vector<512x8xf32>
    %add3A_489 = arith.addf %mul3A_484, %add3A_488 : vector<512x8xf32>
    %swap3A = arith.constant 0 : index
    %swap3A_490 = arith.constant 0 : index
    %swap3A_491 = vector.load %arg32[%swap3A, %swap3A_490] : memref<512x8xf32, #tpu.memory_space<vmem>>, vector<512x8xf32>
    tpu.vector_store %arg32[%swap3A, %swap3A_490], %add3A_489 {strides = array<i32>} : memref<512x8xf32, #tpu.memory_space<vmem>>, vector<512x8xf32>,
    return
  }
  func.func @transform_0(%arg0: i32, %arg1: memref<42xi32, #tpu.memory_space<smem>>) -> (i32, i32) {
    %get3A = arith.index_cast %arg0 : i32 to index
    %get3A_0 = memref.load %arg1[%get3A] : memref<42xi32, #tpu.memory_space<smem>>
    %add3A = arith.constant 0 : i32
    %add3A_1 = arith.addi %get3A_0, %add3A : i32
    %min3A = arith.constant 20 : i32
    %min3A_2 = arith.minsi %add3A_1, %min3A : i32
    %c0_i32 = arith.constant 0 : i32
    %c0_i32_3 = arith.constant 0 : i32
    return %c0_i32, %min3A_2 : i32, i32
  }
  func.func @transform_1(%arg0: i32, %arg1: memref<42xi32, #tpu.memory_space<smem>>) -> (i32, i32) {
    %get3A = arith.index_cast %arg0 : i32 to index
    %get3A_0 = memref.load %arg1[%get3A] : memref<42xi32, #tpu.memory_space<smem>>
    %add3A = arith.constant 1 : i32
    %add3A_1 = arith.addi %get3A_0, %add3A : i32
    %min3A = arith.constant 20 : i32
    %min3A_2 = arith.minsi %add3A_1, %min3A : i32
    %c0_i32 = arith.constant 0 : i32
    %c0_i32_3 = arith.constant 0 : i32
    return %c0_i32, %min3A_2 : i32, i32
  }
  func.func @transform_2(%arg0: i32, %arg1: memref<42xi32, #tpu.memory_space<smem>>) -> (i32, i32) {
    %get3A = arith.index_cast %arg0 : i32 to index
    %get3A_0 = memref.load %arg1[%get3A] : memref<42xi32, #tpu.memory_space<smem>>
    %add3A = arith.constant 2 : i32
    %add3A_1 = arith.addi %get3A_0, %add3A : i32
    %min3A = arith.constant 20 : i32
    %min3A_2 = arith.minsi %add3A_1, %min3A : i32
    %c0_i32 = arith.constant 0 : i32
    %c0_i32_3 = arith.constant 0 : i32
    return %c0_i32, %min3A_2 : i32, i32
  }
  func.func @transform_3(%arg0: i32, %arg1: memref<42xi32, #tpu.memory_space<smem>>) -> (i32, i32) {
    %get3A = arith.index_cast %arg0 : i32 to index
    %get3A_0 = memref.load %arg1[%get3A] : memref<42xi32, #tpu.memory_space<smem>>
    %add3A = arith.constant 3 : i32
    %add3A_1 = arith.addi %get3A_0, %add3A : i32
    %min3A = arith.constant 20 : i32
    %min3A_2 = arith.minsi %add3A_1, %min3A : i32
    %c0_i32 = arith.constant 0 : i32
    %c0_i32_3 = arith.constant 0 : i32
    return %c0_i32, %min3A_2 : i32, i32
  }
  func.func @transform_4(%arg0: i32, %arg1: memref<42xi32, #tpu.memory_space<smem>>) -> (i32, i32) {
    %get3A = arith.index_cast %arg0 : i32 to index
    %get3A_0 = memref.load %arg1[%get3A] : memref<42xi32, #tpu.memory_space<smem>>
    %add3A = arith.constant 4 : i32
    %add3A_1 = arith.addi %get3A_0, %add3A : i32
    %min3A = arith.constant 20 : i32
    %min3A_2 = arith.minsi %add3A_1, %min3A : i32
    %c0_i32 = arith.constant 0 : i32
    %c0_i32_3 = arith.constant 0 : i32
    return %c0_i32, %min3A_2 : i32, i32
  }
  func.func @transform_5(%arg0: i32, %arg1: memref<42xi32, #tpu.memory_space<smem>>) -> (i32, i32) {
    %get3A = arith.index_cast %arg0 : i32 to index
    %get3A_0 = memref.load %arg1[%get3A] : memref<42xi32, #tpu.memory_space<smem>>
    %add3A = arith.constant 5 : i32
    %add3A_1 = arith.addi %get3A_0, %add3A : i32
    %min3A = arith.constant 20 : i32
    %min3A_2 = arith.minsi %add3A_1, %min3A : i32
    %c0_i32 = arith.constant 0 : i32
    %c0_i32_3 = arith.constant 0 : i32
    return %c0_i32, %min3A_2 : i32, i32
  }
  func.func @transform_6(%arg0: i32, %arg1: memref<42xi32, #tpu.memory_space<smem>>) -> (i32, i32) {
    %get3A = arith.index_cast %arg0 : i32 to index
    %get3A_0 = memref.load %arg1[%get3A] : memref<42xi32, #tpu.memory_space<smem>>
    %add3A = arith.constant 6 : i32
    %add3A_1 = arith.addi %get3A_0, %add3A : i32
    %min3A = arith.constant 20 : i32
    %min3A_2 = arith.minsi %add3A_1, %min3A : i32
    %c0_i32 = arith.constant 0 : i32
    %c0_i32_3 = arith.constant 0 : i32
    return %c0_i32, %min3A_2 : i32, i32
  }
  func.func @transform_7(%arg0: i32, %arg1: memref<42xi32, #tpu.memory_space<smem>>) -> (i32, i32) {
    %get3A = arith.index_cast %arg0 : i32 to index
    %get3A_0 = memref.load %arg1[%get3A] : memref<42xi32, #tpu.memory_space<smem>>
    %add3A = arith.constant 7 : i32
    %add3A_1 = arith.addi %get3A_0, %add3A : i32
    %min3A = arith.constant 20 : i32
    %min3A_2 = arith.minsi %add3A_1, %min3A : i32
    %c0_i32 = arith.constant 0 : i32
    %c0_i32_3 = arith.constant 0 : i32
    return %c0_i32, %min3A_2 : i32, i32
  }
  func.func @transform_8(%arg0: i32, %arg1: memref<42xi32, #tpu.memory_space<smem>>) -> (i32, i32) {
    %get3A = arith.index_cast %arg0 : i32 to index
    %get3A_0 = memref.load %arg1[%get3A] : memref<42xi32, #tpu.memory_space<smem>>
    %add3A = arith.constant 8 : i32
    %add3A_1 = arith.addi %get3A_0, %add3A : i32
    %min3A = arith.constant 20 : i32
    %min3A_2 = arith.minsi %add3A_1, %min3A : i32
    %c0_i32 = arith.constant 0 : i32
    %c0_i32_3 = arith.constant 0 : i32
    return %c0_i32, %min3A_2 : i32, i32
  }
  func.func @transform_9(%arg0: i32, %arg1: memref<42xi32, #tpu.memory_space<smem>>) -> (i32, i32) {
    %get3A = arith.index_cast %arg0 : i32 to index
    %get3A_0 = memref.load %arg1[%get3A] : memref<42xi32, #tpu.memory_space<smem>>
    %add3A = arith.constant 9 : i32
    %add3A_1 = arith.addi %get3A_0, %add3A : i32
    %min3A = arith.constant 20 : i32
    %min3A_2 = arith.minsi %add3A_1, %min3A : i32
    %c0_i32 = arith.constant 0 : i32
    %c0_i32_3 = arith.constant 0 : i32
    return %c0_i32, %min3A_2 : i32, i32
  }
  func.func @transform_10(%arg0: i32, %arg1: memref<42xi32, #tpu.memory_space<smem>>) -> (i32, i32) {
    %get3A = arith.index_cast %arg0 : i32 to index
    %get3A_0 = memref.load %arg1[%get3A] : memref<42xi32, #tpu.memory_space<smem>>
    %add3A = arith.constant 10 : i32
    %add3A_1 = arith.addi %get3A_0, %add3A : i32
    %min3A = arith.constant 20 : i32
    %min3A_2 = arith.minsi %add3A_1, %min3A : i32
    %c0_i32 = arith.constant 0 : i32
    %c0_i32_3 = arith.constant 0 : i32
    return %c0_i32, %min3A_2 : i32, i32
  }
  func.func @transform_11(%arg0: i32, %arg1: memref<42xi32, #tpu.memory_space<smem>>) -> (i32, i32) {
    %get3A = arith.index_cast %arg0 : i32 to index
    %get3A_0 = memref.load %arg1[%get3A] : memref<42xi32, #tpu.memory_space<smem>>
    %add3A = arith.constant 0 : i32
    %add3A_1 = arith.addi %get3A_0, %add3A : i32
    %min3A = arith.constant 20 : i32
    %min3A_2 = arith.minsi %add3A_1, %min3A : i32
    %c0_i32 = arith.constant 0 : i32
    %c0_i32_3 = arith.constant 0 : i32
    return %min3A_2, %c0_i32 : i32, i32
  }
  func.func @transform_12(%arg0: i32, %arg1: memref<42xi32, #tpu.memory_space<smem>>) -> (i32, i32) {
    %get3A = arith.index_cast %arg0 : i32 to index
    %get3A_0 = memref.load %arg1[%get3A] : memref<42xi32, #tpu.memory_space<smem>>
    %add3A = arith.constant 1 : i32
    %add3A_1 = arith.addi %get3A_0, %add3A : i32
    %min3A = arith.constant 20 : i32
    %min3A_2 = arith.minsi %add3A_1, %min3A : i32
    %c0_i32 = arith.constant 0 : i32
    %c0_i32_3 = arith.constant 0 : i32
    return %min3A_2, %c0_i32 : i32, i32
  }
  func.func @transform_13(%arg0: i32, %arg1: memref<42xi32, #tpu.memory_space<smem>>) -> (i32, i32) {
    %get3A = arith.index_cast %arg0 : i32 to index
    %get3A_0 = memref.load %arg1[%get3A] : memref<42xi32, #tpu.memory_space<smem>>
    %add3A = arith.constant 2 : i32
    %add3A_1 = arith.addi %get3A_0, %add3A : i32
    %min3A = arith.constant 20 : i32
    %min3A_2 = arith.minsi %add3A_1, %min3A : i32
    %c0_i32 = arith.constant 0 : i32
    %c0_i32_3 = arith.constant 0 : i32
    return %min3A_2, %c0_i32 : i32, i32
  }
  func.func @transform_14(%arg0: i32, %arg1: memref<42xi32, #tpu.memory_space<smem>>) -> (i32, i32) {
    %get3A = arith.index_cast %arg0 : i32 to index
    %get3A_0 = memref.load %arg1[%get3A] : memref<42xi32, #tpu.memory_space<smem>>
    %add3A = arith.constant 3 : i32
    %add3A_1 = arith.addi %get3A_0, %add3A : i32
    %min3A = arith.constant 20 : i32
    %min3A_2 = arith.minsi %add3A_1, %min3A : i32
    %c0_i32 = arith.constant 0 : i32
    %c0_i32_3 = arith.constant 0 : i32
    return %min3A_2, %c0_i32 : i32, i32
  }
  func.func @transform_15(%arg0: i32, %arg1: memref<42xi32, #tpu.memory_space<smem>>) -> (i32, i32) {
    %get3A = arith.index_cast %arg0 : i32 to index
    %get3A_0 = memref.load %arg1[%get3A] : memref<42xi32, #tpu.memory_space<smem>>
    %add3A = arith.constant 4 : i32
    %add3A_1 = arith.addi %get3A_0, %add3A : i32
    %min3A = arith.constant 20 : i32
    %min3A_2 = arith.minsi %add3A_1, %min3A : i32
    %c0_i32 = arith.constant 0 : i32
    %c0_i32_3 = arith.constant 0 : i32
    return %min3A_2, %c0_i32 : i32, i32
  }
  func.func @transform_16(%arg0: i32, %arg1: memref<42xi32, #tpu.memory_space<smem>>) -> (i32, i32) {
    %get3A = arith.index_cast %arg0 : i32 to index
    %get3A_0 = memref.load %arg1[%get3A] : memref<42xi32, #tpu.memory_space<smem>>
    %add3A = arith.constant 5 : i32
    %add3A_1 = arith.addi %get3A_0, %add3A : i32
    %min3A = arith.constant 20 : i32
    %min3A_2 = arith.minsi %add3A_1, %min3A : i32
    %c0_i32 = arith.constant 0 : i32
    %c0_i32_3 = arith.constant 0 : i32
    return %min3A_2, %c0_i32 : i32, i32
  }
  func.func @transform_17(%arg0: i32, %arg1: memref<42xi32, #tpu.memory_space<smem>>) -> (i32, i32) {
    %get3A = arith.index_cast %arg0 : i32 to index
    %get3A_0 = memref.load %arg1[%get3A] : memref<42xi32, #tpu.memory_space<smem>>
    %add3A = arith.constant 6 : i32
    %add3A_1 = arith.addi %get3A_0, %add3A : i32
    %min3A = arith.constant 20 : i32
    %min3A_2 = arith.minsi %add3A_1, %min3A : i32
    %c0_i32 = arith.constant 0 : i32
    %c0_i32_3 = arith.constant 0 : i32
    return %min3A_2, %c0_i32 : i32, i32
  }
  func.func @transform_18(%arg0: i32, %arg1: memref<42xi32, #tpu.memory_space<smem>>) -> (i32, i32) {
    %get3A = arith.index_cast %arg0 : i32 to index
    %get3A_0 = memref.load %arg1[%get3A] : memref<42xi32, #tpu.memory_space<smem>>
    %add3A = arith.constant 7 : i32
    %add3A_1 = arith.addi %get3A_0, %add3A : i32
    %min3A = arith.constant 20 : i32
    %min3A_2 = arith.minsi %add3A_1, %min3A : i32
    %c0_i32 = arith.constant 0 : i32
    %c0_i32_3 = arith.constant 0 : i32
    return %min3A_2, %c0_i32 : i32, i32
  }
  func.func @transform_19(%arg0: i32, %arg1: memref<42xi32, #tpu.memory_space<smem>>) -> (i32, i32) {
    %get3A = arith.index_cast %arg0 : i32 to index
    %get3A_0 = memref.load %arg1[%get3A] : memref<42xi32, #tpu.memory_space<smem>>
    %add3A = arith.constant 8 : i32
    %add3A_1 = arith.addi %get3A_0, %add3A : i32
    %min3A = arith.constant 20 : i32
    %min3A_2 = arith.minsi %add3A_1, %min3A : i32
    %c0_i32 = arith.constant 0 : i32
    %c0_i32_3 = arith.constant 0 : i32
    return %min3A_2, %c0_i32 : i32, i32
  }
  func.func @transform_20(%arg0: i32, %arg1: memref<42xi32, #tpu.memory_space<smem>>) -> (i32, i32) {
    %get3A = arith.index_cast %arg0 : i32 to index
    %get3A_0 = memref.load %arg1[%get3A] : memref<42xi32, #tpu.memory_space<smem>>
    %add3A = arith.constant 9 : i32
    %add3A_1 = arith.addi %get3A_0, %add3A : i32
    %min3A = arith.constant 20 : i32
    %min3A_2 = arith.minsi %add3A_1, %min3A : i32
    %c0_i32 = arith.constant 0 : i32
    %c0_i32_3 = arith.constant 0 : i32
    return %min3A_2, %c0_i32 : i32, i32
  }
  func.func @transform_21(%arg0: i32, %arg1: memref<42xi32, #tpu.memory_space<smem>>) -> (i32, i32) {
    %get3A = arith.index_cast %arg0 : i32 to index
    %get3A_0 = memref.load %arg1[%get3A] : memref<42xi32, #tpu.memory_space<smem>>
    %add3A = arith.constant 10 : i32
    %add3A_1 = arith.addi %get3A_0, %add3A : i32
    %min3A = arith.constant 20 : i32
    %min3A_2 = arith.minsi %add3A_1, %min3A : i32
    %c0_i32 = arith.constant 0 : i32
    %c0_i32_3 = arith.constant 0 : i32
    return %min3A_2, %c0_i32 : i32, i32
  }
  func.func @transform_22(%arg0: i32, %arg1: memref<42xi32, #tpu.memory_space<smem>>) -> (i32, i32) {
    %c0_i32 = arith.constant 0 : i32
    %c0_i32_0 = arith.constant 0 : i32
    %c0_i32_1 = arith.constant 0 : i32
    return %c0_i32, %c0_i32_0 : i32, i32
  }
  func.func @transform_23(%arg0: i32, %arg1: memref<42xi32, #tpu.memory_space<smem>>) -> (i32, i32) {
    %c0_i32 = arith.constant 0 : i32
    %c0_i32_0 = arith.constant 0 : i32
    return %arg0, %c0_i32 : i32, i32
  }
  func.func @transform_24(%arg0: i32, %arg1: memref<42xi32, #tpu.memory_space<smem>>) -> (i32, i32) {
    %c0_i32 = arith.constant 0 : i32
    %c0_i32_0 = arith.constant 0 : i32
    %c0_i32_1 = arith.constant 0 : i32
    return %c0_i32, %c0_i32_0 : i32, i32
  }
  func.func @transform_25(%arg0: i32, %arg1: memref<42xi32, #tpu.memory_space<smem>>) -> (i32, i32) {
    %c0_i32 = arith.constant 0 : i32
    %c0_i32_0 = arith.constant 0 : i32
    return %arg0, %c0_i32 : i32, i32
  }
  func.func @transform_26(%arg0: i32, %arg1: memref<42xi32, #tpu.memory_space<smem>>) -> (i32, i32) {
    %c0_i32 = arith.constant 0 : i32
    %c0_i32_0 = arith.constant 0 : i32
    return %arg0, %c0_i32 : i32, i32
  }
  func.func @transform_27(%arg0: i32, %arg1: memref<42xi32, #tpu.memory_space<smem>>) -> (i32, i32) {
    %c0_i32 = arith.constant 0 : i32
    %c0_i32_0 = arith.constant 0 : i32
    %c0_i32_1 = arith.constant 0 : i32
    return %c0_i32, %c0_i32_0 : i32, i32
  }
  func.func @transform_28(%arg0: i32, %arg1: memref<42xi32, #tpu.memory_space<smem>>) -> (i32, i32) {
    %c0_i32 = arith.constant 0 : i32
    %c0_i32_0 = arith.constant 0 : i32
    %c0_i32_1 = arith.constant 0 : i32
    return %c0_i32, %c0_i32_0 : i32, i32
  }
  func.func @transform_29(%arg0: i32, %arg1: memref<42xi32, #tpu.memory_space<smem>>) -> (i32, i32) {
    %c0_i32 = arith.constant 0 : i32
    %c0_i32_0 = arith.constant 0 : i32
    %c0_i32_1 = arith.constant 0 : i32
    return %c0_i32, %c0_i32_0 : i32, i32
  }
  func.func @transform_30(%arg0: i32, %arg1: memref<42xi32, #tpu.memory_space<smem>>) -> (i32, i32) {
    %c0_i32 = arith.constant 0 : i32
    %c0_i32_0 = arith.constant 0 : i32
    return %arg0, %c0_i32 : i32, i32
  }
}

</mosaic_0001>

<sc_bundles>
// kernel: gather_offload_async_start.1
scs
__scs_entry_jumppad:
0x0: {  	(pc) =	sbr.rel $0x88, $3  }
0x1: {  	(tag) =	ssettag $0x0;
	lr =	simm.s32 $0x1  }
0x2: {  	[smem:$0x3F9A] =	sst lr;
	_ =	strace $0xD0000000  }
0x3: {  	_ = 	snop  }
0x4: {  	_ = 	snop  }
0x5: {  	_ = 	snop  }
0x6: {  	_ = 	snop  }
0x7: {  	_ = 	snop  }
__scs_overlays_trampoline_lowered:
0x8: {  	[smem:$0x3FA9] =	sst s0  }
0x9: {  	[smem:$0x3FAA] =	sst s1  }
0xa: {  	[smem:$0x3FAB] =	sst s2  }
0xb: {  	[smem:$0x3FAC] =	sst s3  }
0xc: {  	[smem:$0x3FAD] =	sst s4  }
0xd: {  	[smem:$0x3FAE] =	sst s5  }
0xe: {  	[smem:$0x3FAF] =	sst s6  }
0xf: {  	[smem:$0x3FB0] =	sst s7  }
0x10: {  	[smem:$0x3FB1] =	sst s8  }
0x11: {  	[smem:$0x3FB2] =	sst s9;
	s0 =	simm.s32 @!p0 $0x0  }
0x12: {  	s1 =	sld [smem:$0x3F98];
	s0 =	simm.s32 @p0 $0x1  }
0x13: {  	[smem:$0x3FB3] =	sst s0;
	s0 =	simm.s32 @!p1 $0x0  }
0x14: {  	s2 =	sld [smem:$0x3F97];
	s0 =	simm.s32 @p1 $0x1  }
0x15: {  	[smem:$0x3FB4] =	sst s0;
	s0 =	simm.s32 @!p2 $0x0  }
0x16: {  	s3 =	sld [smem:$0x3FDB];
	s0 =	simm.s32 @p2 $0x1  }
0x17: {  	s4 =	simm.s32 $0x1BF5;
	[smem:$0x3FB6] =	sst s0  }
0x18: {  	s0 =	sld [smem:$0x3F99];
	_ =	swait.ge [sflag:s4], $0x0  }
0x19: {  	s7 =	sld [smem:$0x3F9A]  }
0x1a: {  	s8 =	sadd.s32 $0xFFFFE003, lr  }
0x1b: {  	s9 =	sadd.s32 $0xFFFFFEF7, lr;
	s5 =	simm.s32 $0xFFFFFFFF;
	p2 =	slt.u32 s8, $0xFFFFF086  }
0x1c: {  	p1 =	slt.u32 s9, $0xF7A;
	s5 =	simm.s32 @!p2 $0x0  }
0x1d: {  	s5 =	simm.s32 @p1 $0x1;
	p0 =	seq.s32 s7, s2  }
0x1e: {  	s7 =	smul.u32 @!p0 $0xF7A, s2;
	p2 =	seq.s32 @!p0 s5, $0x0  }
0x1f: {  	s9 =	smul.u32 $0xF7A, s1;
	s8 =	simm.s32 @!p0 $0x1BF5;
	p2 =	por !p2, p0  }
0x20: {  	[sflag:s8] =	ssyncset.s32 @!p0 $0xFFFFF086;
	s6 =	sadd.s32 @!p0 s3, s7;
	s7 =	simm.s32 @!p0 $0x108  }
0x21: {  	s3 =	sadd.s32 s3, s9;
	s6 =	sadd.s32 @!p0 $0x88, s6;
	s7 =	simm.s32 @p2 $0x1082  }
0x22: {  	[simem:s7], [sflag:s8] =	dma.local @!p0 [hbm:s6], $0xF7A  }
0x23: {  	s9 =	sor.u32 $0xD0000000, s2;
	s6 =	simm.s32 $0x108;
	_ =	swait.ge @!p0 [sflag:s8], $0x0  }
0x24: {  	s3 =	sadd.s32 $0x88, s3;
	s6 =	simm.s32 @!p1 $0x1082;
	[sflag:s4] =	ssyncset.s32 $0xFFFFF086  }
0x25: {  	[simem:s6], [sflag:s4] =	dma.local [hbm:s3], $0xF7A  }
0x26: {  	[smem:$0x3F9A] =	sst s1;
	(tag) =	ssettag s2;
	_ =	strace s9  }
0x27: {  	s1 =	sld [smem:$0x3FAA]  }
0x28: {  	s2 =	sld [smem:$0x3FAB]  }
0x29: {  	s4 =	sld [smem:$0x3FAD]  }
0x2a: {  	p0 =	seq.s32 s5, $0x0;
	s5 =	sld [smem:$0x3FAE]  }
0x2b: {  	s6 =	sld [smem:$0x3FAF]  }
0x2c: {  	s7 =	sld [smem:$0x3FB0]  }
0x2d: {  	s3 =	simm.s32 $0x108;
	s8 =	sld [smem:$0x3FB1]  }
0x2e: {  	s3 =	simm.s32 @!p0 $0x1082;
	s9 =	sld [smem:$0x3FB2]  }
0x2f: {  	lr =	sadd.s32 s0, s3;
	s0 =	sld [smem:$0x3FA9]  }
0x30: {  	s3 =	sld [smem:$0x3FAC]  }
0x31: {  	[smem:$0x3FB5] =	sst s10  }
0x32: {  	s10 =	sld [smem:$0x3FB3];
	_ =	sdelay $0x3  }
0x33: {  	p0 =	seq.s32 s10, $0x1;
	s10 =	sld [smem:$0x3FB5];
	_ =	sdelay $0x3  }
0x34: {  	[smem:$0x3FB5] =	sst s10  }
0x35: {  	s10 =	sld [smem:$0x3FB4];
	_ =	sdelay $0x3  }
0x36: {  	p1 =	seq.s32 s10, $0x1;
	s10 =	sld [smem:$0x3FB5];
	_ =	sdelay $0x3  }
0x37: {  	[smem:$0x3FB5] =	sst s10  }
0x38: {  	s10 =	sld [smem:$0x3FB6]  }
0x39: {  	_ = 	snop;
	(pc) =	sbr.ind lr, $3  }
0x3a: {  	_ = 	snop  }
0x3b: {  	_ = 	snop  }
0x3c: {  	p2 =	seq.s32 s10, $0x1;
	s10 =	sld [smem:$0x3FB5]  }
0x3d: {  	_ =	shalt  }
0x3e: {  	_ =	shalt  }
0x3f: {  	_ =	shalt  }
0x40: {  	_ =	shalt  }
0x41: {  	_ =	shalt  }
0x42: {  	_ =	shalt  }
0x43: {  	_ =	shalt  }
0x44: {  	_ =	shalt  }
0x45: {  	_ =	shalt  }
0x46: {  	_ =	shalt  }
0x47: {  	_ =	shalt  }
0x48: {  	_ =	shalt  }
0x49: {  	_ =	shalt  }
0x4a: {  	_ =	shalt  }
0x4b: {  	_ =	shalt  }
0x4c: {  	_ =	shalt  }
0x4d: {  	_ =	shalt  }
0x4e: {  	_ =	shalt  }
0x4f: {  	_ =	shalt  }
0x50: {  	_ =	shalt  }
0x51: {  	_ =	shalt  }
0x52: {  	_ =	shalt  }
0x53: {  	_ =	shalt  }
0x54: {  	_ =	shalt  }
0x55: {  	_ =	shalt  }
0x56: {  	_ =	shalt  }
0x57: {  	_ =	shalt  }
0x58: {  	_ =	shalt  }
0x59: {  	_ =	shalt  }
0x5a: {  	_ =	shalt  }
0x5b: {  	_ =	shalt  }
0x5c: {  	_ =	shalt  }
0x5d: {  	_ =	shalt  }
0x5e: {  	_ =	shalt  }
0x5f: {  	_ =	shalt  }
0x60: {  	_ =	shalt  }
0x61: {  	_ =	shalt  }
0x62: {  	_ =	shalt  }
0x63: {  	_ =	shalt  }
0x64: {  	_ =	shalt  }
0x65: {  	_ =	shalt  }
0x66: {  	_ =	shalt  }
0x67: {  	_ =	shalt  }
0x68: {  	_ =	shalt  }
0x69: {  	_ =	shalt  }
0x6a: {  	_ =	shalt  }
0x6b: {  	_ =	shalt  }
0x6c: {  	_ =	shalt  }
0x6d: {  	_ =	shalt  }
0x6e: {  	_ =	shalt  }
0x6f: {  	_ =	shalt  }
0x70: {  	_ =	shalt  }
0x71: {  	_ =	shalt  }
0x72: {  	_ =	shalt  }
0x73: {  	_ =	shalt  }
0x74: {  	_ =	shalt  }
0x75: {  	_ =	shalt  }
0x76: {  	_ =	shalt  }
0x77: {  	_ =	shalt  }
0x78: {  	_ =	shalt  }
0x79: {  	_ =	shalt  }
0x7a: {  	_ =	shalt  }
0x7b: {  	_ =	shalt  }
0x7c: {  	_ =	shalt  }
0x7d: {  	_ =	shalt  }
0x7e: {  	_ =	shalt  }
0x7f: {  	_ =	shalt  }
0x80: {  	_ =	shalt  }
0x81: {  	_ =	shalt  }
0x82: {  	_ =	shalt  }
0x83: {  	_ =	shalt  }
0x84: {  	_ =	shalt  }
0x85: {  	_ =	shalt  }
0x86: {  	_ =	shalt  }
0x87: {  	_ =	shalt  }
.Lfunc_end0:
.L_simem_size_0:
called_computation.1_lowered:
.L_overlay_start_0:
0x88: {  	s0 =	sld [smem:$0x3FD9]  }
0x89: {  	s1 =	sld [smem:$0x3FFE];
	_ =	sdelay $0x3  }
0x8a: {  	s0 =	sadd.s32 s1, s0  }
0x8b: {  	[smem:$0x3FC1] =	sst s0  }
0x8c: {  	_ = 	snop  }
0x8d: {  	s0 =	sld [smem:$0x3FC9]  }
0x8e: {  	s16 =	sld [smem:$0x3FD0];
	(tm) =	ssettm $0x1  }
0x8f: {  	s2 =	sld [smem:$0x3FFB];
	_ =	sdelay $0x3  }
0x90: {  	_ =	strace s2  }
0x91: {  	s2 =	sld [smem:$0x3FFC];
	_ =	sdelay $0x3  }
0x92: {  	_ =	strace s2  }
0x93: {  	s2 =	sld [smem:$0x3FFD];
	_ =	sdelay $0x3  }
0x94: {  	_ =	strace s2  }
0x95: {  	_ =	strace $0x8FFFFFFF  }
0x96: {  	s17 =	sld [smem:$0x3FDB];
	_ =	sdelay $0x1  }
0x97: {  	s3 =	simm.s32 $_scs_section_size  }
0x98: {  	s4 =	simm.s32 $_size__tile_overlayer_lowered;
	s5 =	simm.s32 $_tile_overlayer_lowered  }
0x99: {  	s20 =	simm.s32 $0x1BFF;
	s19 =	sshll.u32 s5, $0x1;
	s2 =	sadd.s32 s3, s17  }
0x9a: {  	s6 =	simm.s32 $0x0;
	s18 =	sshll.u32 s4, $0x1;
	s4 =	sadd.s32 s19, s2  }
0x9b: {  	[timem:s6], [sflag:s20] =	dma.local [hbm:s4], s18  }
0x9c: {  	_ =	swait.ge [sflag:s20], s18  }
0x9d: {  	s3 =	ssub.s32 $0x0, s18;
	[sflag:s20] =	ssyncset.done $0x0  }
0x9e: {  	[sflag:s20] =	ssyncadd.s32 s3;
	_ =	sdelay $0x1  }
0x9f: {  	s21 =	simm.s32 $0x1B8B  }
0xa0: {  	_ =	swait.ge [sflag:s21], $0x1  }
0xa1: {  	[sflag:s21] =	ssyncset.done $0x0  }
0xa2: {  	s23 =	simm.s32 $0x1B8E;
	s22 =	sld [smem:$0x3FFE];
	[sflag:s21] =	ssyncadd.s32 $0xFFFFFFFF  }
0xa3: {  	s24 =	simm.s32 $execute0_lowered;
	[smem:$0x3FD2] =	sst s23  }
0xa4: {  	s4 =	sshll.u32 s24, $0x1;
	_ =	strace $0x80000049;
	[dreg:$0x1] =	wrdreg $0xFFFFFFFF  }
0xa5: {  	s25 =	simm.s32 $_size_execute0_lowered;
	s2 =	sadd.s32 s2, s4;
	[dreg:$0x0] =	wrdreg $0x0  }
0xa6: {  	s4 =	sshll.u32 s25, $0x1;
	[dreg:$0x2] =	wrdreg s2  }
0xa7: {  	[dreg:$0x3] =	wrdreg s4  }
0xa8: {  	[dreg:$0x4] =	wrdreg $0xC0  }
0xa9: {  	_ =	task [dreg:s6], $0x5FFFF  }
0xaa: {  	[dreg:$0x1] =	wrdreg $0xFFFFFFFF  }
0xab: {  	[dreg:$0x0] =	wrdreg $0x60  }
0xac: {  	[dreg:$0x2] =	wrdreg s0  }
0xad: {  	[dreg:$0x3] =	wrdreg s16  }
0xae: {  	[dreg:$0x4] =	wrdreg s22  }
0xaf: {  	[dreg:$0x5] =	wrdreg $0x9  }
0xb0: {  	_ =	task.clear_ibuf [dreg:s6], $0x6FFFF;
	_ =	strace $0x90000049  }
0xb1: {  	s26 =	simm.s32 $0x9;
	_ =	strace $0x8000004B  }
0xb2: {  	_ =	swait.ge [sflag:s26], $0x1  }
0xb3: {  	[sflag:s26] =	ssyncadd.s32 $0xFFFFFFFF  }
0xb4: {  	_ =	strace $0x9000004B  }
0xb5: {  	_ =	sfence  }
0xb6: {  	s28 =	sld [smem:$0x0];
	_ =	sdelay $0x1  }
0xb7: {  	s29 =	srdreg.scid  }
0xb8: {  	s30 =	sshll.u32 s29, $0xD;
	s31 =	sshrl.u32 s29, $0x2  }
0xb9: {  	s1 =	sand.u32 $0x1, s29;
	s2 =	sand.u32 $0x4000, s30;
	s0 =	sadd.s32 s31, s28  }
0xba: {  	s1 =	sor.u32 s2, s1;
	s0 =	sshll.u32 s0, $0x11  }
0xbb: {  	s0 =	sor.u32 s0, s1  }
0xbc: {  	s0 =	sadd.s32 $0x8F2B, s0  }
0xbd: {  	[sflag:s0] =	ssyncadd.remote.s32 $0x1  }
0xbe: {  	_ =	sfence.sel $0xFFFF  }
0xbf: {  	[dreg:$0x0] =	wrdreg $0xFFFFFFFF;
	(pc) =	sbr.abs _section_cstart, $3  }
0xc0: {  	[dreg:$0x1] =	wrdreg $0xFFFFFFFF  }
0xc1: {  	_ =	task.clear_ibuf [dreg:s6], $0x2FFFF;
	_ =	strace $0x9FFFFFFF  }
0xc2: {  	(tm) =	ssettm $0x7FFFFFFF  }
0xc3: {  	_ =	shalt  }
tec
execute0_lowered:
.L_overlay_start_1:
0x0: {  	(tag) =	ssettag $0x1  }
0x1: {  	s0 =	stileid.u32  }
0x2: {  	s1 =	smin.u32 s0, $0x9  }
0x3: {  	s1 =	sadd.s32 s0, s1  }
0x4: {  	s2 =	simm.s32 $0x320;
	p0 =	slt.u32 s0, $0x9;
	s1 =	smul.u32 $0x190, s1  }
0x5: {  	s2 =	simm.s32 @!p0 $0x190  }
0x6: {  	s2 =	sadd.s32 s2, s1  }
0x7: {  	s3 =	smin.u32 s2, $0x2710  }
0x8: {  	s8 =	ssub.s32 s3, s1  }
0x9: {  	p0 =	sgt.s32 s8, $0x0  }
0xa: {  	s8 =	simm.s32 @!p0 $0x0  }
0xb: {  	s31 =	sand.u32 $0xFFF0, s8  }
0xc: {  	s2 =	sshrl.u32 s31, $0x4  }
0xd: {  	s4 =	rddreg [dreg:$0x0];
	s2 =	smul.u32 $0xA3E, s2  }
0xe: {  	s5 =	rddreg [dreg:$0x1]  }
0xf: {  	s6 =	rddreg [dreg:$0x2];
	s7 =	simm.s32 $0x1;
	s9 =	sshrl.u32 s2, $0x10  }
0x10: {  	s11 =	simm.s32 $0x3;
	s13 =	simm.s32 $0x0;
	s10 =	smul.u32 $0x190, s9  }
.Ltmp0:
0x11: {  	s12 =	simm.s32 $0x0;
	s2 =	rddreg [dreg:$0x3];
	(pc) =	sbr.rel .LBB2_1-.Ltmp0, $4  }
0x12: {  	_ =	strace $0x8000004A;
	p0 =	sne.s32 s8, s10;
	s10 =	simm.s32 $0x1  }
0x13: {  	[sflag:s7] =	ssyncpa.u1 $0x0;
	s8 =	simm.s32 $0x2;
	s10 =	simm.s32 @!p0 $0x0  }
0x14: {  	[sflag:s8] =	ssyncpa.u1 $0x0;
	p0 =	por $0x0, $0x0;
	s9 =	sadd.s32 s9, s10  }
0x15: {  	vm0 =	vmmov $0xff;
	vm1 =	vcmask $0x3F20;
	[sflag:s11] =	ssyncpa.u1 $0x0;
	s11 =	smov.u32 s1;
	s10 =	sadd.s32 $0x1, s9  }
.LBB2_6:
0x16: {  	[hbm:s17] =	stream.linear.scatter [tilespmem:s14], [sflag:$0x3], $0x400, $0x38;
	[tilespmem:$0x19320] =	vst v63  }
.LBB2_7:
0x17: {  	s13 =	sadd.s32 $0x190, s11  }
0x18: {  	s15 =	smov.u32 s1;
	p2 =	slt.s32 s13, s3  }
0x19: {  	s15 =	smov.u32 @p2 s13;
	p2 =	sne.s32 s12, s10  }
.Ltmp1:
0x1a: {  	p1 =	slt.u32 s12, $0x2;
	(pc) =	sbr.rel @!p2 .LBB2_8-.Ltmp1, $4  }
0x1b: {  	s14 =	simm.s32 @!p1 $0x3  }
0x1c: {  	s16 =	sadd.s32 $0x1, s12;
	_ =	swait.ge @!p1 [sflag:s14], $0xC800  }
0x1d: {  	p0 =	por !p0, !p0;
	s13 =	smov.u32 s11;
	[sflag:s14] =	ssyncset.done @!p1 $0x0  }
0x1e: {  	s12 =	smov.u32 s16;
	s11 =	smov.u32 s15;
	[sflag:s14] =	ssyncadd.s32 @!p1 $0xFFFF3800  }
.LBB2_1:
0x1f: {  	p1 =	sge.u32 s12, s9  }
0x20: {  	s14 =	sxor.u32 @!p1 $0xFFFFFFFF, s12  }
0x21: {  	s14 =	sand.u32 @!p1 $0x1, s14  }
0x22: {  	s14 =	smul.u32 @!p1 $0x640, s14  }
0x23: {  	s31 =	sadd.s32 $0xFFFFFFFF, s12;
	s15 =	sshrl.u32 @!p1 s11, $0x3  }
0x24: {  	s16 =	sand.u32 @!p1 $0x7, s11;
	s15 =	sadd.s32 @!p1 s5, s15;
	s14 =	sshrl.u32 @!p1 s14, $0x2  }
0x25: {  	[tilespmem:s14], [sflag:$0x2] =	stream.linear.gather @!p1 [hbm4b:s15+s16], $0x190, $0x38;
	[tilespmem:$0x19320] =	vst v63  }
0x26: {  	p1 =	sge.u32 s31, s9  }
.Ltmp2:
0x27: {  	_ = 	snop;
	(pc) =	sbr.rel @p1 .LBB2_7-.Ltmp2, $1  }
0x28: {  	_ =	sdelay $0x3  }
0x29: {  	s14 =	simm.s32 $0x1  }
0x2a: {  	s14 =	simm.s32 @!p0 $0x0  }
0x2b: {  	s15 =	smul.u32 $0x640, s14  }
0x2c: {  	_ =	swait.ge [sflag:s8], $0x190  }
0x2d: {  	[sflag:s8] =	ssyncset.done $0x0;
	s16 =	sshrl.u32 s15, $0x2  }
0x2e: {  	[sflag:s8] =	ssyncadd.s32 $0xFFFFFE70;
	s15 =	sadd.s32 $0x0, s16  }
0x2f: {  	v0 =	vld.msk [tilespmem:s15+$0x0 ss:$0x1], $0xffff;
	_ =	sdelay $0x4  }
0x30: {  	vm2 =	vgt.s32 v0, $0x0  }
0x31: {  	v0 =	vnsel vm2, $0x0, v0  }
0x32: {  	v0 =	vmin.u32 v0, $0x270F  }
0x33: {  	v0 =	vshll.u32 v0, $0x4  }
0x34: {  	s14 =	smul.u32 $0x32000, s14;
	_ =	sdelay $0x1  }
0x35: {  	s14 =	sshrl.u32 s14, $0x2  }
0x36: {  	s14 =	sor.u32 $0x320, s14  }
0x37: {  	[tilespmem:s14], [sflag:$0x1] =	stream.indirect_vreg.gather [hbm:s4], $0x80, v0, vm0, $0x38;
	[tilespmem:$0x19320] =	vst v63  }
0x38: {  	s17 =	sadd.s32 $0x10, s16;
	s15 =	sadd.s32 $0x400, s14  }
0x39: {  	[tilespmem:s15], [sflag:$0x1] =	stream.indirect_vreg.gather [hbm:s4], $0x80, v0, vm1, $0x38;
	[tilespmem:$0x19320] =	vst v63  }
0x3a: {  	s18 =	simm.s32 $0x80;
	v0 =	vld.msk [tilespmem:s17+$0x0 ss:$0x1], $0xffff;
	s17 =	smov.u32 s14  }
.LBB2_3:
0x3b: {  	p1 =	sne.s32 s18, $0x600;
	_ =	sdelay $0x4  }
0x3c: {  	vm2 =	vgt.s32 v0, $0x0  }
0x3d: {  	v0 =	vnsel vm2, $0x0, v0  }
0x3e: {  	v0 =	vmin.u32 v0, $0x270F  }
0x3f: {  	v0 =	vshll.u32 v0, $0x4;
	_ =	sdelay $0x3  }
.Ltmp3:
0x40: {  	s19 =	sshra.s32 s18, $0x2;
	s17 =	sadd.s32 $0x800, s17;
	(pc) =	sbr.rel @p1 .LBB2_3-.Ltmp3, $4  }
0x41: {  	[tilespmem:s17], [sflag:$0x1] =	stream.indirect_vreg.gather [hbm:s4], $0x80, v0, vm0, $0x38;
	[tilespmem:$0x19320] =	vst v63  }
0x42: {  	s19 =	sadd.s32 s19, s16;
	s20 =	sadd.s32 $0x400, s17  }
0x43: {  	[tilespmem:s20], [sflag:$0x1] =	stream.indirect_vreg.gather [hbm:s4], $0x80, v0, vm1, $0x38;
	[tilespmem:$0x19320] =	vst v63  }
0x44: {  	s18 =	sadd.s32 $0x40, s18;
	v0 =	vld.msk [tilespmem:s19+$0x0 ss:$0x1], $0xffff  }
0x45: {  	_ =	sdelay $0x3  }
0x46: {  	vm2 =	vgt.s32 v0, $0x0  }
0x47: {  	v0 =	vnsel vm2, $0x0, v0  }
0x48: {  	v0 =	vmin.u32 v0, $0x270F  }
0x49: {  	v0 =	vshll.u32 v0, $0x4;
	_ =	sdelay $0x3  }
0x4a: {  	s16 =	sadd.s32 $0x800, s17  }
0x4b: {  	[tilespmem:s16], [sflag:$0x1] =	stream.indirect_vreg.gather [hbm:s4], $0x80, v0, vm0, $0x38;
	[tilespmem:$0x19320] =	vst v63  }
0x4c: {  	s16 =	sadd.s32 $0x400, s16  }
0x4d: {  	[tilespmem:s16], [sflag:$0x1] =	stream.indirect_vreg.gather [hbm:s4], $0x80, v0, vm1, $0x38;
	[tilespmem:$0x19320] =	vst v63  }
0x4e: {  	s13 =	sshll.u32 s13, $0x4;
	_ =	swait.ge [sflag:s7], $0xC800  }
0x4f: {  	s13 =	sadd.s32 s13, s6;
	[sflag:s7] =	ssyncset.done $0x0  }
0x50: {  	s17 =	sadd.s32 $0x0, s13;
	s16 =	simm.s32 $0x80;
	[sflag:s7] =	ssyncadd.s32 $0xFFFF3800  }
.LBB2_5:
0x51: {  	[hbm:s17] =	stream.linear.scatter [tilespmem:s14], [sflag:$0x3], $0x400, $0x38;
	[tilespmem:$0x19320] =	vst v63  }
0x52: {  	s17 =	smov.u32 s16;
	s14 =	smov.u32 s15;
	p1 =	sne.s32 s16, $0x1880  }
.Ltmp4:
0x53: {  	s16 =	sadd.s32 $0x80, s16;
	(pc) =	sbr.rel @p1 .LBB2_5-.Ltmp4, $2  }
0x54: {  	_ =	sdelay $0x2  }
0x55: {  	s15 =	sadd.s32 $0x400, s15;
	s17 =	sadd.s32 s17, s13  }
.Ltmp5:
0x56: {  	_ = 	snop;
	(pc) =	sbr.rel .LBB2_6-.Ltmp5, $1  }
0x57: {  	_ =	sdelay $0x3  }
.LBB2_8:
0x58: {  	_ =	sfence.sel $0x180000  }
0x59: {  	s1 =	simm.s32 $0x2;
	[bflag:$0x0] =	sbarrier.arrive $0xFFFF  }
0x5a: {  	s30 =	simm.s32 $0x3;
	[sflag:s1] =	ssyncpa.u1 $0x1  }
0x5b: {  	s31 =	simm.s32 $0x1;
	[sflag:s30] =	ssyncpa.u1 $0x1  }
0x5c: {  	[sflag:s31] =	ssyncpa.u1 $0x1  }
0x5d: {  	p0 =	sne.s32 s0, $0x0;
	_ =	strace $0x9000004A  }
0x5e: {  	s0 =	sadd.s32 @!p0 $0x100000, s2;
	[bflag:$0x2] =	sbarrier.arrive $0xFFFF  }
0x5f: {  	[sflag:s0] =	ssyncadd.tile.s32 @!p0 $0x1;
	_ =	shalt  }
.Lfunc_end2:
_tile_overlayer_lowered:
.L_overlay_start_2:
0x60: {  	(tag) =	ssettag $0x2  }
0x61: {  	s0 =	rddreg [dreg:$0x0];
	s2 =	stileid.u32  }
0x62: {  	s1 =	rddreg [dreg:$0x1];
	p0 =	sne.s32 s2, $0x0  }
0x63: {  	s3 =	rddreg [dreg:$0x2];
	[bflag:$0x3] =	sbarrier.arrive $0xFFFF;
	s2 =	simm.s32 @!p0 $0x1C01  }
0x64: {  	[timem:s3], [sflag:s2] =	dma.local @!p0 [hbm:s0], s1  }
0x65: {  	s0 =	simm.s32 @!p0 $0x1  }
0x66: {  	_ =	swait.ge @!p0 [sflag:s0], s1  }
0x67: {  	s1 =	ssub.s32 @!p0 $0x0, s1;
	[sflag:s0] =	ssyncset.done @!p0 $0x0  }
0x68: {  	[sflag:s0] =	ssyncadd.s32 @!p0 s1  }
0x69: {  	[bflag:$0x3] =	sbarrier.arrive $0xFFFF  }
0x6a: {  	_ =	shalt  }

// kernel: gather_offload_async_start.2
scs
__scs_entry_jumppad:
0x0: {  	(pc) =	sbr.rel $0x88, $3  }
0x1: {  	(tag) =	ssettag $0x0;
	lr =	simm.s32 $0x1  }
0x2: {  	[smem:$0x3F9A] =	sst lr;
	_ =	strace $0xD0000000  }
0x3: {  	_ = 	snop  }
0x4: {  	_ = 	snop  }
0x5: {  	_ = 	snop  }
0x6: {  	_ = 	snop  }
0x7: {  	_ = 	snop  }
__scs_overlays_trampoline_lowered:
0x8: {  	[smem:$0x3FA9] =	sst s0  }
0x9: {  	[smem:$0x3FAA] =	sst s1  }
0xa: {  	[smem:$0x3FAB] =	sst s2  }
0xb: {  	[smem:$0x3FAC] =	sst s3  }
0xc: {  	[smem:$0x3FAD] =	sst s4  }
0xd: {  	[smem:$0x3FAE] =	sst s5  }
0xe: {  	[smem:$0x3FAF] =	sst s6  }
0xf: {  	[smem:$0x3FB0] =	sst s7  }
0x10: {  	[smem:$0x3FB1] =	sst s8  }
0x11: {  	[smem:$0x3FB2] =	sst s9;
	s0 =	simm.s32 @!p0 $0x0  }
0x12: {  	s1 =	sld [smem:$0x3F98];
	s0 =	simm.s32 @p0 $0x1  }
0x13: {  	[smem:$0x3FB3] =	sst s0;
	s0 =	simm.s32 @!p1 $0x0  }
0x14: {  	s2 =	sld [smem:$0x3F97];
	s0 =	simm.s32 @p1 $0x1  }
0x15: {  	[smem:$0x3FB4] =	sst s0;
	s0 =	simm.s32 @!p2 $0x0  }
0x16: {  	s3 =	sld [smem:$0x3FDB];
	s0 =	simm.s32 @p2 $0x1  }
0x17: {  	s4 =	simm.s32 $0x1BF5;
	[smem:$0x3FB6] =	sst s0  }
0x18: {  	s0 =	sld [smem:$0x3F99];
	_ =	swait.ge [sflag:s4], $0x0  }
0x19: {  	s7 =	sld [smem:$0x3F9A]  }
0x1a: {  	s8 =	sadd.s32 $0xFFFFE003, lr  }
0x1b: {  	s9 =	sadd.s32 $0xFFFFFEF7, lr;
	s5 =	simm.s32 $0xFFFFFFFF;
	p2 =	slt.u32 s8, $0xFFFFF086  }
0x1c: {  	p1 =	slt.u32 s9, $0xF7A;
	s5 =	simm.s32 @!p2 $0x0  }
0x1d: {  	s5 =	simm.s32 @p1 $0x1;
	p0 =	seq.s32 s7, s2  }
0x1e: {  	s7 =	smul.u32 @!p0 $0xF7A, s2;
	p2 =	seq.s32 @!p0 s5, $0x0  }
0x1f: {  	s9 =	smul.u32 $0xF7A, s1;
	s8 =	simm.s32 @!p0 $0x1BF5;
	p2 =	por !p2, p0  }
0x20: {  	[sflag:s8] =	ssyncset.s32 @!p0 $0xFFFFF086;
	s6 =	sadd.s32 @!p0 s3, s7;
	s7 =	simm.s32 @!p0 $0x108  }
0x21: {  	s3 =	sadd.s32 s3, s9;
	s6 =	sadd.s32 @!p0 $0x88, s6;
	s7 =	simm.s32 @p2 $0x1082  }
0x22: {  	[simem:s7], [sflag:s8] =	dma.local @!p0 [hbm:s6], $0xF7A  }
0x23: {  	s9 =	sor.u32 $0xD0000000, s2;
	s6 =	simm.s32 $0x108;
	_ =	swait.ge @!p0 [sflag:s8], $0x0  }
0x24: {  	s3 =	sadd.s32 $0x88, s3;
	s6 =	simm.s32 @!p1 $0x1082;
	[sflag:s4] =	ssyncset.s32 $0xFFFFF086  }
0x25: {  	[simem:s6], [sflag:s4] =	dma.local [hbm:s3], $0xF7A  }
0x26: {  	[smem:$0x3F9A] =	sst s1;
	(tag) =	ssettag s2;
	_ =	strace s9  }
0x27: {  	s1 =	sld [smem:$0x3FAA]  }
0x28: {  	s2 =	sld [smem:$0x3FAB]  }
0x29: {  	s4 =	sld [smem:$0x3FAD]  }
0x2a: {  	p0 =	seq.s32 s5, $0x0;
	s5 =	sld [smem:$0x3FAE]  }
0x2b: {  	s6 =	sld [smem:$0x3FAF]  }
0x2c: {  	s7 =	sld [smem:$0x3FB0]  }
0x2d: {  	s3 =	simm.s32 $0x108;
	s8 =	sld [smem:$0x3FB1]  }
0x2e: {  	s3 =	simm.s32 @!p0 $0x1082;
	s9 =	sld [smem:$0x3FB2]  }
0x2f: {  	lr =	sadd.s32 s0, s3;
	s0 =	sld [smem:$0x3FA9]  }
0x30: {  	s3 =	sld [smem:$0x3FAC]  }
0x31: {  	[smem:$0x3FB5] =	sst s10  }
0x32: {  	s10 =	sld [smem:$0x3FB3];
	_ =	sdelay $0x3  }
0x33: {  	p0 =	seq.s32 s10, $0x1;
	s10 =	sld [smem:$0x3FB5];
	_ =	sdelay $0x3  }
0x34: {  	[smem:$0x3FB5] =	sst s10  }
0x35: {  	s10 =	sld [smem:$0x3FB4];
	_ =	sdelay $0x3  }
0x36: {  	p1 =	seq.s32 s10, $0x1;
	s10 =	sld [smem:$0x3FB5];
	_ =	sdelay $0x3  }
0x37: {  	[smem:$0x3FB5] =	sst s10  }
0x38: {  	s10 =	sld [smem:$0x3FB6]  }
0x39: {  	_ = 	snop;
	(pc) =	sbr.ind lr, $3  }
0x3a: {  	_ = 	snop  }
0x3b: {  	_ = 	snop  }
0x3c: {  	p2 =	seq.s32 s10, $0x1;
	s10 =	sld [smem:$0x3FB5]  }
0x3d: {  	_ =	shalt  }
0x3e: {  	_ =	shalt  }
0x3f: {  	_ =	shalt  }
0x40: {  	_ =	shalt  }
0x41: {  	_ =	shalt  }
0x42: {  	_ =	shalt  }
0x43: {  	_ =	shalt  }
0x44: {  	_ =	shalt  }
0x45: {  	_ =	shalt  }
0x46: {  	_ =	shalt  }
0x47: {  	_ =	shalt  }
0x48: {  	_ =	shalt  }
0x49: {  	_ =	shalt  }
0x4a: {  	_ =	shalt  }
0x4b: {  	_ =	shalt  }
0x4c: {  	_ =	shalt  }
0x4d: {  	_ =	shalt  }
0x4e: {  	_ =	shalt  }
0x4f: {  	_ =	shalt  }
0x50: {  	_ =	shalt  }
0x51: {  	_ =	shalt  }
0x52: {  	_ =	shalt  }
0x53: {  	_ =	shalt  }
0x54: {  	_ =	shalt  }
0x55: {  	_ =	shalt  }
0x56: {  	_ =	shalt  }
0x57: {  	_ =	shalt  }
0x58: {  	_ =	shalt  }
0x59: {  	_ =	shalt  }
0x5a: {  	_ =	shalt  }
0x5b: {  	_ =	shalt  }
0x5c: {  	_ =	shalt  }
0x5d: {  	_ =	shalt  }
0x5e: {  	_ =	shalt  }
0x5f: {  	_ =	shalt  }
0x60: {  	_ =	shalt  }
0x61: {  	_ =	shalt  }
0x62: {  	_ =	shalt  }
0x63: {  	_ =	shalt  }
0x64: {  	_ =	shalt  }
0x65: {  	_ =	shalt  }
0x66: {  	_ =	shalt  }
0x67: {  	_ =	shalt  }
0x68: {  	_ =	shalt  }
0x69: {  	_ =	shalt  }
0x6a: {  	_ =	shalt  }
0x6b: {  	_ =	shalt  }
0x6c: {  	_ =	shalt  }
0x6d: {  	_ =	shalt  }
0x6e: {  	_ =	shalt  }
0x6f: {  	_ =	shalt  }
0x70: {  	_ =	shalt  }
0x71: {  	_ =	shalt  }
0x72: {  	_ =	shalt  }
0x73: {  	_ =	shalt  }
0x74: {  	_ =	shalt  }
0x75: {  	_ =	shalt  }
0x76: {  	_ =	shalt  }
0x77: {  	_ =	shalt  }
0x78: {  	_ =	shalt  }
0x79: {  	_ =	shalt  }
0x7a: {  	_ =	shalt  }
0x7b: {  	_ =	shalt  }
0x7c: {  	_ =	shalt  }
0x7d: {  	_ =	shalt  }
0x7e: {  	_ =	shalt  }
0x7f: {  	_ =	shalt  }
0x80: {  	_ =	shalt  }
0x81: {  	_ =	shalt  }
0x82: {  	_ =	shalt  }
0x83: {  	_ =	shalt  }
0x84: {  	_ =	shalt  }
0x85: {  	_ =	shalt  }
0x86: {  	_ =	shalt  }
0x87: {  	_ =	shalt  }
.Lfunc_end0:
.L_simem_size_0:
called_computation.2_lowered:
.L_overlay_start_0:
0x88: {  	s0 =	sld [smem:$0x3FD9]  }
0x89: {  	s1 =	sld [smem:$0x3FFE];
	_ =	sdelay $0x3  }
0x8a: {  	s0 =	sadd.s32 s1, s0  }
0x8b: {  	[smem:$0x3FC1] =	sst s0  }
0x8c: {  	_ = 	snop  }
0x8d: {  	(tm) =	ssettm $0x1  }
0x8e: {  	s15 =	sld [smem:$0x3FFB];
	_ =	sdelay $0x3  }
0x8f: {  	_ =	strace s15  }
0x90: {  	s0 =	sld [smem:$0x3FFC];
	_ =	sdelay $0x3  }
0x91: {  	_ =	strace s0  }
0x92: {  	s0 =	sld [smem:$0x3FFD];
	_ =	sdelay $0x3  }
0x93: {  	_ =	strace s0  }
0x94: {  	_ =	strace $0x8FFFFFFF  }
0x95: {  	s16 =	sld [smem:$0x3FDB];
	_ =	sdelay $0x1  }
0x96: {  	s17 =	simm.s32 $_scs_section_size  }
0x97: {  	s2 =	simm.s32 $_size__tile_overlayer_lowered;
	s3 =	simm.s32 $_tile_overlayer_lowered  }
0x98: {  	s20 =	simm.s32 $0x1BFF;
	s19 =	sshll.u32 s3, $0x1;
	s0 =	sadd.s32 s17, s16  }
0x99: {  	s4 =	simm.s32 $0x0;
	s18 =	sshll.u32 s2, $0x1;
	s2 =	sadd.s32 s19, s0  }
0x9a: {  	[timem:s4], [sflag:s20] =	dma.local [hbm:s2], s18  }
0x9b: {  	_ =	swait.ge [sflag:s20], s18  }
0x9c: {  	s1 =	ssub.s32 $0x0, s18;
	[sflag:s20] =	ssyncset.done $0x0  }
0x9d: {  	[sflag:s20] =	ssyncadd.s32 s1;
	_ =	sdelay $0x1  }
0x9e: {  	s21 =	simm.s32 $0x1B8B  }
0x9f: {  	_ =	swait.ge [sflag:s21], $0x1  }
0xa0: {  	[sflag:s21] =	ssyncset.done $0x0  }
0xa1: {  	s23 =	simm.s32 $0x1B8E;
	s22 =	sld [smem:$0x3FFE];
	[sflag:s21] =	ssyncadd.s32 $0xFFFFFFFF  }
0xa2: {  	s24 =	simm.s32 $execute0_lowered;
	[smem:$0x3FD2] =	sst s23  }
0xa3: {  	s2 =	sshll.u32 s24, $0x1;
	_ =	strace $0x8000004C;
	[dreg:$0x1] =	wrdreg $0xFFFFFFFF  }
0xa4: {  	s25 =	simm.s32 $_size_execute0_lowered;
	s0 =	sadd.s32 s0, s2;
	[dreg:$0x0] =	wrdreg $0x0  }
0xa5: {  	s2 =	sshll.u32 s25, $0x1;
	[dreg:$0x2] =	wrdreg s0  }
0xa6: {  	[dreg:$0x3] =	wrdreg s2  }
0xa7: {  	[dreg:$0x4] =	wrdreg $0xC0  }
0xa8: {  	_ =	task [dreg:s4], $0x5FFFF  }
0xa9: {  	[dreg:$0x1] =	wrdreg $0xFFFFFFFF  }
0xaa: {  	[dreg:$0x0] =	wrdreg $0x60  }
0xab: {  	[dreg:$0x2] =	wrdreg s22  }
0xac: {  	[dreg:$0x3] =	wrdreg $0x9  }
0xad: {  	_ =	task.clear_ibuf [dreg:s4], $0x4FFFF;
	_ =	strace $0x9000004C  }
0xae: {  	s26 =	simm.s32 $0x9;
	_ =	strace $0x8000004E  }
0xaf: {  	_ =	swait.ge [sflag:s26], $0x1  }
0xb0: {  	[sflag:s26] =	ssyncadd.s32 $0xFFFFFFFF  }
0xb1: {  	_ =	strace $0x9000004E  }
0xb2: {  	_ =	sfence  }
0xb3: {  	s28 =	sld [smem:$0x0];
	_ =	sdelay $0x1  }
0xb4: {  	s29 =	srdreg.scid  }
0xb5: {  	s30 =	sshll.u32 s29, $0xD;
	s31 =	sshrl.u32 s29, $0x2  }
0xb6: {  	s1 =	sand.u32 $0x1, s29;
	s2 =	sand.u32 $0x4000, s30;
	s0 =	sadd.s32 s31, s28  }
0xb7: {  	s1 =	sor.u32 s2, s1;
	s0 =	sshll.u32 s0, $0x11  }
0xb8: {  	s0 =	sor.u32 s0, s1  }
0xb9: {  	s0 =	sadd.s32 $0x8F2B, s0  }
0xba: {  	[sflag:s0] =	ssyncadd.remote.s32 $0x1  }
0xbb: {  	_ =	sfence.sel $0xFFFF  }
0xbc: {  	[dreg:$0x0] =	wrdreg $0xFFFFFFFF;
	(pc) =	sbr.abs _section_cstart, $3  }
0xbd: {  	[dreg:$0x1] =	wrdreg $0xFFFFFFFF  }
0xbe: {  	_ =	task.clear_ibuf [dreg:s4], $0x2FFFF;
	_ =	strace $0x9FFFFFFF  }
0xbf: {  	(tm) =	ssettm $0x7FFFFFFF  }
tec
execute0_lowered:
.L_overlay_start_1:
0x0: {  	(tag) =	ssettag $0x1  }
0x1: {  	s0 =	stileid.u32  }
0x2: {  	s1 =	smin.u32 s0, $0x9  }
0x3: {  	s1 =	sadd.s32 s0, s1  }
0x4: {  	s2 =	simm.s32 $0x320;
	p0 =	slt.u32 s0, $0x9;
	s1 =	smul.u32 $0x190, s1  }
0x5: {  	s2 =	simm.s32 @!p0 $0x190  }
0x6: {  	s2 =	sadd.s32 s2, s1  }
0x7: {  	s3 =	smin.u32 s2, $0x2710  }
0x8: {  	s7 =	ssub.s32 s3, s1  }
0x9: {  	p0 =	sgt.s32 s7, $0x0  }
0xa: {  	s7 =	simm.s32 @!p0 $0x0  }
0xb: {  	s31 =	sand.u32 $0xFFF0, s7  }
0xc: {  	s2 =	sshrl.u32 s31, $0x4  }
0xd: {  	s2 =	smul.u32 $0xA3E, s2  }
0xe: {  	s4 =	rddreg [dreg:$0x0];
	s6 =	simm.s32 $0x1  }
0xf: {  	s10 =	simm.s32 $0x3;
	s13 =	simm.s32 $0x0;
	s8 =	sshrl.u32 s2, $0x10  }
0x10: {  	s12 =	simm.s32 $0x0;
	s5 =	sadd.s32 $0x27200, s4;
	s9 =	smul.u32 $0x190, s8  }
.Ltmp0:
0x11: {  	s11 =	smov.u32 s1;
	s2 =	rddreg [dreg:$0x1];
	(pc) =	sbr.rel .LBB2_1-.Ltmp0, $4  }
0x12: {  	_ =	strace $0x8000004D;
	p0 =	sne.s32 s7, s9;
	s9 =	simm.s32 $0x1  }
0x13: {  	[sflag:s6] =	ssyncpa.u1 $0x0;
	s7 =	simm.s32 $0x2;
	s9 =	simm.s32 @!p0 $0x0  }
0x14: {  	[sflag:s7] =	ssyncpa.u1 $0x0;
	p0 =	por $0x0, $0x0;
	s8 =	sadd.s32 s8, s9  }
0x15: {  	vm0 =	vmmov $0xff;
	vm1 =	vcmask $0x3F20;
	s9 =	sadd.s32 $0x27800, s4;
	[sflag:s10] =	ssyncpa.u1 $0x0;
	s10 =	sadd.s32 $0x1, s8  }
.LBB2_6:
0x16: {  	[hbm:s17] =	stream.linear.scatter [tilespmem:s14], [sflag:$0x3], $0x400, $0x38;
	[tilespmem:$0x19320] =	vst v63  }
.LBB2_7:
0x17: {  	s13 =	sadd.s32 $0x190, s11  }
0x18: {  	s15 =	smov.u32 s1;
	p2 =	slt.s32 s13, s3  }
0x19: {  	s15 =	smov.u32 @p2 s13;
	p2 =	sne.s32 s12, s10  }
.Ltmp1:
0x1a: {  	p1 =	slt.u32 s12, $0x2;
	(pc) =	sbr.rel @!p2 .LBB2_8-.Ltmp1, $4  }
0x1b: {  	s14 =	simm.s32 @!p1 $0x3  }
0x1c: {  	s16 =	sadd.s32 $0x1, s12;
	_ =	swait.ge @!p1 [sflag:s14], $0xC800  }
0x1d: {  	p0 =	por !p0, !p0;
	s13 =	smov.u32 s11;
	[sflag:s14] =	ssyncset.done @!p1 $0x0  }
0x1e: {  	s12 =	smov.u32 s16;
	s11 =	smov.u32 s15;
	[sflag:s14] =	ssyncadd.s32 @!p1 $0xFFFF3800  }
.LBB2_1:
0x1f: {  	p1 =	sge.u32 s12, s8  }
0x20: {  	s14 =	sxor.u32 @!p1 $0xFFFFFFFF, s12  }
0x21: {  	s14 =	sand.u32 @!p1 $0x1, s14  }
0x22: {  	s14 =	smul.u32 @!p1 $0x640, s14  }
0x23: {  	s31 =	sadd.s32 $0xFFFFFFFF, s12;
	s15 =	sshrl.u32 @!p1 s11, $0x3  }
0x24: {  	s16 =	sand.u32 @!p1 $0x7, s11;
	s15 =	sadd.s32 @!p1 s5, s15;
	s14 =	sshrl.u32 @!p1 s14, $0x2  }
0x25: {  	[tilespmem:s14], [sflag:$0x2] =	stream.linear.gather @!p1 [hbm4b:s15+s16], $0x190, $0x38;
	[tilespmem:$0x19320] =	vst v63  }
0x26: {  	p1 =	sge.u32 s31, s8  }
.Ltmp2:
0x27: {  	_ = 	snop;
	(pc) =	sbr.rel @p1 .LBB2_7-.Ltmp2, $1  }
0x28: {  	_ =	sdelay $0x3  }
0x29: {  	s14 =	simm.s32 $0x1  }
0x2a: {  	s14 =	simm.s32 @!p0 $0x0  }
0x2b: {  	s15 =	smul.u32 $0x640, s14  }
0x2c: {  	_ =	swait.ge [sflag:s7], $0x190  }
0x2d: {  	[sflag:s7] =	ssyncset.done $0x0;
	s16 =	sshrl.u32 s15, $0x2  }
0x2e: {  	[sflag:s7] =	ssyncadd.s32 $0xFFFFFE70;
	s15 =	sadd.s32 $0x0, s16  }
0x2f: {  	v0 =	vld.msk [tilespmem:s15+$0x0 ss:$0x1], $0xffff;
	_ =	sdelay $0x4  }
0x30: {  	vm2 =	vgt.s32 v0, $0x0  }
0x31: {  	v0 =	vnsel vm2, $0x0, v0  }
0x32: {  	v0 =	vmin.u32 v0, $0x270F  }
0x33: {  	v0 =	vshll.u32 v0, $0x4  }
0x34: {  	s14 =	smul.u32 $0x32000, s14;
	_ =	sdelay $0x1  }
0x35: {  	s14 =	sshrl.u32 s14, $0x2  }
0x36: {  	s14 =	sor.u32 $0x320, s14  }
0x37: {  	[tilespmem:s14], [sflag:$0x1] =	stream.indirect_vreg.gather [hbm:s4], $0x80, v0, vm0, $0x38;
	[tilespmem:$0x19320] =	vst v63  }
0x38: {  	s17 =	sadd.s32 $0x10, s16;
	s15 =	sadd.s32 $0x400, s14  }
0x39: {  	[tilespmem:s15], [sflag:$0x1] =	stream.indirect_vreg.gather [hbm:s4], $0x80, v0, vm1, $0x38;
	[tilespmem:$0x19320] =	vst v63  }
0x3a: {  	s18 =	simm.s32 $0x80;
	v0 =	vld.msk [tilespmem:s17+$0x0 ss:$0x1], $0xffff;
	s17 =	smov.u32 s14  }
.LBB2_3:
0x3b: {  	p1 =	sne.s32 s18, $0x600;
	_ =	sdelay $0x4  }
0x3c: {  	vm2 =	vgt.s32 v0, $0x0  }
0x3d: {  	v0 =	vnsel vm2, $0x0, v0  }
0x3e: {  	v0 =	vmin.u32 v0, $0x270F  }
0x3f: {  	v0 =	vshll.u32 v0, $0x4;
	_ =	sdelay $0x3  }
.Ltmp3:
0x40: {  	s19 =	sshra.s32 s18, $0x2;
	s17 =	sadd.s32 $0x800, s17;
	(pc) =	sbr.rel @p1 .LBB2_3-.Ltmp3, $4  }
0x41: {  	[tilespmem:s17], [sflag:$0x1] =	stream.indirect_vreg.gather [hbm:s4], $0x80, v0, vm0, $0x38;
	[tilespmem:$0x19320] =	vst v63  }
0x42: {  	s19 =	sadd.s32 s19, s16;
	s20 =	sadd.s32 $0x400, s17  }
0x43: {  	[tilespmem:s20], [sflag:$0x1] =	stream.indirect_vreg.gather [hbm:s4], $0x80, v0, vm1, $0x38;
	[tilespmem:$0x19320] =	vst v63  }
0x44: {  	s18 =	sadd.s32 $0x40, s18;
	v0 =	vld.msk [tilespmem:s19+$0x0 ss:$0x1], $0xffff  }
0x45: {  	_ =	sdelay $0x3  }
0x46: {  	vm2 =	vgt.s32 v0, $0x0  }
0x47: {  	v0 =	vnsel vm2, $0x0, v0  }
0x48: {  	v0 =	vmin.u32 v0, $0x270F  }
0x49: {  	v0 =	vshll.u32 v0, $0x4;
	_ =	sdelay $0x3  }
0x4a: {  	s16 =	sadd.s32 $0x800, s17  }
0x4b: {  	[tilespmem:s16], [sflag:$0x1] =	stream.indirect_vreg.gather [hbm:s4], $0x80, v0, vm0, $0x38;
	[tilespmem:$0x19320] =	vst v63  }
0x4c: {  	s16 =	sadd.s32 $0x400, s16  }
0x4d: {  	[tilespmem:s16], [sflag:$0x1] =	stream.indirect_vreg.gather [hbm:s4], $0x80, v0, vm1, $0x38;
	[tilespmem:$0x19320] =	vst v63  }
0x4e: {  	s13 =	sshll.u32 s13, $0x4;
	_ =	swait.ge [sflag:s6], $0xC800  }
0x4f: {  	s13 =	sadd.s32 s13, s9;
	[sflag:s6] =	ssyncset.done $0x0  }
0x50: {  	s17 =	sadd.s32 $0x0, s13;
	s16 =	simm.s32 $0x80;
	[sflag:s6] =	ssyncadd.s32 $0xFFFF3800  }
.LBB2_5:
0x51: {  	[hbm:s17] =	stream.linear.scatter [tilespmem:s14], [sflag:$0x3], $0x400, $0x38;
	[tilespmem:$0x19320] =	vst v63  }
0x52: {  	s17 =	smov.u32 s16;
	s14 =	smov.u32 s15;
	p1 =	sne.s32 s16, $0x1880  }
.Ltmp4:
0x53: {  	s16 =	sadd.s32 $0x80, s16;
	(pc) =	sbr.rel @p1 .LBB2_5-.Ltmp4, $2  }
0x54: {  	_ =	sdelay $0x2  }
0x55: {  	s15 =	sadd.s32 $0x400, s15;
	s17 =	sadd.s32 s17, s13  }
.Ltmp5:
0x56: {  	_ = 	snop;
	(pc) =	sbr.rel .LBB2_6-.Ltmp5, $1  }
0x57: {  	_ =	sdelay $0x3  }
.LBB2_8:
0x58: {  	_ =	sfence.sel $0x180000  }
0x59: {  	s1 =	simm.s32 $0x2;
	[bflag:$0x0] =	sbarrier.arrive $0xFFFF  }
0x5a: {  	s30 =	simm.s32 $0x3;
	[sflag:s1] =	ssyncpa.u1 $0x1  }
0x5b: {  	s31 =	simm.s32 $0x1;
	[sflag:s30] =	ssyncpa.u1 $0x1  }
0x5c: {  	[sflag:s31] =	ssyncpa.u1 $0x1  }
0x5d: {  	p0 =	sne.s32 s0, $0x0;
	_ =	strace $0x9000004D  }
0x5e: {  	s0 =	sadd.s32 @!p0 $0x100000, s2;
	[bflag:$0x2] =	sbarrier.arrive $0xFFFF  }
0x5f: {  	[sflag:s0] =	ssyncadd.tile.s32 @!p0 $0x1;
	_ =	shalt  }
.Lfunc_end2:
_tile_overlayer_lowered:
.L_overlay_start_2:
0x60: {  	(tag) =	ssettag $0x2  }
0x61: {  	s0 =	rddreg [dreg:$0x0];
	s2 =	stileid.u32  }
0x62: {  	s1 =	rddreg [dreg:$0x1];
	p0 =	sne.s32 s2, $0x0  }
0x63: {  	s3 =	rddreg [dreg:$0x2];
	[bflag:$0x3] =	sbarrier.arrive $0xFFFF;
	s2 =	simm.s32 @!p0 $0x1C01  }
0x64: {  	[timem:s3], [sflag:s2] =	dma.local @!p0 [hbm:s0], s1  }
0x65: {  	s0 =	simm.s32 @!p0 $0x1  }
0x66: {  	_ =	swait.ge @!p0 [sflag:s0], s1  }
0x67: {  	s1 =	ssub.s32 @!p0 $0x0, s1;
	[sflag:s0] =	ssyncset.done @!p0 $0x0  }
0x68: {  	[sflag:s0] =	ssyncadd.s32 @!p0 s1  }
0x69: {  	[bflag:$0x3] =	sbarrier.arrive $0xFFFF  }
0x6a: {  	_ =	shalt  }

// kernel: gather_offload_async_start
scs
__scs_entry_jumppad:
0x0: {  	(pc) =	sbr.rel $0x88, $3  }
0x1: {  	(tag) =	ssettag $0x0;
	lr =	simm.s32 $0x1  }
0x2: {  	[smem:$0x3F9A] =	sst lr;
	_ =	strace $0xD0000000  }
0x3: {  	_ = 	snop  }
0x4: {  	_ = 	snop  }
0x5: {  	_ = 	snop  }
0x6: {  	_ = 	snop  }
0x7: {  	_ = 	snop  }
__scs_overlays_trampoline_lowered:
0x8: {  	[smem:$0x3FA9] =	sst s0  }
0x9: {  	[smem:$0x3FAA] =	sst s1  }
0xa: {  	[smem:$0x3FAB] =	sst s2  }
0xb: {  	[smem:$0x3FAC] =	sst s3  }
0xc: {  	[smem:$0x3FAD] =	sst s4  }
0xd: {  	[smem:$0x3FAE] =	sst s5  }
0xe: {  	[smem:$0x3FAF] =	sst s6  }
0xf: {  	[smem:$0x3FB0] =	sst s7  }
0x10: {  	[smem:$0x3FB1] =	sst s8  }
0x11: {  	[smem:$0x3FB2] =	sst s9;
	s0 =	simm.s32 @!p0 $0x0  }
0x12: {  	s1 =	sld [smem:$0x3F98];
	s0 =	simm.s32 @p0 $0x1  }
0x13: {  	[smem:$0x3FB3] =	sst s0;
	s0 =	simm.s32 @!p1 $0x0  }
0x14: {  	s2 =	sld [smem:$0x3F97];
	s0 =	simm.s32 @p1 $0x1  }
0x15: {  	[smem:$0x3FB4] =	sst s0;
	s0 =	simm.s32 @!p2 $0x0  }
0x16: {  	s3 =	sld [smem:$0x3FDB];
	s0 =	simm.s32 @p2 $0x1  }
0x17: {  	s4 =	simm.s32 $0x1BF5;
	[smem:$0x3FB6] =	sst s0  }
0x18: {  	s0 =	sld [smem:$0x3F99];
	_ =	swait.ge [sflag:s4], $0x0  }
0x19: {  	s7 =	sld [smem:$0x3F9A]  }
0x1a: {  	s8 =	sadd.s32 $0xFFFFE003, lr  }
0x1b: {  	s9 =	sadd.s32 $0xFFFFFEF7, lr;
	s5 =	simm.s32 $0xFFFFFFFF;
	p2 =	slt.u32 s8, $0xFFFFF086  }
0x1c: {  	p1 =	slt.u32 s9, $0xF7A;
	s5 =	simm.s32 @!p2 $0x0  }
0x1d: {  	s5 =	simm.s32 @p1 $0x1;
	p0 =	seq.s32 s7, s2  }
0x1e: {  	s7 =	smul.u32 @!p0 $0xF7A, s2;
	p2 =	seq.s32 @!p0 s5, $0x0  }
0x1f: {  	s9 =	smul.u32 $0xF7A, s1;
	s8 =	simm.s32 @!p0 $0x1BF5;
	p2 =	por !p2, p0  }
0x20: {  	[sflag:s8] =	ssyncset.s32 @!p0 $0xFFFFF086;
	s6 =	sadd.s32 @!p0 s3, s7;
	s7 =	simm.s32 @!p0 $0x108  }
0x21: {  	s3 =	sadd.s32 s3, s9;
	s6 =	sadd.s32 @!p0 $0x88, s6;
	s7 =	simm.s32 @p2 $0x1082  }
0x22: {  	[simem:s7], [sflag:s8] =	dma.local @!p0 [hbm:s6], $0xF7A  }
0x23: {  	s9 =	sor.u32 $0xD0000000, s2;
	s6 =	simm.s32 $0x108;
	_ =	swait.ge @!p0 [sflag:s8], $0x0  }
0x24: {  	s3 =	sadd.s32 $0x88, s3;
	s6 =	simm.s32 @!p1 $0x1082;
	[sflag:s4] =	ssyncset.s32 $0xFFFFF086  }
0x25: {  	[simem:s6], [sflag:s4] =	dma.local [hbm:s3], $0xF7A  }
0x26: {  	[smem:$0x3F9A] =	sst s1;
	(tag) =	ssettag s2;
	_ =	strace s9  }
0x27: {  	s1 =	sld [smem:$0x3FAA]  }
0x28: {  	s2 =	sld [smem:$0x3FAB]  }
0x29: {  	s4 =	sld [smem:$0x3FAD]  }
0x2a: {  	p0 =	seq.s32 s5, $0x0;
	s5 =	sld [smem:$0x3FAE]  }
0x2b: {  	s6 =	sld [smem:$0x3FAF]  }
0x2c: {  	s7 =	sld [smem:$0x3FB0]  }
0x2d: {  	s3 =	simm.s32 $0x108;
	s8 =	sld [smem:$0x3FB1]  }
0x2e: {  	s3 =	simm.s32 @!p0 $0x1082;
	s9 =	sld [smem:$0x3FB2]  }
0x2f: {  	lr =	sadd.s32 s0, s3;
	s0 =	sld [smem:$0x3FA9]  }
0x30: {  	s3 =	sld [smem:$0x3FAC]  }
0x31: {  	[smem:$0x3FB5] =	sst s10  }
0x32: {  	s10 =	sld [smem:$0x3FB3];
	_ =	sdelay $0x3  }
0x33: {  	p0 =	seq.s32 s10, $0x1;
	s10 =	sld [smem:$0x3FB5];
	_ =	sdelay $0x3  }
0x34: {  	[smem:$0x3FB5] =	sst s10  }
0x35: {  	s10 =	sld [smem:$0x3FB4];
	_ =	sdelay $0x3  }
0x36: {  	p1 =	seq.s32 s10, $0x1;
	s10 =	sld [smem:$0x3FB5];
	_ =	sdelay $0x3  }
0x37: {  	[smem:$0x3FB5] =	sst s10  }
0x38: {  	s10 =	sld [smem:$0x3FB6]  }
0x39: {  	_ = 	snop;
	(pc) =	sbr.ind lr, $3  }
0x3a: {  	_ = 	snop  }
0x3b: {  	_ = 	snop  }
0x3c: {  	p2 =	seq.s32 s10, $0x1;
	s10 =	sld [smem:$0x3FB5]  }
0x3d: {  	_ =	shalt  }
0x3e: {  	_ =	shalt  }
0x3f: {  	_ =	shalt  }
0x40: {  	_ =	shalt  }
0x41: {  	_ =	shalt  }
0x42: {  	_ =	shalt  }
0x43: {  	_ =	shalt  }
0x44: {  	_ =	shalt  }
0x45: {  	_ =	shalt  }
0x46: {  	_ =	shalt  }
0x47: {  	_ =	shalt  }
0x48: {  	_ =	shalt  }
0x49: {  	_ =	shalt  }
0x4a: {  	_ =	shalt  }
0x4b: {  	_ =	shalt  }
0x4c: {  	_ =	shalt  }
0x4d: {  	_ =	shalt  }
0x4e: {  	_ =	shalt  }
0x4f: {  	_ =	shalt  }
0x50: {  	_ =	shalt  }
0x51: {  	_ =	shalt  }
0x52: {  	_ =	shalt  }
0x53: {  	_ =	shalt  }
0x54: {  	_ =	shalt  }
0x55: {  	_ =	shalt  }
0x56: {  	_ =	shalt  }
0x57: {  	_ =	shalt  }
0x58: {  	_ =	shalt  }
0x59: {  	_ =	shalt  }
0x5a: {  	_ =	shalt  }
0x5b: {  	_ =	shalt  }
0x5c: {  	_ =	shalt  }
0x5d: {  	_ =	shalt  }
0x5e: {  	_ =	shalt  }
0x5f: {  	_ =	shalt  }
0x60: {  	_ =	shalt  }
0x61: {  	_ =	shalt  }
0x62: {  	_ =	shalt  }
0x63: {  	_ =	shalt  }
0x64: {  	_ =	shalt  }
0x65: {  	_ =	shalt  }
0x66: {  	_ =	shalt  }
0x67: {  	_ =	shalt  }
0x68: {  	_ =	shalt  }
0x69: {  	_ =	shalt  }
0x6a: {  	_ =	shalt  }
0x6b: {  	_ =	shalt  }
0x6c: {  	_ =	shalt  }
0x6d: {  	_ =	shalt  }
0x6e: {  	_ =	shalt  }
0x6f: {  	_ =	shalt  }
0x70: {  	_ =	shalt  }
0x71: {  	_ =	shalt  }
0x72: {  	_ =	shalt  }
0x73: {  	_ =	shalt  }
0x74: {  	_ =	shalt  }
0x75: {  	_ =	shalt  }
0x76: {  	_ =	shalt  }
0x77: {  	_ =	shalt  }
0x78: {  	_ =	shalt  }
0x79: {  	_ =	shalt  }
0x7a: {  	_ =	shalt  }
0x7b: {  	_ =	shalt  }
0x7c: {  	_ =	shalt  }
0x7d: {  	_ =	shalt  }
0x7e: {  	_ =	shalt  }
0x7f: {  	_ =	shalt  }
0x80: {  	_ =	shalt  }
0x81: {  	_ =	shalt  }
0x82: {  	_ =	shalt  }
0x83: {  	_ =	shalt  }
0x84: {  	_ =	shalt  }
0x85: {  	_ =	shalt  }
0x86: {  	_ =	shalt  }
0x87: {  	_ =	shalt  }
.Lfunc_end0:
.L_simem_size_0:
called_computation_lowered:
.L_overlay_start_0:
0x88: {  	s0 =	sld [smem:$0x3FD9]  }
0x89: {  	s1 =	sld [smem:$0x3FFE];
	_ =	sdelay $0x3  }
0x8a: {  	s0 =	sadd.s32 s1, s0  }
0x8b: {  	[smem:$0x3FC1] =	sst s0  }
0x8c: {  	_ = 	snop  }
0x8d: {  	s0 =	sld [smem:$0x3FD0];
	(tm) =	ssettm $0x1  }
0x8e: {  	s16 =	sld [smem:$0x3FFB];
	_ =	sdelay $0x3  }
0x8f: {  	_ =	strace s16  }
0x90: {  	s1 =	sld [smem:$0x3FFC];
	_ =	sdelay $0x3  }
0x91: {  	_ =	strace s1  }
0x92: {  	s1 =	sld [smem:$0x3FFD];
	_ =	sdelay $0x3  }
0x93: {  	_ =	strace s1  }
0x94: {  	_ =	strace $0x8FFFFFFF  }
0x95: {  	s17 =	sld [smem:$0x3FDB];
	_ =	sdelay $0x1  }
0x96: {  	s2 =	simm.s32 $_scs_section_size  }
0x97: {  	s3 =	simm.s32 $_size__tile_overlayer_lowered;
	s4 =	simm.s32 $_tile_overlayer_lowered  }
0x98: {  	s20 =	simm.s32 $0x1BFF;
	s19 =	sshll.u32 s4, $0x1;
	s1 =	sadd.s32 s2, s17  }
0x99: {  	s5 =	simm.s32 $0x0;
	s18 =	sshll.u32 s3, $0x1;
	s3 =	sadd.s32 s19, s1  }
0x9a: {  	[timem:s5], [sflag:s20] =	dma.local [hbm:s3], s18  }
0x9b: {  	_ =	swait.ge [sflag:s20], s18  }
0x9c: {  	s2 =	ssub.s32 $0x0, s18;
	[sflag:s20] =	ssyncset.done $0x0  }
0x9d: {  	[sflag:s20] =	ssyncadd.s32 s2;
	_ =	sdelay $0x1  }
0x9e: {  	s21 =	simm.s32 $0x1B8B  }
0x9f: {  	_ =	swait.ge [sflag:s21], $0x1  }
0xa0: {  	[sflag:s21] =	ssyncset.done $0x0  }
0xa1: {  	s23 =	simm.s32 $0x1B8E;
	s22 =	sld [smem:$0x3FFE];
	[sflag:s21] =	ssyncadd.s32 $0xFFFFFFFF  }
0xa2: {  	s24 =	simm.s32 $execute0_lowered;
	[smem:$0x3FD2] =	sst s23  }
0xa3: {  	s3 =	sshll.u32 s24, $0x1;
	_ =	strace $0x80000046;
	[dreg:$0x1] =	wrdreg $0xFFFFFFFF  }
0xa4: {  	s25 =	simm.s32 $_size_execute0_lowered;
	s1 =	sadd.s32 s1, s3;
	[dreg:$0x0] =	wrdreg $0x0  }
0xa5: {  	s3 =	sshll.u32 s25, $0x1;
	[dreg:$0x2] =	wrdreg s1  }
0xa6: {  	[dreg:$0x3] =	wrdreg s3  }
0xa7: {  	[dreg:$0x4] =	wrdreg $0xC0  }
0xa8: {  	_ =	task [dreg:s5], $0x5FFFF  }
0xa9: {  	[dreg:$0x1] =	wrdreg $0xFFFFFFFF  }
0xaa: {  	[dreg:$0x0] =	wrdreg $0x60  }
0xab: {  	[dreg:$0x2] =	wrdreg s22  }
0xac: {  	[dreg:$0x3] =	wrdreg s0  }
0xad: {  	[dreg:$0x4] =	wrdreg $0x9  }
0xae: {  	_ =	task.clear_ibuf [dreg:s5], $0x5FFFF;
	_ =	strace $0x90000046  }
0xaf: {  	s26 =	simm.s32 $0x9;
	_ =	strace $0x80000048  }
0xb0: {  	_ =	swait.ge [sflag:s26], $0x1  }
0xb1: {  	[sflag:s26] =	ssyncadd.s32 $0xFFFFFFFF  }
0xb2: {  	_ =	strace $0x90000048  }
0xb3: {  	_ =	sfence  }
0xb4: {  	s28 =	sld [smem:$0x0];
	_ =	sdelay $0x1  }
0xb5: {  	s29 =	srdreg.scid  }
0xb6: {  	s30 =	sshll.u32 s29, $0xD;
	s31 =	sshrl.u32 s29, $0x2  }
0xb7: {  	s2 =	sand.u32 $0x4000, s30;
	s1 =	sand.u32 $0x1, s29;
	s0 =	sadd.s32 s31, s28  }
0xb8: {  	s1 =	sor.u32 s2, s1;
	s0 =	sshll.u32 s0, $0x11  }
0xb9: {  	s0 =	sor.u32 s0, s1  }
0xba: {  	s0 =	sadd.s32 $0x8F2B, s0  }
0xbb: {  	[sflag:s0] =	ssyncadd.remote.s32 $0x1  }
0xbc: {  	_ =	sfence.sel $0xFFFF  }
0xbd: {  	[dreg:$0x0] =	wrdreg $0xFFFFFFFF;
	(pc) =	sbr.abs _section_cstart, $3  }
0xbe: {  	[dreg:$0x1] =	wrdreg $0xFFFFFFFF  }
0xbf: {  	_ =	task.clear_ibuf [dreg:s5], $0x2FFFF;
	_ =	strace $0x9FFFFFFF  }
0xc0: {  	(tm) =	ssettm $0x7FFFFFFF  }
0xc1: {  	_ =	shalt  }
tec
execute0_lowered:
.L_overlay_start_1:
0x0: {  	(tag) =	ssettag $0x1  }
0x1: {  	s0 =	stileid.u32  }
0x2: {  	s1 =	smin.u32 s0, $0x9  }
0x3: {  	s1 =	sadd.s32 s0, s1  }
0x4: {  	s2 =	simm.s32 $0x320;
	p0 =	slt.u32 s0, $0x9;
	s1 =	smul.u32 $0x190, s1  }
0x5: {  	s2 =	simm.s32 @!p0 $0x190  }
0x6: {  	s2 =	sadd.s32 s2, s1  }
0x7: {  	s3 =	smin.u32 s2, $0x2710  }
0x8: {  	s7 =	ssub.s32 s3, s1  }
0x9: {  	p0 =	sgt.s32 s7, $0x0  }
0xa: {  	s7 =	simm.s32 @!p0 $0x0  }
0xb: {  	s31 =	sand.u32 $0xFFF0, s7  }
0xc: {  	s2 =	sshrl.u32 s31, $0x4  }
0xd: {  	s4 =	rddreg [dreg:$0x0];
	s2 =	smul.u32 $0xA3E, s2  }
0xe: {  	s5 =	rddreg [dreg:$0x1]  }
0xf: {  	s6 =	simm.s32 $0x1;
	s10 =	simm.s32 $0x3;
	s8 =	sshrl.u32 s2, $0x10  }
0x10: {  	s13 =	simm.s32 $0x0;
	s12 =	simm.s32 $0x0;
	s9 =	smul.u32 $0x190, s8  }
.Ltmp0:
0x11: {  	s11 =	smov.u32 s1;
	s2 =	rddreg [dreg:$0x2];
	(pc) =	sbr.rel .LBB2_1-.Ltmp0, $4  }
0x12: {  	_ =	strace $0x80000047;
	p0 =	sne.s32 s7, s9;
	s9 =	simm.s32 $0x1  }
0x13: {  	[sflag:s6] =	ssyncpa.u1 $0x0;
	s7 =	simm.s32 $0x2;
	s9 =	simm.s32 @!p0 $0x0  }
0x14: {  	[sflag:s7] =	ssyncpa.u1 $0x0;
	p0 =	por $0x0, $0x0;
	s8 =	sadd.s32 s8, s9  }
0x15: {  	vm0 =	vmmov $0xff;
	vm1 =	vcmask $0x3F20;
	s9 =	sadd.s32 $0x27800, s4;
	[sflag:s10] =	ssyncpa.u1 $0x0;
	s10 =	sadd.s32 $0x1, s8  }
.LBB2_6:
0x16: {  	[hbm:s17] =	stream.linear.scatter [tilespmem:s14], [sflag:$0x3], $0x400, $0x38;
	[tilespmem:$0x19320] =	vst v63  }
.LBB2_7:
0x17: {  	s13 =	sadd.s32 $0x190, s11  }
0x18: {  	s15 =	smov.u32 s1;
	p2 =	slt.s32 s13, s3  }
0x19: {  	s15 =	smov.u32 @p2 s13;
	p2 =	sne.s32 s12, s10  }
.Ltmp1:
0x1a: {  	p1 =	slt.u32 s12, $0x2;
	(pc) =	sbr.rel @!p2 .LBB2_8-.Ltmp1, $4  }
0x1b: {  	s14 =	simm.s32 @!p1 $0x3  }
0x1c: {  	s16 =	sadd.s32 $0x1, s12;
	_ =	swait.ge @!p1 [sflag:s14], $0xC800  }
0x1d: {  	p0 =	por !p0, !p0;
	s13 =	smov.u32 s11;
	[sflag:s14] =	ssyncset.done @!p1 $0x0  }
0x1e: {  	s12 =	smov.u32 s16;
	s11 =	smov.u32 s15;
	[sflag:s14] =	ssyncadd.s32 @!p1 $0xFFFF3800  }
.LBB2_1:
0x1f: {  	p1 =	sge.u32 s12, s8  }
0x20: {  	s14 =	sxor.u32 @!p1 $0xFFFFFFFF, s12  }
0x21: {  	s14 =	sand.u32 @!p1 $0x1, s14  }
0x22: {  	s14 =	smul.u32 @!p1 $0x640, s14  }
0x23: {  	s31 =	sadd.s32 $0xFFFFFFFF, s12;
	s15 =	sshrl.u32 @!p1 s11, $0x3  }
0x24: {  	s16 =	sand.u32 @!p1 $0x7, s11;
	s15 =	sadd.s32 @!p1 s5, s15;
	s14 =	sshrl.u32 @!p1 s14, $0x2  }
0x25: {  	[tilespmem:s14], [sflag:$0x2] =	stream.linear.gather @!p1 [hbm4b:s15+s16], $0x190, $0x38;
	[tilespmem:$0x19320] =	vst v63  }
0x26: {  	p1 =	sge.u32 s31, s8  }
.Ltmp2:
0x27: {  	_ = 	snop;
	(pc) =	sbr.rel @p1 .LBB2_7-.Ltmp2, $1  }
0x28: {  	_ =	sdelay $0x3  }
0x29: {  	s14 =	simm.s32 $0x1  }
0x2a: {  	s14 =	simm.s32 @!p0 $0x0  }
0x2b: {  	s15 =	smul.u32 $0x640, s14  }
0x2c: {  	_ =	swait.ge [sflag:s7], $0x190  }
0x2d: {  	[sflag:s7] =	ssyncset.done $0x0;
	s16 =	sshrl.u32 s15, $0x2  }
0x2e: {  	[sflag:s7] =	ssyncadd.s32 $0xFFFFFE70;
	s15 =	sadd.s32 $0x0, s16  }
0x2f: {  	v0 =	vld.msk [tilespmem:s15+$0x0 ss:$0x1], $0xffff;
	_ =	sdelay $0x4  }
0x30: {  	vm2 =	vgt.s32 v0, $0x0  }
0x31: {  	v0 =	vnsel vm2, $0x0, v0  }
0x32: {  	v0 =	vmin.u32 v0, $0x270F  }
0x33: {  	v0 =	vshll.u32 v0, $0x4  }
0x34: {  	s14 =	smul.u32 $0x32000, s14;
	_ =	sdelay $0x1  }
0x35: {  	s14 =	sshrl.u32 s14, $0x2  }
0x36: {  	s14 =	sor.u32 $0x320, s14  }
0x37: {  	[tilespmem:s14], [sflag:$0x1] =	stream.indirect_vreg.gather [hbm:s4], $0x80, v0, vm0, $0x38;
	[tilespmem:$0x19320] =	vst v63  }
0x38: {  	s17 =	sadd.s32 $0x10, s16;
	s15 =	sadd.s32 $0x400, s14  }
0x39: {  	[tilespmem:s15], [sflag:$0x1] =	stream.indirect_vreg.gather [hbm:s4], $0x80, v0, vm1, $0x38;
	[tilespmem:$0x19320] =	vst v63  }
0x3a: {  	s18 =	simm.s32 $0x80;
	v0 =	vld.msk [tilespmem:s17+$0x0 ss:$0x1], $0xffff;
	s17 =	smov.u32 s14  }
.LBB2_3:
0x3b: {  	p1 =	sne.s32 s18, $0x600;
	_ =	sdelay $0x4  }
0x3c: {  	vm2 =	vgt.s32 v0, $0x0  }
0x3d: {  	v0 =	vnsel vm2, $0x0, v0  }
0x3e: {  	v0 =	vmin.u32 v0, $0x270F  }
0x3f: {  	v0 =	vshll.u32 v0, $0x4;
	_ =	sdelay $0x3  }
.Ltmp3:
0x40: {  	s19 =	sshra.s32 s18, $0x2;
	s17 =	sadd.s32 $0x800, s17;
	(pc) =	sbr.rel @p1 .LBB2_3-.Ltmp3, $4  }
0x41: {  	[tilespmem:s17], [sflag:$0x1] =	stream.indirect_vreg.gather [hbm:s4], $0x80, v0, vm0, $0x38;
	[tilespmem:$0x19320] =	vst v63  }
0x42: {  	s19 =	sadd.s32 s19, s16;
	s20 =	sadd.s32 $0x400, s17  }
0x43: {  	[tilespmem:s20], [sflag:$0x1] =	stream.indirect_vreg.gather [hbm:s4], $0x80, v0, vm1, $0x38;
	[tilespmem:$0x19320] =	vst v63  }
0x44: {  	s18 =	sadd.s32 $0x40, s18;
	v0 =	vld.msk [tilespmem:s19+$0x0 ss:$0x1], $0xffff  }
0x45: {  	_ =	sdelay $0x3  }
0x46: {  	vm2 =	vgt.s32 v0, $0x0  }
0x47: {  	v0 =	vnsel vm2, $0x0, v0  }
0x48: {  	v0 =	vmin.u32 v0, $0x270F  }
0x49: {  	v0 =	vshll.u32 v0, $0x4;
	_ =	sdelay $0x3  }
0x4a: {  	s16 =	sadd.s32 $0x800, s17  }
0x4b: {  	[tilespmem:s16], [sflag:$0x1] =	stream.indirect_vreg.gather [hbm:s4], $0x80, v0, vm0, $0x38;
	[tilespmem:$0x19320] =	vst v63  }
0x4c: {  	s16 =	sadd.s32 $0x400, s16  }
0x4d: {  	[tilespmem:s16], [sflag:$0x1] =	stream.indirect_vreg.gather [hbm:s4], $0x80, v0, vm1, $0x38;
	[tilespmem:$0x19320] =	vst v63  }
0x4e: {  	s13 =	sshll.u32 s13, $0x4;
	_ =	swait.ge [sflag:s6], $0xC800  }
0x4f: {  	s13 =	sadd.s32 s13, s9;
	[sflag:s6] =	ssyncset.done $0x0  }
0x50: {  	s17 =	sadd.s32 $0x0, s13;
	s16 =	simm.s32 $0x80;
	[sflag:s6] =	ssyncadd.s32 $0xFFFF3800  }
.LBB2_5:
0x51: {  	[hbm:s17] =	stream.linear.scatter [tilespmem:s14], [sflag:$0x3], $0x400, $0x38;
	[tilespmem:$0x19320] =	vst v63  }
0x52: {  	s17 =	smov.u32 s16;
	s14 =	smov.u32 s15;
	p1 =	sne.s32 s16, $0x1880  }
.Ltmp4:
0x53: {  	s16 =	sadd.s32 $0x80, s16;
	(pc) =	sbr.rel @p1 .LBB2_5-.Ltmp4, $2  }
0x54: {  	_ =	sdelay $0x2  }
0x55: {  	s15 =	sadd.s32 $0x400, s15;
	s17 =	sadd.s32 s17, s13  }
.Ltmp5:
0x56: {  	_ = 	snop;
	(pc) =	sbr.rel .LBB2_6-.Ltmp5, $1  }
0x57: {  	_ =	sdelay $0x3  }
.LBB2_8:
0x58: {  	_ =	sfence.sel $0x180000  }
0x59: {  	s1 =	simm.s32 $0x2;
	[bflag:$0x0] =	sbarrier.arrive $0xFFFF  }
0x5a: {  	s30 =	simm.s32 $0x3;
	[sflag:s1] =	ssyncpa.u1 $0x1  }
0x5b: {  	s31 =	simm.s32 $0x1;
	[sflag:s30] =	ssyncpa.u1 $0x1  }
0x5c: {  	[sflag:s31] =	ssyncpa.u1 $0x1  }
0x5d: {  	p0 =	sne.s32 s0, $0x0;
	_ =	strace $0x90000047  }
0x5e: {  	s0 =	sadd.s32 @!p0 $0x100000, s2;
	[bflag:$0x2] =	sbarrier.arrive $0xFFFF  }
0x5f: {  	[sflag:s0] =	ssyncadd.tile.s32 @!p0 $0x1;
	_ =	shalt  }
.Lfunc_end2:
_tile_overlayer_lowered:
.L_overlay_start_2:
0x60: {  	(tag) =	ssettag $0x2  }
0x61: {  	s0 =	rddreg [dreg:$0x0];
	s2 =	stileid.u32  }
0x62: {  	s1 =	rddreg [dreg:$0x1];
	p0 =	sne.s32 s2, $0x0  }
0x63: {  	s3 =	rddreg [dreg:$0x2];
	[bflag:$0x3] =	sbarrier.arrive $0xFFFF;
	s2 =	simm.s32 @!p0 $0x1C01  }
0x64: {  	[timem:s3], [sflag:s2] =	dma.local @!p0 [hbm:s0], s1  }
0x65: {  	s0 =	simm.s32 @!p0 $0x1  }
0x66: {  	_ =	swait.ge @!p0 [sflag:s0], s1  }
0x67: {  	s1 =	ssub.s32 @!p0 $0x0, s1;
	[sflag:s0] =	ssyncset.done @!p0 $0x0  }
0x68: {  	[sflag:s0] =	ssyncadd.s32 @!p0 s1  }
0x69: {  	[bflag:$0x3] =	sbarrier.arrive $0xFFFF  }
0x6a: {  	_ =	shalt  }

</sc_bundles>
